<compile_context>
chip_gen: v7x
topology: tpu7x:2x2x1
jax: 0.10.2.dev20260603
libtpu: 0.0.44.dev20260713+nightly
codegen_flags: <defaults>
</compile_context>

<pallas_src>
import dataclasses
import functools

import jax
import jax.numpy as jnp
from jax import lax
from jax.experimental import pallas as pl
from jax.experimental.pallas import tpu as pltpu
from jax.experimental.pallas import tpu_sc as plsc

_B = 32
_Q = 300
_T = 40
_D = 512
_MP = 304
_NCH = _MP // 16
_RP = 48
_BPS = 8
_EOS = 0.1
_BIGF = 3e38
_PADC = 1e30



def _tc_body(out_ref, tgt_ref, emp_ref, cx_ref):
    on = out_ref[...].reshape(_BPS * _Q, _D)
    on = on * lax.rsqrt(
        jnp.maximum(jnp.sum(on * on, axis=-1, keepdims=True), 1e-24))
    tn = tgt_ref[...].reshape(_BPS * _T, _D)
    tn = tn * lax.rsqrt(
        jnp.maximum(jnp.sum(tn * tn, axis=-1, keepdims=True), 1e-24))
    emp = emp_ref[...]
    en = emp * lax.rsqrt(
        jnp.maximum(jnp.sum(emp * emp, axis=-1, keepdims=True), 1e-24))
    on = on.astype(jnp.bfloat16)
    tn = tn.astype(jnp.bfloat16)
    en = en.astype(jnp.bfloat16)

    priota = lax.broadcasted_iota(jnp.int32, (_RP, _MP - _Q), 0)
    padv = jnp.where(priota < _T, _PADC, 1.0)
    dn = (((1,), (1,)), ((), ()))

    for k in range(_BPS):
        onk = on[k * _Q:(k + 1) * _Q]
        f40 = lax.dot_general(tn[k * _T:(k + 1) * _T], onk, dn,
                              preferred_element_type=jnp.float32)
        fe = lax.dot_general(en, onk, dn,
                             preferred_element_type=jnp.float32)
        cx_ref[k, 0:_T, 0:_Q] = -f40
        cx_ref[k, _T:_T + 1, 0:_Q] = fe
        cx_ref[k, :, _Q:_MP] = padv


def _tc_cost(outputs, targets, empty_vec):
    return pl.pallas_call(
        _tc_body,
        grid=(_B // _BPS,),
        in_specs=[
            pl.BlockSpec((_BPS, _Q, _D), lambda b: (b, 0, 0)),
            pl.BlockSpec((_BPS, _T, _D), lambda b: (b, 0, 0)),
            pl.BlockSpec((1, _D), lambda b: (0, 0)),
        ],
        out_specs=pl.BlockSpec((_BPS, _RP, _MP), lambda b: (b, 0, 0)),
        out_shape=jax.ShapeDtypeStruct((_B, _RP, _MP), jnp.float32),
        compiler_params=pltpu.CompilerParams(
            dimension_semantics=("parallel",)),
    )(outputs, targets, empty_vec)



def _splat_i(x):
    return jnp.full((16,), x, jnp.int32)


def _gather1(ref, idxs):
    return jnp.min(plsc.load_gather(ref, [_splat_i(i) for i in idxs]))


def _sc_body(cx_hbm, out_hbm,
             c_v, v_v, dist_v, way_v, scan_v, stage_v,
             p_s, r2c_s, sem):
    wid = lax.axis_index("s") * 2 + lax.axis_index("c")
    pltpu.async_copy(cx_hbm.at[wid], c_v, sem).wait()

    lane = lax.iota(jnp.int32, 16)
    lane0 = lane == 0

    @pl.loop(0, _MP, step=8)
    def _(j):
        for jj in range(8):
            p_s[j + jj] = jnp.int32(-1)

    for ci in range(_NCH):
        v_v[pl.ds(ci * 16, 16)] = jnp.zeros((16,), jnp.float32)

    s0 = jnp.float32(0.0)
    for ci in range(_NCH):
        s0 = s0 + jnp.sum(1.0 - c_v[_T, pl.ds(ci * 16, 16)])

    def row_phase(i, dmin_prev):
        first = i == 0
        vmin = jnp.full((16,), _BIGF, jnp.float32)
        vidx = jnp.zeros((16,), jnp.int32)
        for ci in range(_NCH):
            base = ci * 16
            sl = pl.ds(base, 16)
            sc = scan_v[sl]
            vv = v_v[sl]
            vup = (sc != 0.0) & jnp.logical_not(
                jnp.broadcast_to(first, (16,)))
            vv = jnp.where(vup, vv + (dist_v[sl] - dmin_prev), vv)
            v_v[sl] = vv
            d = c_v[i, sl] - vv
            dist_v[sl] = d
            way_v[sl] = _splat_i(-2)
            scan_v[sl] = jnp.zeros((16,), jnp.float32)
            cmp = d < vmin
            vidx = jnp.where(cmp, lane + base, vidx)
            vmin = jnp.where(cmp, d, vmin)
        bv = jnp.min(vmin)
        bj = jnp.min(jnp.where(vmin == bv, vidx, jnp.int32(1 << 30)))

        def dcond(carry):
            jstar, _d = carry
            return p_s[jstar] != -1

        def dbody(carry):
            jstar, dmin = carry
            r = p_s[jstar]
            plsc.store_scatter(scan_v, [_splat_i(jstar)],
                               jnp.ones((16,), jnp.float32), mask=lane0)
            cjs = _gather1(c_v, (r, jstar))
            vjs = _gather1(v_v, (jstar,))
            shift = dmin - cjs + vjs

            vmin = jnp.full((16,), _BIGF, jnp.float32)
            vidx = jnp.zeros((16,), jnp.int32)
            for ci in range(_NCH):
                base = ci * 16
                sl = pl.ds(base, 16)
                cand = c_v[r, sl] - v_v[sl] + shift
                d = dist_v[sl]
                sc = scan_v[sl]
                upd = (cand < d) & (sc == 0.0)
                d2 = jnp.where(upd, cand, d)
                dist_v[sl] = d2
                way_v[sl] = jnp.where(upd, _splat_i(jstar), way_v[sl])
                avail = jnp.where(sc == 0.0, d2, _BIGF)
                cmp = avail < vmin
                vidx = jnp.where(cmp, lane + base, vidx)
                vmin = jnp.where(cmp, avail, vmin)
            bv2 = jnp.min(vmin)
            bj2 = jnp.min(jnp.where(vmin == bv2, vidx, jnp.int32(1 << 30)))
            return (bj2, bv2)

        jstar, dmin = lax.while_loop(dcond, dbody, (bj, bv))

        def bt_cond(j):
            return _gather1(way_v, (j,)) != -2

        def bt_body(j):
            jprev = _gather1(way_v, (j,))
            r = p_s[jprev]
            p_s[j] = r
            r2c_s[r] = j
            return jprev

        jroot = lax.while_loop(bt_cond, bt_body, jstar)
        p_s[jroot] = i
        r2c_s[i] = jroot
        return dmin

    lax.fori_loop(0, _T, row_phase, jnp.float32(0.0))

    def fin(rr, acc):
        j = r2c_s[rr]
        cval = _gather1(c_v, (rr, j))
        ce = _gather1(c_v, (_T, j))
        return acc + (1.0 + cval) - _EOS * (1.0 - ce)

    s_b = _EOS * s0 + lax.fori_loop(0, _T, fin, jnp.float32(0.0))
    stage_v[...] = jnp.full((16,), s_b, jnp.float32)
    pltpu.async_copy(stage_v, out_hbm.at[wid], sem).wait()


def _sc_solve(cx):
    mesh = plsc.VectorSubcoreMesh(core_axis_name="c", subcore_axis_name="s")
    cp = pltpu.CompilerParams()
    if "needs_layout_passes" in pltpu.CompilerParams.__dataclass_fields__:
        cp = dataclasses.replace(cp, needs_layout_passes=False)
    kern = functools.partial(
        pl.kernel,
        compiler_params=cp,
        out_type=jax.ShapeDtypeStruct((_B, 16), jnp.float32),
        mesh=mesh,
        scratch_types=[
            pltpu.VMEM((_RP, _MP), jnp.float32),
            pltpu.VMEM((_MP,), jnp.float32),
            pltpu.VMEM((_MP,), jnp.float32),
            pltpu.VMEM((_MP,), jnp.int32),
            pltpu.VMEM((_MP,), jnp.float32),
            pltpu.VMEM((16,), jnp.float32),
            pltpu.SMEM((_MP,), jnp.int32),
            pltpu.SMEM((_T + 8,), jnp.int32),
            pltpu.SemaphoreType.DMA,
        ],
    )(_sc_body)
    return kern(cx)



def kernel(outputs, targets, empty_vec):
    cx = _tc_cost(outputs, targets, empty_vec)
    s = _sc_solve(cx)
    return jnp.sum(s[:, 0]) / (_B * _Q)

# --- scband reference (transcript-rebuilt; emitter-appended) ---
"""Pipeline reference for scband-set-criterion-cos-63728724738120 (READ-ONLY COPY).

The authoritative reference and input builder live on the scoring server;
editing this copy changes nothing except your own understanding.
"""

import jax, jax.numpy as jnp
from jax import lax
import numpy as np

EOS_COEF = 0.1
DIM = 512


def linear_sum_assignment(cost):
    """Hungarian algorithm (Kuhn-Munkres with potentials), rectangular support."""
    cost = np.asarray(cost, dtype=np.float64)
    transposed = False
    if cost.shape[0] > cost.shape[1]:
        cost = cost.T
        transposed = True
    n, m = cost.shape
    u = np.zeros(n + 1)
    v = np.zeros(m + 1)
    p = np.zeros(m + 1, dtype=np.int64)
    way = np.zeros(m + 1, dtype=np.int64)
    for i in range(1, n + 1):
        p[0] = i
        j0 = 0
        minv = np.full(m + 1, np.inf)
        used = np.zeros(m + 1, dtype=bool)
        while True:
            used[j0] = True
            i0 = p[j0]
            cur = cost[i0 - 1, :] - u[i0] - v[1:]
            free = ~used[1:]
            upd = free & (cur < minv[1:])
            idx = np.where(upd)[0] + 1
            minv[idx] = cur[idx - 1]
            way[idx] = j0
            cand = np.where(free, minv[1:], np.inf)
            j1 = int(np.argmin(cand)) + 1
            delta = cand[j1 - 1]
            used_j = np.where(used)[0]
            u[p[used_j]] += delta
            v[used_j] -= delta
            free_j = np.where(~used)[0]
            minv[free_j] -= delta
            j0 = j1
            if p[j0] == 0:
                break
        while j0 != 0:
            j1 = way[j0]
            p[j0] = p[j1]
            j0 = j1
    rows, cols = [], []
    for j in range(1, m + 1):
        if p[j] != 0:
            rows.append(p[j] - 1)
            cols.append(j - 1)
    rows = np.asarray(rows, dtype=np.int64)
    cols = np.asarray(cols, dtype=np.int64)
    if transposed:
        rows, cols = cols, rows
    order = np.argsort(rows)
    return rows[order], cols[order]


def _hungarian(cost):
    """Traceable Kuhn-Munkres with potentials for a static-shape cost [n, m], n <= m."""
    n, m = cost.shape
    inf = jnp.asarray(np.inf, dtype=cost.dtype)

    def assign_row(i, state):
        u, v, p, way = state
        p = p.at[0].set(i)
        minv = jnp.full(m + 1, inf, dtype=cost.dtype)
        used = jnp.zeros(m + 1, dtype=bool)
        j0 = jnp.int32(0)

        def cond(c):
            u_, v_, p_, way_, minv_, used_, j0_ = c
            return p_[j0_] != 0

        def body(c):
            u_, v_, p_, way_, minv_, used_, j0_ = c
            used_ = used_.at[j0_].set(True)
            i0 = p_[j0_]
            cur = cost[i0 - 1, :] - u_[i0] - v_[1:]
            free = ~used_[1:]
            upd = free & (cur < minv_[1:])
            minv_ = minv_.at[1:].set(jnp.where(upd, cur, minv_[1:]))
            way_ = way_.at[1:].set(jnp.where(upd, j0_, way_[1:]))
            cand = jnp.where(free, minv_[1:], inf)
            j1 = jnp.argmin(cand).astype(jnp.int32) + 1
            delta = cand[j1 - 1]
            u_ = u_.at[p_].add(jnp.where(used_, delta, jnp.zeros((), dtype=cost.dtype)))
            v_ = jnp.where(used_, v_ - delta, v_)
            minv_ = jnp.where(used_, minv_, minv_ - delta)
            return (u_, v_, p_, way_, minv_, used_, j1)

        u, v, p, way, minv, used, j0 = lax.while_loop(
            cond, body, (u, v, p, way, minv, used, j0)
        )

        def back_cond(c):
            p_, j0_ = c
            return j0_ != 0

        def back_body(c):
            p_, j0_ = c
            j1 = way[j0_]
            p_ = p_.at[j0_].set(p_[j1])
            return (p_, j1)

        p, _ = lax.while_loop(back_cond, back_body, (p, j0))
        return (u, v, p, way)

    u0 = jnp.zeros(n + 1, dtype=cost.dtype)
    v0 = jnp.zeros(m + 1, dtype=cost.dtype)
    p0 = jnp.zeros(m + 1, dtype=jnp.int32)
    way0 = jnp.zeros(m + 1, dtype=jnp.int32)
    u, v, p, way = lax.fori_loop(1, n + 1, assign_row, (u0, v0, p0, way0))

    mask = p[1:] != 0
    order = jnp.argsort(jnp.where(mask, 0, 1), stable=True)
    cols = order[:n].astype(jnp.int32)
    rows = p[cols + 1] - 1
    return rows, cols


def _match(outputs, targets):
    """HungarianMatcherCOS: per-sample cosine-similarity cost + Hungarian assignment."""
    B, Q, _ = outputs.shape
    T = targets.shape[1]

    def one(out_b, tgt_b):
        on = out_b / jnp.maximum(jnp.linalg.norm(out_b, axis=-1, keepdims=True), 1e-12)
        tn = tgt_b / jnp.maximum(jnp.linalg.norm(tgt_b, axis=-1, keepdims=True), 1e-12)
        cost = -jnp.matmul(on, tn.T, precision=lax.Precision.HIGHEST)  # [Q, T]
        if Q > T:
            rows_t, cols_t = _hungarian(cost.T)
            rows, cols = cols_t, rows_t
        else:
            rows, cols = _hungarian(cost)
        order = jnp.argsort(rows, stable=True)
        return rows[order], cols[order]

    return jax.vmap(one)(outputs, targets)


def setup_inputs(seed: int = 0) -> dict:
    key = jax.random.key(seed)
    k1, k2, k3 = jax.random.split(key, 3)
    outputs = jax.random.normal(k1, (32, 300, DIM), dtype=jnp.float32)
    targets = jax.random.normal(k2, (32, 40, DIM), dtype=jnp.float32)
    empty_vec = jax.random.normal(k3, (1, DIM), dtype=jnp.float32)
    return {"outputs": outputs, "targets": targets, "empty_vec": empty_vec}


def reference(outputs, targets, empty_vec):
    src_all, tgt_all = _match(outputs, targets)
    B, Q, _ = outputs.shape
    nm = src_all.shape[1]
    batch_idx = jnp.repeat(jnp.arange(B, dtype=jnp.int32), nm)
    src_idx = src_all.reshape(-1)
    target_vec_o = targets[jnp.arange(B)[:, None], tgt_all].reshape(B * nm, DIM)
    target_vec = jnp.broadcast_to(empty_vec, (B, Q, DIM))
    target_vec = target_vec.at[batch_idx, src_idx].set(target_vec_o)
    on = outputs / jnp.maximum(jnp.linalg.norm(outputs, axis=-1, keepdims=True), 1e-12)
    tn = target_vec / jnp.maximum(jnp.linalg.norm(target_vec, axis=-1, keepdims=True), 1e-12)
    loss = 1.0 - jnp.sum(on * tn, axis=-1)
    eos_mask = jnp.full(loss.shape, EOS_COEF, dtype=loss.dtype)
    eos_mask = eos_mask.at[batch_idx, src_idx].set(1.0)
    return jnp.mean(loss * eos_mask)

if __name__ == "__main__":
    import jax
    _d = setup_inputs()
    print(jax.jit(kernel)(*tuple(_d.values())))

</pallas_src>

<mosaic_0001>
#map = affine_map<(d0, d1) -> (0, 0, 0)>
#map1 = affine_map<(d0, d1) -> (0, 0)>
module attributes {stable_mosaic.version = 14 : i64} {
  func.func @_sc_body(%arg0: i32, %arg1: i32, %arg2: memref<32x48x304xf32, #tpu.memory_space<hbm>>, %arg3: memref<32x16xf32, #tpu.memory_space<hbm>>, %arg4: memref<48x304xf32, #tpu.memory_space<vmem>>, %arg5: memref<304xf32, #tpu.memory_space<vmem>>, %arg6: memref<304xf32, #tpu.memory_space<vmem>>, %arg7: memref<304xi32, #tpu.memory_space<vmem>>, %arg8: memref<304xf32, #tpu.memory_space<vmem>>, %arg9: memref<16xf32, #tpu.memory_space<vmem>>, %arg10: memref<304xi32, #tpu.memory_space<smem>>, %arg11: memref<48xi32, #tpu.memory_space<smem>>, %arg12: memref<!tpu.dma_semaphore, #tpu.memory_space<semaphore_mem>>) attributes {dimension_semantics = [#tpu.dimension_semantics<core_parallel>, #tpu.dimension_semantics<subcore_parallel>], iteration_bounds = array<i64: 2, 16>, scalar_prefetch = 0 : i64, scratch_operands = 9 : i64, tpu.core_type = #tpu.core_type<sc_vector_subcore>, window_params = [{transform_indices = #map}, {transform_indices = #map1}]} {
    %mul3A = arith.constant 2 : i32
    %mul3A_0 = arith.muli %arg1, %mul3A : i32
    %add3A = arith.addi %mul3A_0, %arg0 : i32
    %dma_start3A = arith.constant 0 : i32
    %dma_start3A_1 = arith.constant 0 : i32
    %dma_start3A_2 = tpu.memref_slice %arg2[%add3A, %dma_start3A, %dma_start3A_1] : memref<32x48x304xf32, #tpu.memory_space<hbm>> -> memref<1x48x304xf32, #tpu.memory_space<hbm>>
    %dma_start3A_3 = tpu.memref_squeeze %dma_start3A_2 : memref<1x48x304xf32, #tpu.memory_space<hbm>> -> memref<48x304xf32, #tpu.memory_space<hbm>>
    %dma_start3A_4 = arith.constant 0 : i32
    %dma_start3A_5 = arith.constant 0 : i32
    %dma_start3A_6 = tpu.memref_slice %arg2[%add3A, %dma_start3A_4, %dma_start3A_5] : memref<32x48x304xf32, #tpu.memory_space<hbm>> -> memref<1x48x304xf32, #tpu.memory_space<hbm>>
    %dma_start3A_7 = tpu.memref_squeeze %dma_start3A_6 : memref<1x48x304xf32, #tpu.memory_space<hbm>> -> memref<48x304xf32, #tpu.memory_space<hbm>>
    tpu.enqueue_dma source(%dma_start3A_7 : memref<48x304xf32, #tpu.memory_space<hbm>>) target(%arg4 : memref<48x304xf32, #tpu.memory_space<vmem>>) target_semaphore(%arg12 : memref<!tpu.dma_semaphore, #tpu.memory_space<semaphore_mem>>)
    %dma_wait3A = arith.constant 0 : i32
    %dma_wait3A_8 = arith.constant 0 : i32
    %dma_wait3A_9 = tpu.memref_slice %arg2[%add3A, %dma_wait3A, %dma_wait3A_8] : memref<32x48x304xf32, #tpu.memory_space<hbm>> -> memref<1x48x304xf32, #tpu.memory_space<hbm>>
    %dma_wait3A_10 = tpu.memref_squeeze %dma_wait3A_9 : memref<1x48x304xf32, #tpu.memory_space<hbm>> -> memref<48x304xf32, #tpu.memory_space<hbm>>
    %dma_wait3A_11 = arith.constant 0 : i32
    %dma_wait3A_12 = arith.constant 0 : i32
    %dma_wait3A_13 = tpu.memref_slice %arg2[%add3A, %dma_wait3A_11, %dma_wait3A_12] : memref<32x48x304xf32, #tpu.memory_space<hbm>> -> memref<1x48x304xf32, #tpu.memory_space<hbm>>
    %dma_wait3A_14 = tpu.memref_squeeze %dma_wait3A_13 : memref<1x48x304xf32, #tpu.memory_space<hbm>> -> memref<48x304xf32, #tpu.memory_space<hbm>>
    tpu.wait_dma2 semaphore(%arg12 : memref<!tpu.dma_semaphore, #tpu.memory_space<semaphore_mem>>) src(%dma_wait3A_14 : memref<48x304xf32, #tpu.memory_space<hbm>>) dst(%arg4 : memref<48x304xf32, #tpu.memory_space<vmem>>)
    %iota3A = tpu.iota {dimensions = array<i32: 0>} : vector<16xi32>
    %eq3A = arith.constant 0 : i32
    %eq3A_15 = vector.broadcast %eq3A : i32 to vector<16xi32>
    %eq3A_16 = arith.cmpi eq, %iota3A, %eq3A_15 : vector<16xi32>
    %scan3A = arith.constant 0 : i32
    %scan3A_17 = arith.constant 38 : i32
    %scan3A_18 = arith.addi %scan3A, %scan3A_17 : i32
    %scan3A_19 = arith.constant 1 : i32
    scf.for %scan3A_353 = %scan3A to %scan3A_18 step %scan3A_19  : i32 {
      %mul3A_354 = arith.constant 8 : i32
      %mul3A_355 = arith.muli %scan3A_353, %mul3A_354 : i32
      %add3A_356 = arith.constant 0 : i32
      %add3A_357 = arith.addi %add3A_356, %mul3A_355 : i32
      %add3A_358 = arith.constant 0 : i32
      %add3A_359 = arith.addi %add3A_357, %add3A_358 : i32
      %swap3A_360 = arith.constant -1 : i32
      %swap3A_361 = arith.index_cast %add3A_359 : i32 to index
      %swap3A_362 = memref.load %arg10[%swap3A_361] : memref<304xi32, #tpu.memory_space<smem>>
      memref.store %swap3A_360, %arg10[%swap3A_361] : memref<304xi32, #tpu.memory_space<smem>>
      %add3A_363 = arith.constant 1 : i32
      %add3A_364 = arith.addi %add3A_357, %add3A_363 : i32
      %swap3A_365 = arith.constant -1 : i32
      %swap3A_366 = arith.index_cast %add3A_364 : i32 to index
      %swap3A_367 = memref.load %arg10[%swap3A_366] : memref<304xi32, #tpu.memory_space<smem>>
      memref.store %swap3A_365, %arg10[%swap3A_366] : memref<304xi32, #tpu.memory_space<smem>>
      %add3A_368 = arith.constant 2 : i32
      %add3A_369 = arith.addi %add3A_357, %add3A_368 : i32
      %swap3A_370 = arith.constant -1 : i32
      %swap3A_371 = arith.index_cast %add3A_369 : i32 to index
      %swap3A_372 = memref.load %arg10[%swap3A_371] : memref<304xi32, #tpu.memory_space<smem>>
      memref.store %swap3A_370, %arg10[%swap3A_371] : memref<304xi32, #tpu.memory_space<smem>>
      %add3A_373 = arith.constant 3 : i32
      %add3A_374 = arith.addi %add3A_357, %add3A_373 : i32
      %swap3A_375 = arith.constant -1 : i32
      %swap3A_376 = arith.index_cast %add3A_374 : i32 to index
      %swap3A_377 = memref.load %arg10[%swap3A_376] : memref<304xi32, #tpu.memory_space<smem>>
      memref.store %swap3A_375, %arg10[%swap3A_376] : memref<304xi32, #tpu.memory_space<smem>>
      %add3A_378 = arith.constant 4 : i32
      %add3A_379 = arith.addi %add3A_357, %add3A_378 : i32
      %swap3A_380 = arith.constant -1 : i32
      %swap3A_381 = arith.index_cast %add3A_379 : i32 to index
      %swap3A_382 = memref.load %arg10[%swap3A_381] : memref<304xi32, #tpu.memory_space<smem>>
      memref.store %swap3A_380, %arg10[%swap3A_381] : memref<304xi32, #tpu.memory_space<smem>>
      %add3A_383 = arith.constant 5 : i32
      %add3A_384 = arith.addi %add3A_357, %add3A_383 : i32
      %swap3A_385 = arith.constant -1 : i32
      %swap3A_386 = arith.index_cast %add3A_384 : i32 to index
      %swap3A_387 = memref.load %arg10[%swap3A_386] : memref<304xi32, #tpu.memory_space<smem>>
      memref.store %swap3A_385, %arg10[%swap3A_386] : memref<304xi32, #tpu.memory_space<smem>>
      %add3A_388 = arith.constant 6 : i32
      %add3A_389 = arith.addi %add3A_357, %add3A_388 : i32
      %swap3A_390 = arith.constant -1 : i32
      %swap3A_391 = arith.index_cast %add3A_389 : i32 to index
      %swap3A_392 = memref.load %arg10[%swap3A_391] : memref<304xi32, #tpu.memory_space<smem>>
      memref.store %swap3A_390, %arg10[%swap3A_391] : memref<304xi32, #tpu.memory_space<smem>>
      %add3A_393 = arith.constant 7 : i32
      %add3A_394 = arith.addi %add3A_357, %add3A_393 : i32
      %swap3A_395 = arith.constant -1 : i32
      %swap3A_396 = arith.index_cast %add3A_394 : i32 to index
      %swap3A_397 = memref.load %arg10[%swap3A_396] : memref<304xi32, #tpu.memory_space<smem>>
      memref.store %swap3A_395, %arg10[%swap3A_396] : memref<304xi32, #tpu.memory_space<smem>>
    }
    %scan3A_20 = arith.constant 38 : i32
    %broadcast_in_dim3A = arith.constant 0.000000e+00 : f32
    %broadcast_in_dim3A_21 = vector.broadcast %broadcast_in_dim3A : f32 to vector<16xf32>
    %swap3A = arith.constant 0 : index
    %swap3A_22 = tpu.vector_load %arg5[%swap3A] {strides = array<i32>} : memref<304xf32, #tpu.memory_space<vmem>>, vector<16xf32>,
    tpu.vector_store %arg5[%swap3A], %broadcast_in_dim3A_21 {strides = array<i32>} : memref<304xf32, #tpu.memory_space<vmem>>, vector<16xf32>,
    %broadcast_in_dim3A_23 = arith.constant 0.000000e+00 : f32
    %broadcast_in_dim3A_24 = vector.broadcast %broadcast_in_dim3A_23 : f32 to vector<16xf32>
    %swap3A_25 = arith.constant 16 : index
    %swap3A_26 = tpu.vector_load %arg5[%swap3A_25] {strides = array<i32>} : memref<304xf32, #tpu.memory_space<vmem>>, vector<16xf32>,
    tpu.vector_store %arg5[%swap3A_25], %broadcast_in_dim3A_24 {strides = array<i32>} : memref<304xf32, #tpu.memory_space<vmem>>, vector<16xf32>,
    %broadcast_in_dim3A_27 = arith.constant 0.000000e+00 : f32
    %broadcast_in_dim3A_28 = vector.broadcast %broadcast_in_dim3A_27 : f32 to vector<16xf32>
    %swap3A_29 = arith.constant 32 : index
    %swap3A_30 = tpu.vector_load %arg5[%swap3A_29] {strides = array<i32>} : memref<304xf32, #tpu.memory_space<vmem>>, vector<16xf32>,
    tpu.vector_store %arg5[%swap3A_29], %broadcast_in_dim3A_28 {strides = array<i32>} : memref<304xf32, #tpu.memory_space<vmem>>, vector<16xf32>,
    %broadcast_in_dim3A_31 = arith.constant 0.000000e+00 : f32
    %broadcast_in_dim3A_32 = vector.broadcast %broadcast_in_dim3A_31 : f32 to vector<16xf32>
    %swap3A_33 = arith.constant 48 : index
    %swap3A_34 = tpu.vector_load %arg5[%swap3A_33] {strides = array<i32>} : memref<304xf32, #tpu.memory_space<vmem>>, vector<16xf32>,
    tpu.vector_store %arg5[%swap3A_33], %broadcast_in_dim3A_32 {strides = array<i32>} : memref<304xf32, #tpu.memory_space<vmem>>, vector<16xf32>,
    %broadcast_in_dim3A_35 = arith.constant 0.000000e+00 : f32
    %broadcast_in_dim3A_36 = vector.broadcast %broadcast_in_dim3A_35 : f32 to vector<16xf32>
    %swap3A_37 = arith.constant 64 : index
    %swap3A_38 = tpu.vector_load %arg5[%swap3A_37] {strides = array<i32>} : memref<304xf32, #tpu.memory_space<vmem>>, vector<16xf32>,
    tpu.vector_store %arg5[%swap3A_37], %broadcast_in_dim3A_36 {strides = array<i32>} : memref<304xf32, #tpu.memory_space<vmem>>, vector<16xf32>,
    %broadcast_in_dim3A_39 = arith.constant 0.000000e+00 : f32
    %broadcast_in_dim3A_40 = vector.broadcast %broadcast_in_dim3A_39 : f32 to vector<16xf32>
    %swap3A_41 = arith.constant 80 : index
    %swap3A_42 = tpu.vector_load %arg5[%swap3A_41] {strides = array<i32>} : memref<304xf32, #tpu.memory_space<vmem>>, vector<16xf32>,
    tpu.vector_store %arg5[%swap3A_41], %broadcast_in_dim3A_40 {strides = array<i32>} : memref<304xf32, #tpu.memory_space<vmem>>, vector<16xf32>,
    %broadcast_in_dim3A_43 = arith.constant 0.000000e+00 : f32
    %broadcast_in_dim3A_44 = vector.broadcast %broadcast_in_dim3A_43 : f32 to vector<16xf32>
    %swap3A_45 = arith.constant 96 : index
    %swap3A_46 = tpu.vector_load %arg5[%swap3A_45] {strides = array<i32>} : memref<304xf32, #tpu.memory_space<vmem>>, vector<16xf32>,
    tpu.vector_store %arg5[%swap3A_45], %broadcast_in_dim3A_44 {strides = array<i32>} : memref<304xf32, #tpu.memory_space<vmem>>, vector<16xf32>,
    %broadcast_in_dim3A_47 = arith.constant 0.000000e+00 : f32
    %broadcast_in_dim3A_48 = vector.broadcast %broadcast_in_dim3A_47 : f32 to vector<16xf32>
    %swap3A_49 = arith.constant 112 : index
    %swap3A_50 = tpu.vector_load %arg5[%swap3A_49] {strides = array<i32>} : memref<304xf32, #tpu.memory_space<vmem>>, vector<16xf32>,
    tpu.vector_store %arg5[%swap3A_49], %broadcast_in_dim3A_48 {strides = array<i32>} : memref<304xf32, #tpu.memory_space<vmem>>, vector<16xf32>,
    %broadcast_in_dim3A_51 = arith.constant 0.000000e+00 : f32
    %broadcast_in_dim3A_52 = vector.broadcast %broadcast_in_dim3A_51 : f32 to vector<16xf32>
    %swap3A_53 = arith.constant 128 : index
    %swap3A_54 = tpu.vector_load %arg5[%swap3A_53] {strides = array<i32>} : memref<304xf32, #tpu.memory_space<vmem>>, vector<16xf32>,
    tpu.vector_store %arg5[%swap3A_53], %broadcast_in_dim3A_52 {strides = array<i32>} : memref<304xf32, #tpu.memory_space<vmem>>, vector<16xf32>,
    %broadcast_in_dim3A_55 = arith.constant 0.000000e+00 : f32
    %broadcast_in_dim3A_56 = vector.broadcast %broadcast_in_dim3A_55 : f32 to vector<16xf32>
    %swap3A_57 = arith.constant 144 : index
    %swap3A_58 = tpu.vector_load %arg5[%swap3A_57] {strides = array<i32>} : memref<304xf32, #tpu.memory_space<vmem>>, vector<16xf32>,
    tpu.vector_store %arg5[%swap3A_57], %broadcast_in_dim3A_56 {strides = array<i32>} : memref<304xf32, #tpu.memory_space<vmem>>, vector<16xf32>,
    %broadcast_in_dim3A_59 = arith.constant 0.000000e+00 : f32
    %broadcast_in_dim3A_60 = vector.broadcast %broadcast_in_dim3A_59 : f32 to vector<16xf32>
    %swap3A_61 = arith.constant 160 : index
    %swap3A_62 = tpu.vector_load %arg5[%swap3A_61] {strides = array<i32>} : memref<304xf32, #tpu.memory_space<vmem>>, vector<16xf32>,
    tpu.vector_store %arg5[%swap3A_61], %broadcast_in_dim3A_60 {strides = array<i32>} : memref<304xf32, #tpu.memory_space<vmem>>, vector<16xf32>,
    %broadcast_in_dim3A_63 = arith.constant 0.000000e+00 : f32
    %broadcast_in_dim3A_64 = vector.broadcast %broadcast_in_dim3A_63 : f32 to vector<16xf32>
    %swap3A_65 = arith.constant 176 : index
    %swap3A_66 = tpu.vector_load %arg5[%swap3A_65] {strides = array<i32>} : memref<304xf32, #tpu.memory_space<vmem>>, vector<16xf32>,
    tpu.vector_store %arg5[%swap3A_65], %broadcast_in_dim3A_64 {strides = array<i32>} : memref<304xf32, #tpu.memory_space<vmem>>, vector<16xf32>,
    %broadcast_in_dim3A_67 = arith.constant 0.000000e+00 : f32
    %broadcast_in_dim3A_68 = vector.broadcast %broadcast_in_dim3A_67 : f32 to vector<16xf32>
    %swap3A_69 = arith.constant 192 : index
    %swap3A_70 = tpu.vector_load %arg5[%swap3A_69] {strides = array<i32>} : memref<304xf32, #tpu.memory_space<vmem>>, vector<16xf32>,
    tpu.vector_store %arg5[%swap3A_69], %broadcast_in_dim3A_68 {strides = array<i32>} : memref<304xf32, #tpu.memory_space<vmem>>, vector<16xf32>,
    %broadcast_in_dim3A_71 = arith.constant 0.000000e+00 : f32
    %broadcast_in_dim3A_72 = vector.broadcast %broadcast_in_dim3A_71 : f32 to vector<16xf32>
    %swap3A_73 = arith.constant 208 : index
    %swap3A_74 = tpu.vector_load %arg5[%swap3A_73] {strides = array<i32>} : memref<304xf32, #tpu.memory_space<vmem>>, vector<16xf32>,
    tpu.vector_store %arg5[%swap3A_73], %broadcast_in_dim3A_72 {strides = array<i32>} : memref<304xf32, #tpu.memory_space<vmem>>, vector<16xf32>,
    %broadcast_in_dim3A_75 = arith.constant 0.000000e+00 : f32
    %broadcast_in_dim3A_76 = vector.broadcast %broadcast_in_dim3A_75 : f32 to vector<16xf32>
    %swap3A_77 = arith.constant 224 : index
    %swap3A_78 = tpu.vector_load %arg5[%swap3A_77] {strides = array<i32>} : memref<304xf32, #tpu.memory_space<vmem>>, vector<16xf32>,
    tpu.vector_store %arg5[%swap3A_77], %broadcast_in_dim3A_76 {strides = array<i32>} : memref<304xf32, #tpu.memory_space<vmem>>, vector<16xf32>,
    %broadcast_in_dim3A_79 = arith.constant 0.000000e+00 : f32
    %broadcast_in_dim3A_80 = vector.broadcast %broadcast_in_dim3A_79 : f32 to vector<16xf32>
    %swap3A_81 = arith.constant 240 : index
    %swap3A_82 = tpu.vector_load %arg5[%swap3A_81] {strides = array<i32>} : memref<304xf32, #tpu.memory_space<vmem>>, vector<16xf32>,
    tpu.vector_store %arg5[%swap3A_81], %broadcast_in_dim3A_80 {strides = array<i32>} : memref<304xf32, #tpu.memory_space<vmem>>, vector<16xf32>,
    %broadcast_in_dim3A_83 = arith.constant 0.000000e+00 : f32
    %broadcast_in_dim3A_84 = vector.broadcast %broadcast_in_dim3A_83 : f32 to vector<16xf32>
    %swap3A_85 = arith.constant 256 : index
    %swap3A_86 = tpu.vector_load %arg5[%swap3A_85] {strides = array<i32>} : memref<304xf32, #tpu.memory_space<vmem>>, vector<16xf32>,
    tpu.vector_store %arg5[%swap3A_85], %broadcast_in_dim3A_84 {strides = array<i32>} : memref<304xf32, #tpu.memory_space<vmem>>, vector<16xf32>,
    %broadcast_in_dim3A_87 = arith.constant 0.000000e+00 : f32
    %broadcast_in_dim3A_88 = vector.broadcast %broadcast_in_dim3A_87 : f32 to vector<16xf32>
    %swap3A_89 = arith.constant 272 : index
    %swap3A_90 = tpu.vector_load %arg5[%swap3A_89] {strides = array<i32>} : memref<304xf32, #tpu.memory_space<vmem>>, vector<16xf32>,
    tpu.vector_store %arg5[%swap3A_89], %broadcast_in_dim3A_88 {strides = array<i32>} : memref<304xf32, #tpu.memory_space<vmem>>, vector<16xf32>,
    %broadcast_in_dim3A_91 = arith.constant 0.000000e+00 : f32
    %broadcast_in_dim3A_92 = vector.broadcast %broadcast_in_dim3A_91 : f32 to vector<16xf32>
    %swap3A_93 = arith.constant 288 : index
    %swap3A_94 = tpu.vector_load %arg5[%swap3A_93] {strides = array<i32>} : memref<304xf32, #tpu.memory_space<vmem>>, vector<16xf32>,
    tpu.vector_store %arg5[%swap3A_93], %broadcast_in_dim3A_92 {strides = array<i32>} : memref<304xf32, #tpu.memory_space<vmem>>, vector<16xf32>,
    %get3A = arith.constant 40 : i32
    %get3A_95 = arith.index_cast %get3A : i32 to index
    %get3A_96 = arith.constant 0 : index
    %get3A_97 = tpu.vector_load %arg4[%get3A_95, %get3A_96] {strides = array<i32>} : memref<48x304xf32, #tpu.memory_space<vmem>>, vector<16xf32>,
    %sub3A = arith.constant 1.000000e+00 : f32
    %sub3A_98 = vector.broadcast %sub3A : f32 to vector<16xf32>
    %sub3A_99 = arith.subf %sub3A_98, %get3A_97 : vector<16xf32>
    %reduce_sum3A = arith.constant true
    %reduce_sum3A_100 = vector.broadcast %reduce_sum3A : i1 to vector<16xi1>
    %reduce_sum3A_101 = tpu.scan <sum>, %sub3A_99 masked %reduce_sum3A_100 : vector<16xf32>, vector<16xi1> -> vector<16xf32>
    %reduce_sum3A_102 = vector.extract %reduce_sum3A_101[15] : f32 from vector<16xf32>
    %add3A_103 = arith.constant 0.000000e+00 : f32
    %add3A_104 = arith.addf %add3A_103, %reduce_sum3A_102 : f32
    %get3A_105 = arith.constant 40 : i32
    %get3A_106 = arith.index_cast %get3A_105 : i32 to index
    %get3A_107 = arith.constant 16 : index
    %get3A_108 = tpu.vector_load %arg4[%get3A_106, %get3A_107] {strides = array<i32>} : memref<48x304xf32, #tpu.memory_space<vmem>>, vector<16xf32>,
    %sub3A_109 = arith.constant 1.000000e+00 : f32
    %sub3A_110 = vector.broadcast %sub3A_109 : f32 to vector<16xf32>
    %sub3A_111 = arith.subf %sub3A_110, %get3A_108 : vector<16xf32>
    %reduce_sum3A_112 = arith.constant true
    %reduce_sum3A_113 = vector.broadcast %reduce_sum3A_112 : i1 to vector<16xi1>
    %reduce_sum3A_114 = tpu.scan <sum>, %sub3A_111 masked %reduce_sum3A_113 : vector<16xf32>, vector<16xi1> -> vector<16xf32>
    %reduce_sum3A_115 = vector.extract %reduce_sum3A_114[15] : f32 from vector<16xf32>
    %add3A_116 = arith.addf %add3A_104, %reduce_sum3A_115 : f32
    %get3A_117 = arith.constant 40 : i32
    %get3A_118 = arith.index_cast %get3A_117 : i32 to index
    %get3A_119 = arith.constant 32 : index
    %get3A_120 = tpu.vector_load %arg4[%get3A_118, %get3A_119] {strides = array<i32>} : memref<48x304xf32, #tpu.memory_space<vmem>>, vector<16xf32>,
    %sub3A_121 = arith.constant 1.000000e+00 : f32
    %sub3A_122 = vector.broadcast %sub3A_121 : f32 to vector<16xf32>
    %sub3A_123 = arith.subf %sub3A_122, %get3A_120 : vector<16xf32>
    %reduce_sum3A_124 = arith.constant true
    %reduce_sum3A_125 = vector.broadcast %reduce_sum3A_124 : i1 to vector<16xi1>
    %reduce_sum3A_126 = tpu.scan <sum>, %sub3A_123 masked %reduce_sum3A_125 : vector<16xf32>, vector<16xi1> -> vector<16xf32>
    %reduce_sum3A_127 = vector.extract %reduce_sum3A_126[15] : f32 from vector<16xf32>
    %add3A_128 = arith.addf %add3A_116, %reduce_sum3A_127 : f32
    %get3A_129 = arith.constant 40 : i32
    %get3A_130 = arith.index_cast %get3A_129 : i32 to index
    %get3A_131 = arith.constant 48 : index
    %get3A_132 = tpu.vector_load %arg4[%get3A_130, %get3A_131] {strides = array<i32>} : memref<48x304xf32, #tpu.memory_space<vmem>>, vector<16xf32>,
    %sub3A_133 = arith.constant 1.000000e+00 : f32
    %sub3A_134 = vector.broadcast %sub3A_133 : f32 to vector<16xf32>
    %sub3A_135 = arith.subf %sub3A_134, %get3A_132 : vector<16xf32>
    %reduce_sum3A_136 = arith.constant true
    %reduce_sum3A_137 = vector.broadcast %reduce_sum3A_136 : i1 to vector<16xi1>
    %reduce_sum3A_138 = tpu.scan <sum>, %sub3A_135 masked %reduce_sum3A_137 : vector<16xf32>, vector<16xi1> -> vector<16xf32>
    %reduce_sum3A_139 = vector.extract %reduce_sum3A_138[15] : f32 from vector<16xf32>
    %add3A_140 = arith.addf %add3A_128, %reduce_sum3A_139 : f32
    %get3A_141 = arith.constant 40 : i32
    %get3A_142 = arith.index_cast %get3A_141 : i32 to index
    %get3A_143 = arith.constant 64 : index
    %get3A_144 = tpu.vector_load %arg4[%get3A_142, %get3A_143] {strides = array<i32>} : memref<48x304xf32, #tpu.memory_space<vmem>>, vector<16xf32>,
    %sub3A_145 = arith.constant 1.000000e+00 : f32
    %sub3A_146 = vector.broadcast %sub3A_145 : f32 to vector<16xf32>
    %sub3A_147 = arith.subf %sub3A_146, %get3A_144 : vector<16xf32>
    %reduce_sum3A_148 = arith.constant true
    %reduce_sum3A_149 = vector.broadcast %reduce_sum3A_148 : i1 to vector<16xi1>
    %reduce_sum3A_150 = tpu.scan <sum>, %sub3A_147 masked %reduce_sum3A_149 : vector<16xf32>, vector<16xi1> -> vector<16xf32>
    %reduce_sum3A_151 = vector.extract %reduce_sum3A_150[15] : f32 from vector<16xf32>
    %add3A_152 = arith.addf %add3A_140, %reduce_sum3A_151 : f32
    %get3A_153 = arith.constant 40 : i32
    %get3A_154 = arith.index_cast %get3A_153 : i32 to index
    %get3A_155 = arith.constant 80 : index
    %get3A_156 = tpu.vector_load %arg4[%get3A_154, %get3A_155] {strides = array<i32>} : memref<48x304xf32, #tpu.memory_space<vmem>>, vector<16xf32>,
    %sub3A_157 = arith.constant 1.000000e+00 : f32
    %sub3A_158 = vector.broadcast %sub3A_157 : f32 to vector<16xf32>
    %sub3A_159 = arith.subf %sub3A_158, %get3A_156 : vector<16xf32>
    %reduce_sum3A_160 = arith.constant true
    %reduce_sum3A_161 = vector.broadcast %reduce_sum3A_160 : i1 to vector<16xi1>
    %reduce_sum3A_162 = tpu.scan <sum>, %sub3A_159 masked %reduce_sum3A_161 : vector<16xf32>, vector<16xi1> -> vector<16xf32>
    %reduce_sum3A_163 = vector.extract %reduce_sum3A_162[15] : f32 from vector<16xf32>
    %add3A_164 = arith.addf %add3A_152, %reduce_sum3A_163 : f32
    %get3A_165 = arith.constant 40 : i32
    %get3A_166 = arith.index_cast %get3A_165 : i32 to index
    %get3A_167 = arith.constant 96 : index
    %get3A_168 = tpu.vector_load %arg4[%get3A_166, %get3A_167] {strides = array<i32>} : memref<48x304xf32, #tpu.memory_space<vmem>>, vector<16xf32>,
    %sub3A_169 = arith.constant 1.000000e+00 : f32
    %sub3A_170 = vector.broadcast %sub3A_169 : f32 to vector<16xf32>
    %sub3A_171 = arith.subf %sub3A_170, %get3A_168 : vector<16xf32>
    %reduce_sum3A_172 = arith.constant true
    %reduce_sum3A_173 = vector.broadcast %reduce_sum3A_172 : i1 to vector<16xi1>
    %reduce_sum3A_174 = tpu.scan <sum>, %sub3A_171 masked %reduce_sum3A_173 : vector<16xf32>, vector<16xi1> -> vector<16xf32>
    %reduce_sum3A_175 = vector.extract %reduce_sum3A_174[15] : f32 from vector<16xf32>
    %add3A_176 = arith.addf %add3A_164, %reduce_sum3A_175 : f32
    %get3A_177 = arith.constant 40 : i32
    %get3A_178 = arith.index_cast %get3A_177 : i32 to index
    %get3A_179 = arith.constant 112 : index
    %get3A_180 = tpu.vector_load %arg4[%get3A_178, %get3A_179] {strides = array<i32>} : memref<48x304xf32, #tpu.memory_space<vmem>>, vector<16xf32>,
    %sub3A_181 = arith.constant 1.000000e+00 : f32
    %sub3A_182 = vector.broadcast %sub3A_181 : f32 to vector<16xf32>
    %sub3A_183 = arith.subf %sub3A_182, %get3A_180 : vector<16xf32>
    %reduce_sum3A_184 = arith.constant true
    %reduce_sum3A_185 = vector.broadcast %reduce_sum3A_184 : i1 to vector<16xi1>
    %reduce_sum3A_186 = tpu.scan <sum>, %sub3A_183 masked %reduce_sum3A_185 : vector<16xf32>, vector<16xi1> -> vector<16xf32>
    %reduce_sum3A_187 = vector.extract %reduce_sum3A_186[15] : f32 from vector<16xf32>
    %add3A_188 = arith.addf %add3A_176, %reduce_sum3A_187 : f32
    %get3A_189 = arith.constant 40 : i32
    %get3A_190 = arith.index_cast %get3A_189 : i32 to index
    %get3A_191 = arith.constant 128 : index
    %get3A_192 = tpu.vector_load %arg4[%get3A_190, %get3A_191] {strides = array<i32>} : memref<48x304xf32, #tpu.memory_space<vmem>>, vector<16xf32>,
    %sub3A_193 = arith.constant 1.000000e+00 : f32
    %sub3A_194 = vector.broadcast %sub3A_193 : f32 to vector<16xf32>
    %sub3A_195 = arith.subf %sub3A_194, %get3A_192 : vector<16xf32>
    %reduce_sum3A_196 = arith.constant true
    %reduce_sum3A_197 = vector.broadcast %reduce_sum3A_196 : i1 to vector<16xi1>
    %reduce_sum3A_198 = tpu.scan <sum>, %sub3A_195 masked %reduce_sum3A_197 : vector<16xf32>, vector<16xi1> -> vector<16xf32>
    %reduce_sum3A_199 = vector.extract %reduce_sum3A_198[15] : f32 from vector<16xf32>
    %add3A_200 = arith.addf %add3A_188, %reduce_sum3A_199 : f32
    %get3A_201 = arith.constant 40 : i32
    %get3A_202 = arith.index_cast %get3A_201 : i32 to index
    %get3A_203 = arith.constant 144 : index
    %get3A_204 = tpu.vector_load %arg4[%get3A_202, %get3A_203] {strides = array<i32>} : memref<48x304xf32, #tpu.memory_space<vmem>>, vector<16xf32>,
    %sub3A_205 = arith.constant 1.000000e+00 : f32
    %sub3A_206 = vector.broadcast %sub3A_205 : f32 to vector<16xf32>
    %sub3A_207 = arith.subf %sub3A_206, %get3A_204 : vector<16xf32>
    %reduce_sum3A_208 = arith.constant true
    %reduce_sum3A_209 = vector.broadcast %reduce_sum3A_208 : i1 to vector<16xi1>
    %reduce_sum3A_210 = tpu.scan <sum>, %sub3A_207 masked %reduce_sum3A_209 : vector<16xf32>, vector<16xi1> -> vector<16xf32>
    %reduce_sum3A_211 = vector.extract %reduce_sum3A_210[15] : f32 from vector<16xf32>
    %add3A_212 = arith.addf %add3A_200, %reduce_sum3A_211 : f32
    %get3A_213 = arith.constant 40 : i32
    %get3A_214 = arith.index_cast %get3A_213 : i32 to index
    %get3A_215 = arith.constant 160 : index
    %get3A_216 = tpu.vector_load %arg4[%get3A_214, %get3A_215] {strides = array<i32>} : memref<48x304xf32, #tpu.memory_space<vmem>>, vector<16xf32>,
    %sub3A_217 = arith.constant 1.000000e+00 : f32
    %sub3A_218 = vector.broadcast %sub3A_217 : f32 to vector<16xf32>
    %sub3A_219 = arith.subf %sub3A_218, %get3A_216 : vector<16xf32>
    %reduce_sum3A_220 = arith.constant true
    %reduce_sum3A_221 = vector.broadcast %reduce_sum3A_220 : i1 to vector<16xi1>
    %reduce_sum3A_222 = tpu.scan <sum>, %sub3A_219 masked %reduce_sum3A_221 : vector<16xf32>, vector<16xi1> -> vector<16xf32>
    %reduce_sum3A_223 = vector.extract %reduce_sum3A_222[15] : f32 from vector<16xf32>
    %add3A_224 = arith.addf %add3A_212, %reduce_sum3A_223 : f32
    %get3A_225 = arith.constant 40 : i32
    %get3A_226 = arith.index_cast %get3A_225 : i32 to index
    %get3A_227 = arith.constant 176 : index
    %get3A_228 = tpu.vector_load %arg4[%get3A_226, %get3A_227] {strides = array<i32>} : memref<48x304xf32, #tpu.memory_space<vmem>>, vector<16xf32>,
    %sub3A_229 = arith.constant 1.000000e+00 : f32
    %sub3A_230 = vector.broadcast %sub3A_229 : f32 to vector<16xf32>
    %sub3A_231 = arith.subf %sub3A_230, %get3A_228 : vector<16xf32>
    %reduce_sum3A_232 = arith.constant true
    %reduce_sum3A_233 = vector.broadcast %reduce_sum3A_232 : i1 to vector<16xi1>
    %reduce_sum3A_234 = tpu.scan <sum>, %sub3A_231 masked %reduce_sum3A_233 : vector<16xf32>, vector<16xi1> -> vector<16xf32>
    %reduce_sum3A_235 = vector.extract %reduce_sum3A_234[15] : f32 from vector<16xf32>
    %add3A_236 = arith.addf %add3A_224, %reduce_sum3A_235 : f32
    %get3A_237 = arith.constant 40 : i32
    %get3A_238 = arith.index_cast %get3A_237 : i32 to index
    %get3A_239 = arith.constant 192 : index
    %get3A_240 = tpu.vector_load %arg4[%get3A_238, %get3A_239] {strides = array<i32>} : memref<48x304xf32, #tpu.memory_space<vmem>>, vector<16xf32>,
    %sub3A_241 = arith.constant 1.000000e+00 : f32
    %sub3A_242 = vector.broadcast %sub3A_241 : f32 to vector<16xf32>
    %sub3A_243 = arith.subf %sub3A_242, %get3A_240 : vector<16xf32>
    %reduce_sum3A_244 = arith.constant true
    %reduce_sum3A_245 = vector.broadcast %reduce_sum3A_244 : i1 to vector<16xi1>
    %reduce_sum3A_246 = tpu.scan <sum>, %sub3A_243 masked %reduce_sum3A_245 : vector<16xf32>, vector<16xi1> -> vector<16xf32>
    %reduce_sum3A_247 = vector.extract %reduce_sum3A_246[15] : f32 from vector<16xf32>
    %add3A_248 = arith.addf %add3A_236, %reduce_sum3A_247 : f32
    %get3A_249 = arith.constant 40 : i32
    %get3A_250 = arith.index_cast %get3A_249 : i32 to index
    %get3A_251 = arith.constant 208 : index
    %get3A_252 = tpu.vector_load %arg4[%get3A_250, %get3A_251] {strides = array<i32>} : memref<48x304xf32, #tpu.memory_space<vmem>>, vector<16xf32>,
    %sub3A_253 = arith.constant 1.000000e+00 : f32
    %sub3A_254 = vector.broadcast %sub3A_253 : f32 to vector<16xf32>
    %sub3A_255 = arith.subf %sub3A_254, %get3A_252 : vector<16xf32>
    %reduce_sum3A_256 = arith.constant true
    %reduce_sum3A_257 = vector.broadcast %reduce_sum3A_256 : i1 to vector<16xi1>
    %reduce_sum3A_258 = tpu.scan <sum>, %sub3A_255 masked %reduce_sum3A_257 : vector<16xf32>, vector<16xi1> -> vector<16xf32>
    %reduce_sum3A_259 = vector.extract %reduce_sum3A_258[15] : f32 from vector<16xf32>
    %add3A_260 = arith.addf %add3A_248, %reduce_sum3A_259 : f32
    %get3A_261 = arith.constant 40 : i32
    %get3A_262 = arith.index_cast %get3A_261 : i32 to index
    %get3A_263 = arith.constant 224 : index
    %get3A_264 = tpu.vector_load %arg4[%get3A_262, %get3A_263] {strides = array<i32>} : memref<48x304xf32, #tpu.memory_space<vmem>>, vector<16xf32>,
    %sub3A_265 = arith.constant 1.000000e+00 : f32
    %sub3A_266 = vector.broadcast %sub3A_265 : f32 to vector<16xf32>
    %sub3A_267 = arith.subf %sub3A_266, %get3A_264 : vector<16xf32>
    %reduce_sum3A_268 = arith.constant true
    %reduce_sum3A_269 = vector.broadcast %reduce_sum3A_268 : i1 to vector<16xi1>
    %reduce_sum3A_270 = tpu.scan <sum>, %sub3A_267 masked %reduce_sum3A_269 : vector<16xf32>, vector<16xi1> -> vector<16xf32>
    %reduce_sum3A_271 = vector.extract %reduce_sum3A_270[15] : f32 from vector<16xf32>
    %add3A_272 = arith.addf %add3A_260, %reduce_sum3A_271 : f32
    %get3A_273 = arith.constant 40 : i32
    %get3A_274 = arith.index_cast %get3A_273 : i32 to index
    %get3A_275 = arith.constant 240 : index
    %get3A_276 = tpu.vector_load %arg4[%get3A_274, %get3A_275] {strides = array<i32>} : memref<48x304xf32, #tpu.memory_space<vmem>>, vector<16xf32>,
    %sub3A_277 = arith.constant 1.000000e+00 : f32
    %sub3A_278 = vector.broadcast %sub3A_277 : f32 to vector<16xf32>
    %sub3A_279 = arith.subf %sub3A_278, %get3A_276 : vector<16xf32>
    %reduce_sum3A_280 = arith.constant true
    %reduce_sum3A_281 = vector.broadcast %reduce_sum3A_280 : i1 to vector<16xi1>
    %reduce_sum3A_282 = tpu.scan <sum>, %sub3A_279 masked %reduce_sum3A_281 : vector<16xf32>, vector<16xi1> -> vector<16xf32>
    %reduce_sum3A_283 = vector.extract %reduce_sum3A_282[15] : f32 from vector<16xf32>
    %add3A_284 = arith.addf %add3A_272, %reduce_sum3A_283 : f32
    %get3A_285 = arith.constant 40 : i32
    %get3A_286 = arith.index_cast %get3A_285 : i32 to index
    %get3A_287 = arith.constant 256 : index
    %get3A_288 = tpu.vector_load %arg4[%get3A_286, %get3A_287] {strides = array<i32>} : memref<48x304xf32, #tpu.memory_space<vmem>>, vector<16xf32>,
    %sub3A_289 = arith.constant 1.000000e+00 : f32
    %sub3A_290 = vector.broadcast %sub3A_289 : f32 to vector<16xf32>
    %sub3A_291 = arith.subf %sub3A_290, %get3A_288 : vector<16xf32>
    %reduce_sum3A_292 = arith.constant true
    %reduce_sum3A_293 = vector.broadcast %reduce_sum3A_292 : i1 to vector<16xi1>
    %reduce_sum3A_294 = tpu.scan <sum>, %sub3A_291 masked %reduce_sum3A_293 : vector<16xf32>, vector<16xi1> -> vector<16xf32>
    %reduce_sum3A_295 = vector.extract %reduce_sum3A_294[15] : f32 from vector<16xf32>
    %add3A_296 = arith.addf %add3A_284, %reduce_sum3A_295 : f32
    %get3A_297 = arith.constant 40 : i32
    %get3A_298 = arith.index_cast %get3A_297 : i32 to index
    %get3A_299 = arith.constant 272 : index
    %get3A_300 = tpu.vector_load %arg4[%get3A_298, %get3A_299] {strides = array<i32>} : memref<48x304xf32, #tpu.memory_space<vmem>>, vector<16xf32>,
    %sub3A_301 = arith.constant 1.000000e+00 : f32
    %sub3A_302 = vector.broadcast %sub3A_301 : f32 to vector<16xf32>
    %sub3A_303 = arith.subf %sub3A_302, %get3A_300 : vector<16xf32>
    %reduce_sum3A_304 = arith.constant true
    %reduce_sum3A_305 = vector.broadcast %reduce_sum3A_304 : i1 to vector<16xi1>
    %reduce_sum3A_306 = tpu.scan <sum>, %sub3A_303 masked %reduce_sum3A_305 : vector<16xf32>, vector<16xi1> -> vector<16xf32>
    %reduce_sum3A_307 = vector.extract %reduce_sum3A_306[15] : f32 from vector<16xf32>
    %add3A_308 = arith.addf %add3A_296, %reduce_sum3A_307 : f32
    %get3A_309 = arith.constant 40 : i32
    %get3A_310 = arith.index_cast %get3A_309 : i32 to index
    %get3A_311 = arith.constant 288 : index
    %get3A_312 = tpu.vector_load %arg4[%get3A_310, %get3A_311] {strides = array<i32>} : memref<48x304xf32, #tpu.memory_space<vmem>>, vector<16xf32>,
    %sub3A_313 = arith.constant 1.000000e+00 : f32
    %sub3A_314 = vector.broadcast %sub3A_313 : f32 to vector<16xf32>
    %sub3A_315 = arith.subf %sub3A_314, %get3A_312 : vector<16xf32>
    %reduce_sum3A_316 = arith.constant true
    %reduce_sum3A_317 = vector.broadcast %reduce_sum3A_316 : i1 to vector<16xi1>
    %reduce_sum3A_318 = tpu.scan <sum>, %sub3A_315 masked %reduce_sum3A_317 : vector<16xf32>, vector<16xi1> -> vector<16xf32>
    %reduce_sum3A_319 = vector.extract %reduce_sum3A_318[15] : f32 from vector<16xf32>
    %add3A_320 = arith.addf %add3A_308, %reduce_sum3A_319 : f32
    %scan3A_321 = arith.constant 0.000000e+00 : f32
    %scan3A_322 = arith.constant 0 : i32
    %scan3A_323 = arith.constant 40 : i32
    %scan3A_324 = arith.addi %scan3A_322, %scan3A_323 : i32
    %scan3A_325 = arith.constant 1 : i32
    %scan3A_326 = scf.for %scan3A_353 = %scan3A_322 to %scan3A_324 step %scan3A_325 iter_args(%scan3A_354 = %scan3A_321) -> (f32)  : i32 {
      %eq3A_355 = arith.constant 0 : i32
      %eq3A_356 = arith.cmpi eq, %scan3A_353, %eq3A_355 : i32
      %broadcast_in_dim3A_357 = arith.constant 3.000000e+38 : f32
      %broadcast_in_dim3A_358 = vector.broadcast %broadcast_in_dim3A_357 : f32 to vector<16xf32>
      %broadcast_in_dim3A_359 = arith.constant 0 : i32
      %broadcast_in_dim3A_360 = vector.broadcast %broadcast_in_dim3A_359 : i32 to vector<16xi32>
      %get3A_361 = arith.constant 0 : index
      %get3A_362 = tpu.vector_load %arg8[%get3A_361] {strides = array<i32>} : memref<304xf32, #tpu.memory_space<vmem>>, vector<16xf32>,
      %get3A_363 = arith.constant 0 : index
      %get3A_364 = tpu.vector_load %arg5[%get3A_363] {strides = array<i32>} : memref<304xf32, #tpu.memory_space<vmem>>, vector<16xf32>,
      %ne3A = arith.constant 0.000000e+00 : f32
      %ne3A_365 = vector.broadcast %ne3A : f32 to vector<16xf32>
      %ne3A_366 = arith.cmpf one, %get3A_362, %ne3A_365 : vector<16xf32>
      %broadcast_in_dim3A_367 = vector.broadcast %eq3A_356 : i1 to vector<16xi1>
      %not3A = arith.constant dense<true> : vector<16xi1>
      %not3A_368 = arith.xori %broadcast_in_dim3A_367, %not3A : vector<16xi1>
      %and3A = arith.andi %ne3A_366, %not3A_368 : vector<16xi1>
      %get3A_369 = arith.constant 0 : index
      %get3A_370 = tpu.vector_load %arg6[%get3A_369] {strides = array<i32>} : memref<304xf32, #tpu.memory_space<vmem>>, vector<16xf32>,
      %sub3A_371 = vector.broadcast %scan3A_354 : f32 to vector<16xf32>
      %sub3A_372 = arith.subf %get3A_370, %sub3A_371 : vector<16xf32>
      %add3A_373 = arith.addf %get3A_364, %sub3A_372 : vector<16xf32>
      %select_n3A = arith.select %and3A, %add3A_373, %get3A_364 : vector<16xi1>, vector<16xf32>
      %swap3A_374 = arith.constant 0 : index
      %swap3A_375 = tpu.vector_load %arg5[%swap3A_374] {strides = array<i32>} : memref<304xf32, #tpu.memory_space<vmem>>, vector<16xf32>,
      tpu.vector_store %arg5[%swap3A_374], %select_n3A {strides = array<i32>} : memref<304xf32, #tpu.memory_space<vmem>>, vector<16xf32>,
      %get3A_376 = arith.index_cast %scan3A_353 : i32 to index
      %get3A_377 = arith.constant 0 : index
      %get3A_378 = tpu.vector_load %arg4[%get3A_376, %get3A_377] {strides = array<i32>} : memref<48x304xf32, #tpu.memory_space<vmem>>, vector<16xf32>,
      %sub3A_379 = arith.subf %get3A_378, %select_n3A : vector<16xf32>
      %swap3A_380 = arith.constant 0 : index
      %swap3A_381 = tpu.vector_load %arg6[%swap3A_380] {strides = array<i32>} : memref<304xf32, #tpu.memory_space<vmem>>, vector<16xf32>,
      tpu.vector_store %arg6[%swap3A_380], %sub3A_379 {strides = array<i32>} : memref<304xf32, #tpu.memory_space<vmem>>, vector<16xf32>,
      %broadcast_in_dim3A_382 = arith.constant -2 : i32
      %broadcast_in_dim3A_383 = vector.broadcast %broadcast_in_dim3A_382 : i32 to vector<16xi32>
      %swap3A_384 = arith.constant 0 : index
      %swap3A_385 = tpu.vector_load %arg7[%swap3A_384] {strides = array<i32>} : memref<304xi32, #tpu.memory_space<vmem>>, vector<16xi32>,
      tpu.vector_store %arg7[%swap3A_384], %broadcast_in_dim3A_383 {strides = array<i32>} : memref<304xi32, #tpu.memory_space<vmem>>, vector<16xi32>,
      %broadcast_in_dim3A_386 = arith.constant 0.000000e+00 : f32
      %broadcast_in_dim3A_387 = vector.broadcast %broadcast_in_dim3A_386 : f32 to vector<16xf32>
      %swap3A_388 = arith.constant 0 : index
      %swap3A_389 = tpu.vector_load %arg8[%swap3A_388] {strides = array<i32>} : memref<304xf32, #tpu.memory_space<vmem>>, vector<16xf32>,
      tpu.vector_store %arg8[%swap3A_388], %broadcast_in_dim3A_387 {strides = array<i32>} : memref<304xf32, #tpu.memory_space<vmem>>, vector<16xf32>,
      %lt3A = arith.cmpf olt, %sub3A_379, %broadcast_in_dim3A_358 : vector<16xf32>
      %add3A_390 = arith.constant 0 : i32
      %add3A_391 = vector.broadcast %add3A_390 : i32 to vector<16xi32>
      %add3A_392 = arith.addi %iota3A, %add3A_391 : vector<16xi32>
      %select_n3A_393 = arith.select %lt3A, %add3A_392, %broadcast_in_dim3A_360 : vector<16xi1>, vector<16xi32>
      %select_n3A_394 = arith.select %lt3A, %sub3A_379, %broadcast_in_dim3A_358 : vector<16xi1>, vector<16xf32>
      %get3A_395 = arith.constant 16 : index
      %get3A_396 = tpu.vector_load %arg8[%get3A_395] {strides = array<i32>} : memref<304xf32, #tpu.memory_space<vmem>>, vector<16xf32>,
      %get3A_397 = arith.constant 16 : index
      %get3A_398 = tpu.vector_load %arg5[%get3A_397] {strides = array<i32>} : memref<304xf32, #tpu.memory_space<vmem>>, vector<16xf32>,
      %ne3A_399 = arith.constant 0.000000e+00 : f32
      %ne3A_400 = vector.broadcast %ne3A_399 : f32 to vector<16xf32>
      %ne3A_401 = arith.cmpf one, %get3A_396, %ne3A_400 : vector<16xf32>
      %broadcast_in_dim3A_402 = vector.broadcast %eq3A_356 : i1 to vector<16xi1>
      %not3A_403 = arith.constant dense<true> : vector<16xi1>
      %not3A_404 = arith.xori %broadcast_in_dim3A_402, %not3A_403 : vector<16xi1>
      %and3A_405 = arith.andi %ne3A_401, %not3A_404 : vector<16xi1>
      %get3A_406 = arith.constant 16 : index
      %get3A_407 = tpu.vector_load %arg6[%get3A_406] {strides = array<i32>} : memref<304xf32, #tpu.memory_space<vmem>>, vector<16xf32>,
      %sub3A_408 = vector.broadcast %scan3A_354 : f32 to vector<16xf32>
      %sub3A_409 = arith.subf %get3A_407, %sub3A_408 : vector<16xf32>
      %add3A_410 = arith.addf %get3A_398, %sub3A_409 : vector<16xf32>
      %select_n3A_411 = arith.select %and3A_405, %add3A_410, %get3A_398 : vector<16xi1>, vector<16xf32>
      %swap3A_412 = arith.constant 16 : index
      %swap3A_413 = tpu.vector_load %arg5[%swap3A_412] {strides = array<i32>} : memref<304xf32, #tpu.memory_space<vmem>>, vector<16xf32>,
      tpu.vector_store %arg5[%swap3A_412], %select_n3A_411 {strides = array<i32>} : memref<304xf32, #tpu.memory_space<vmem>>, vector<16xf32>,
      %get3A_414 = arith.index_cast %scan3A_353 : i32 to index
      %get3A_415 = arith.constant 16 : index
      %get3A_416 = tpu.vector_load %arg4[%get3A_414, %get3A_415] {strides = array<i32>} : memref<48x304xf32, #tpu.memory_space<vmem>>, vector<16xf32>,
      %sub3A_417 = arith.subf %get3A_416, %select_n3A_411 : vector<16xf32>
      %swap3A_418 = arith.constant 16 : index
      %swap3A_419 = tpu.vector_load %arg6[%swap3A_418] {strides = array<i32>} : memref<304xf32, #tpu.memory_space<vmem>>, vector<16xf32>,
      tpu.vector_store %arg6[%swap3A_418], %sub3A_417 {strides = array<i32>} : memref<304xf32, #tpu.memory_space<vmem>>, vector<16xf32>,
      %broadcast_in_dim3A_420 = arith.constant -2 : i32
      %broadcast_in_dim3A_421 = vector.broadcast %broadcast_in_dim3A_420 : i32 to vector<16xi32>
      %swap3A_422 = arith.constant 16 : index
      %swap3A_423 = tpu.vector_load %arg7[%swap3A_422] {strides = array<i32>} : memref<304xi32, #tpu.memory_space<vmem>>, vector<16xi32>,
      tpu.vector_store %arg7[%swap3A_422], %broadcast_in_dim3A_421 {strides = array<i32>} : memref<304xi32, #tpu.memory_space<vmem>>, vector<16xi32>,
      %broadcast_in_dim3A_424 = arith.constant 0.000000e+00 : f32
      %broadcast_in_dim3A_425 = vector.broadcast %broadcast_in_dim3A_424 : f32 to vector<16xf32>
      %swap3A_426 = arith.constant 16 : index
      %swap3A_427 = tpu.vector_load %arg8[%swap3A_426] {strides = array<i32>} : memref<304xf32, #tpu.memory_space<vmem>>, vector<16xf32>,
      tpu.vector_store %arg8[%swap3A_426], %broadcast_in_dim3A_425 {strides = array<i32>} : memref<304xf32, #tpu.memory_space<vmem>>, vector<16xf32>,
      %lt3A_428 = arith.cmpf olt, %sub3A_417, %select_n3A_394 : vector<16xf32>
      %add3A_429 = arith.constant 16 : i32
      %add3A_430 = vector.broadcast %add3A_429 : i32 to vector<16xi32>
      %add3A_431 = arith.addi %iota3A, %add3A_430 : vector<16xi32>
      %select_n3A_432 = arith.select %lt3A_428, %add3A_431, %select_n3A_393 : vector<16xi1>, vector<16xi32>
      %select_n3A_433 = arith.select %lt3A_428, %sub3A_417, %select_n3A_394 : vector<16xi1>, vector<16xf32>
      %get3A_434 = arith.constant 32 : index
      %get3A_435 = tpu.vector_load %arg8[%get3A_434] {strides = array<i32>} : memref<304xf32, #tpu.memory_space<vmem>>, vector<16xf32>,
      %get3A_436 = arith.constant 32 : index
      %get3A_437 = tpu.vector_load %arg5[%get3A_436] {strides = array<i32>} : memref<304xf32, #tpu.memory_space<vmem>>, vector<16xf32>,
      %ne3A_438 = arith.constant 0.000000e+00 : f32
      %ne3A_439 = vector.broadcast %ne3A_438 : f32 to vector<16xf32>
      %ne3A_440 = arith.cmpf one, %get3A_435, %ne3A_439 : vector<16xf32>
      %broadcast_in_dim3A_441 = vector.broadcast %eq3A_356 : i1 to vector<16xi1>
      %not3A_442 = arith.constant dense<true> : vector<16xi1>
      %not3A_443 = arith.xori %broadcast_in_dim3A_441, %not3A_442 : vector<16xi1>
      %and3A_444 = arith.andi %ne3A_440, %not3A_443 : vector<16xi1>
      %get3A_445 = arith.constant 32 : index
      %get3A_446 = tpu.vector_load %arg6[%get3A_445] {strides = array<i32>} : memref<304xf32, #tpu.memory_space<vmem>>, vector<16xf32>,
      %sub3A_447 = vector.broadcast %scan3A_354 : f32 to vector<16xf32>
      %sub3A_448 = arith.subf %get3A_446, %sub3A_447 : vector<16xf32>
      %add3A_449 = arith.addf %get3A_437, %sub3A_448 : vector<16xf32>
      %select_n3A_450 = arith.select %and3A_444, %add3A_449, %get3A_437 : vector<16xi1>, vector<16xf32>
      %swap3A_451 = arith.constant 32 : index
      %swap3A_452 = tpu.vector_load %arg5[%swap3A_451] {strides = array<i32>} : memref<304xf32, #tpu.memory_space<vmem>>, vector<16xf32>,
      tpu.vector_store %arg5[%swap3A_451], %select_n3A_450 {strides = array<i32>} : memref<304xf32, #tpu.memory_space<vmem>>, vector<16xf32>,
      %get3A_453 = arith.index_cast %scan3A_353 : i32 to index
      %get3A_454 = arith.constant 32 : index
      %get3A_455 = tpu.vector_load %arg4[%get3A_453, %get3A_454] {strides = array<i32>} : memref<48x304xf32, #tpu.memory_space<vmem>>, vector<16xf32>,
      %sub3A_456 = arith.subf %get3A_455, %select_n3A_450 : vector<16xf32>
      %swap3A_457 = arith.constant 32 : index
      %swap3A_458 = tpu.vector_load %arg6[%swap3A_457] {strides = array<i32>} : memref<304xf32, #tpu.memory_space<vmem>>, vector<16xf32>,
      tpu.vector_store %arg6[%swap3A_457], %sub3A_456 {strides = array<i32>} : memref<304xf32, #tpu.memory_space<vmem>>, vector<16xf32>,
      %broadcast_in_dim3A_459 = arith.constant -2 : i32
      %broadcast_in_dim3A_460 = vector.broadcast %broadcast_in_dim3A_459 : i32 to vector<16xi32>
      %swap3A_461 = arith.constant 32 : index
      %swap3A_462 = tpu.vector_load %arg7[%swap3A_461] {strides = array<i32>} : memref<304xi32, #tpu.memory_space<vmem>>, vector<16xi32>,
      tpu.vector_store %arg7[%swap3A_461], %broadcast_in_dim3A_460 {strides = array<i32>} : memref<304xi32, #tpu.memory_space<vmem>>, vector<16xi32>,
      %broadcast_in_dim3A_463 = arith.constant 0.000000e+00 : f32
      %broadcast_in_dim3A_464 = vector.broadcast %broadcast_in_dim3A_463 : f32 to vector<16xf32>
      %swap3A_465 = arith.constant 32 : index
      %swap3A_466 = tpu.vector_load %arg8[%swap3A_465] {strides = array<i32>} : memref<304xf32, #tpu.memory_space<vmem>>, vector<16xf32>,
      tpu.vector_store %arg8[%swap3A_465], %broadcast_in_dim3A_464 {strides = array<i32>} : memref<304xf32, #tpu.memory_space<vmem>>, vector<16xf32>,
      %lt3A_467 = arith.cmpf olt, %sub3A_456, %select_n3A_433 : vector<16xf32>
      %add3A_468 = arith.constant 32 : i32
      %add3A_469 = vector.broadcast %add3A_468 : i32 to vector<16xi32>
      %add3A_470 = arith.addi %iota3A, %add3A_469 : vector<16xi32>
      %select_n3A_471 = arith.select %lt3A_467, %add3A_470, %select_n3A_432 : vector<16xi1>, vector<16xi32>
      %select_n3A_472 = arith.select %lt3A_467, %sub3A_456, %select_n3A_433 : vector<16xi1>, vector<16xf32>
      %get3A_473 = arith.constant 48 : index
      %get3A_474 = tpu.vector_load %arg8[%get3A_473] {strides = array<i32>} : memref<304xf32, #tpu.memory_space<vmem>>, vector<16xf32>,
      %get3A_475 = arith.constant 48 : index
      %get3A_476 = tpu.vector_load %arg5[%get3A_475] {strides = array<i32>} : memref<304xf32, #tpu.memory_space<vmem>>, vector<16xf32>,
      %ne3A_477 = arith.constant 0.000000e+00 : f32
      %ne3A_478 = vector.broadcast %ne3A_477 : f32 to vector<16xf32>
      %ne3A_479 = arith.cmpf one, %get3A_474, %ne3A_478 : vector<16xf32>
      %broadcast_in_dim3A_480 = vector.broadcast %eq3A_356 : i1 to vector<16xi1>
      %not3A_481 = arith.constant dense<true> : vector<16xi1>
      %not3A_482 = arith.xori %broadcast_in_dim3A_480, %not3A_481 : vector<16xi1>
      %and3A_483 = arith.andi %ne3A_479, %not3A_482 : vector<16xi1>
      %get3A_484 = arith.constant 48 : index
      %get3A_485 = tpu.vector_load %arg6[%get3A_484] {strides = array<i32>} : memref<304xf32, #tpu.memory_space<vmem>>, vector<16xf32>,
      %sub3A_486 = vector.broadcast %scan3A_354 : f32 to vector<16xf32>
      %sub3A_487 = arith.subf %get3A_485, %sub3A_486 : vector<16xf32>
      %add3A_488 = arith.addf %get3A_476, %sub3A_487 : vector<16xf32>
      %select_n3A_489 = arith.select %and3A_483, %add3A_488, %get3A_476 : vector<16xi1>, vector<16xf32>
      %swap3A_490 = arith.constant 48 : index
      %swap3A_491 = tpu.vector_load %arg5[%swap3A_490] {strides = array<i32>} : memref<304xf32, #tpu.memory_space<vmem>>, vector<16xf32>,
      tpu.vector_store %arg5[%swap3A_490], %select_n3A_489 {strides = array<i32>} : memref<304xf32, #tpu.memory_space<vmem>>, vector<16xf32>,
      %get3A_492 = arith.index_cast %scan3A_353 : i32 to index
      %get3A_493 = arith.constant 48 : index
      %get3A_494 = tpu.vector_load %arg4[%get3A_492, %get3A_493] {strides = array<i32>} : memref<48x304xf32, #tpu.memory_space<vmem>>, vector<16xf32>,
      %sub3A_495 = arith.subf %get3A_494, %select_n3A_489 : vector<16xf32>
      %swap3A_496 = arith.constant 48 : index
      %swap3A_497 = tpu.vector_load %arg6[%swap3A_496] {strides = array<i32>} : memref<304xf32, #tpu.memory_space<vmem>>, vector<16xf32>,
      tpu.vector_store %arg6[%swap3A_496], %sub3A_495 {strides = array<i32>} : memref<304xf32, #tpu.memory_space<vmem>>, vector<16xf32>,
      %broadcast_in_dim3A_498 = arith.constant -2 : i32
      %broadcast_in_dim3A_499 = vector.broadcast %broadcast_in_dim3A_498 : i32 to vector<16xi32>
      %swap3A_500 = arith.constant 48 : index
      %swap3A_501 = tpu.vector_load %arg7[%swap3A_500] {strides = array<i32>} : memref<304xi32, #tpu.memory_space<vmem>>, vector<16xi32>,
      tpu.vector_store %arg7[%swap3A_500], %broadcast_in_dim3A_499 {strides = array<i32>} : memref<304xi32, #tpu.memory_space<vmem>>, vector<16xi32>,
      %broadcast_in_dim3A_502 = arith.constant 0.000000e+00 : f32
      %broadcast_in_dim3A_503 = vector.broadcast %broadcast_in_dim3A_502 : f32 to vector<16xf32>
      %swap3A_504 = arith.constant 48 : index
      %swap3A_505 = tpu.vector_load %arg8[%swap3A_504] {strides = array<i32>} : memref<304xf32, #tpu.memory_space<vmem>>, vector<16xf32>,
      tpu.vector_store %arg8[%swap3A_504], %broadcast_in_dim3A_503 {strides = array<i32>} : memref<304xf32, #tpu.memory_space<vmem>>, vector<16xf32>,
      %lt3A_506 = arith.cmpf olt, %sub3A_495, %select_n3A_472 : vector<16xf32>
      %add3A_507 = arith.constant 48 : i32
      %add3A_508 = vector.broadcast %add3A_507 : i32 to vector<16xi32>
      %add3A_509 = arith.addi %iota3A, %add3A_508 : vector<16xi32>
      %select_n3A_510 = arith.select %lt3A_506, %add3A_509, %select_n3A_471 : vector<16xi1>, vector<16xi32>
      %select_n3A_511 = arith.select %lt3A_506, %sub3A_495, %select_n3A_472 : vector<16xi1>, vector<16xf32>
      %get3A_512 = arith.constant 64 : index
      %get3A_513 = tpu.vector_load %arg8[%get3A_512] {strides = array<i32>} : memref<304xf32, #tpu.memory_space<vmem>>, vector<16xf32>,
      %get3A_514 = arith.constant 64 : index
      %get3A_515 = tpu.vector_load %arg5[%get3A_514] {strides = array<i32>} : memref<304xf32, #tpu.memory_space<vmem>>, vector<16xf32>,
      %ne3A_516 = arith.constant 0.000000e+00 : f32
      %ne3A_517 = vector.broadcast %ne3A_516 : f32 to vector<16xf32>
      %ne3A_518 = arith.cmpf one, %get3A_513, %ne3A_517 : vector<16xf32>
      %broadcast_in_dim3A_519 = vector.broadcast %eq3A_356 : i1 to vector<16xi1>
      %not3A_520 = arith.constant dense<true> : vector<16xi1>
      %not3A_521 = arith.xori %broadcast_in_dim3A_519, %not3A_520 : vector<16xi1>
      %and3A_522 = arith.andi %ne3A_518, %not3A_521 : vector<16xi1>
      %get3A_523 = arith.constant 64 : index
      %get3A_524 = tpu.vector_load %arg6[%get3A_523] {strides = array<i32>} : memref<304xf32, #tpu.memory_space<vmem>>, vector<16xf32>,
      %sub3A_525 = vector.broadcast %scan3A_354 : f32 to vector<16xf32>
      %sub3A_526 = arith.subf %get3A_524, %sub3A_525 : vector<16xf32>
      %add3A_527 = arith.addf %get3A_515, %sub3A_526 : vector<16xf32>
      %select_n3A_528 = arith.select %and3A_522, %add3A_527, %get3A_515 : vector<16xi1>, vector<16xf32>
      %swap3A_529 = arith.constant 64 : index
      %swap3A_530 = tpu.vector_load %arg5[%swap3A_529] {strides = array<i32>} : memref<304xf32, #tpu.memory_space<vmem>>, vector<16xf32>,
      tpu.vector_store %arg5[%swap3A_529], %select_n3A_528 {strides = array<i32>} : memref<304xf32, #tpu.memory_space<vmem>>, vector<16xf32>,
      %get3A_531 = arith.index_cast %scan3A_353 : i32 to index
      %get3A_532 = arith.constant 64 : index
      %get3A_533 = tpu.vector_load %arg4[%get3A_531, %get3A_532] {strides = array<i32>} : memref<48x304xf32, #tpu.memory_space<vmem>>, vector<16xf32>,
      %sub3A_534 = arith.subf %get3A_533, %select_n3A_528 : vector<16xf32>
      %swap3A_535 = arith.constant 64 : index
      %swap3A_536 = tpu.vector_load %arg6[%swap3A_535] {strides = array<i32>} : memref<304xf32, #tpu.memory_space<vmem>>, vector<16xf32>,
      tpu.vector_store %arg6[%swap3A_535], %sub3A_534 {strides = array<i32>} : memref<304xf32, #tpu.memory_space<vmem>>, vector<16xf32>,
      %broadcast_in_dim3A_537 = arith.constant -2 : i32
      %broadcast_in_dim3A_538 = vector.broadcast %broadcast_in_dim3A_537 : i32 to vector<16xi32>
      %swap3A_539 = arith.constant 64 : index
      %swap3A_540 = tpu.vector_load %arg7[%swap3A_539] {strides = array<i32>} : memref<304xi32, #tpu.memory_space<vmem>>, vector<16xi32>,
      tpu.vector_store %arg7[%swap3A_539], %broadcast_in_dim3A_538 {strides = array<i32>} : memref<304xi32, #tpu.memory_space<vmem>>, vector<16xi32>,
      %broadcast_in_dim3A_541 = arith.constant 0.000000e+00 : f32
      %broadcast_in_dim3A_542 = vector.broadcast %broadcast_in_dim3A_541 : f32 to vector<16xf32>
      %swap3A_543 = arith.constant 64 : index
      %swap3A_544 = tpu.vector_load %arg8[%swap3A_543] {strides = array<i32>} : memref<304xf32, #tpu.memory_space<vmem>>, vector<16xf32>,
      tpu.vector_store %arg8[%swap3A_543], %broadcast_in_dim3A_542 {strides = array<i32>} : memref<304xf32, #tpu.memory_space<vmem>>, vector<16xf32>,
      %lt3A_545 = arith.cmpf olt, %sub3A_534, %select_n3A_511 : vector<16xf32>
      %add3A_546 = arith.constant 64 : i32
      %add3A_547 = vector.broadcast %add3A_546 : i32 to vector<16xi32>
      %add3A_548 = arith.addi %iota3A, %add3A_547 : vector<16xi32>
      %select_n3A_549 = arith.select %lt3A_545, %add3A_548, %select_n3A_510 : vector<16xi1>, vector<16xi32>
      %select_n3A_550 = arith.select %lt3A_545, %sub3A_534, %select_n3A_511 : vector<16xi1>, vector<16xf32>
      %get3A_551 = arith.constant 80 : index
      %get3A_552 = tpu.vector_load %arg8[%get3A_551] {strides = array<i32>} : memref<304xf32, #tpu.memory_space<vmem>>, vector<16xf32>,
      %get3A_553 = arith.constant 80 : index
      %get3A_554 = tpu.vector_load %arg5[%get3A_553] {strides = array<i32>} : memref<304xf32, #tpu.memory_space<vmem>>, vector<16xf32>,
      %ne3A_555 = arith.constant 0.000000e+00 : f32
      %ne3A_556 = vector.broadcast %ne3A_555 : f32 to vector<16xf32>
      %ne3A_557 = arith.cmpf one, %get3A_552, %ne3A_556 : vector<16xf32>
      %broadcast_in_dim3A_558 = vector.broadcast %eq3A_356 : i1 to vector<16xi1>
      %not3A_559 = arith.constant dense<true> : vector<16xi1>
      %not3A_560 = arith.xori %broadcast_in_dim3A_558, %not3A_559 : vector<16xi1>
      %and3A_561 = arith.andi %ne3A_557, %not3A_560 : vector<16xi1>
      %get3A_562 = arith.constant 80 : index
      %get3A_563 = tpu.vector_load %arg6[%get3A_562] {strides = array<i32>} : memref<304xf32, #tpu.memory_space<vmem>>, vector<16xf32>,
      %sub3A_564 = vector.broadcast %scan3A_354 : f32 to vector<16xf32>
      %sub3A_565 = arith.subf %get3A_563, %sub3A_564 : vector<16xf32>
      %add3A_566 = arith.addf %get3A_554, %sub3A_565 : vector<16xf32>
      %select_n3A_567 = arith.select %and3A_561, %add3A_566, %get3A_554 : vector<16xi1>, vector<16xf32>
      %swap3A_568 = arith.constant 80 : index
      %swap3A_569 = tpu.vector_load %arg5[%swap3A_568] {strides = array<i32>} : memref<304xf32, #tpu.memory_space<vmem>>, vector<16xf32>,
      tpu.vector_store %arg5[%swap3A_568], %select_n3A_567 {strides = array<i32>} : memref<304xf32, #tpu.memory_space<vmem>>, vector<16xf32>,
      %get3A_570 = arith.index_cast %scan3A_353 : i32 to index
      %get3A_571 = arith.constant 80 : index
      %get3A_572 = tpu.vector_load %arg4[%get3A_570, %get3A_571] {strides = array<i32>} : memref<48x304xf32, #tpu.memory_space<vmem>>, vector<16xf32>,
      %sub3A_573 = arith.subf %get3A_572, %select_n3A_567 : vector<16xf32>
      %swap3A_574 = arith.constant 80 : index
      %swap3A_575 = tpu.vector_load %arg6[%swap3A_574] {strides = array<i32>} : memref<304xf32, #tpu.memory_space<vmem>>, vector<16xf32>,
      tpu.vector_store %arg6[%swap3A_574], %sub3A_573 {strides = array<i32>} : memref<304xf32, #tpu.memory_space<vmem>>, vector<16xf32>,
      %broadcast_in_dim3A_576 = arith.constant -2 : i32
      %broadcast_in_dim3A_577 = vector.broadcast %broadcast_in_dim3A_576 : i32 to vector<16xi32>
      %swap3A_578 = arith.constant 80 : index
      %swap3A_579 = tpu.vector_load %arg7[%swap3A_578] {strides = array<i32>} : memref<304xi32, #tpu.memory_space<vmem>>, vector<16xi32>,
      tpu.vector_store %arg7[%swap3A_578], %broadcast_in_dim3A_577 {strides = array<i32>} : memref<304xi32, #tpu.memory_space<vmem>>, vector<16xi32>,
      %broadcast_in_dim3A_580 = arith.constant 0.000000e+00 : f32
      %broadcast_in_dim3A_581 = vector.broadcast %broadcast_in_dim3A_580 : f32 to vector<16xf32>
      %swap3A_582 = arith.constant 80 : index
      %swap3A_583 = tpu.vector_load %arg8[%swap3A_582] {strides = array<i32>} : memref<304xf32, #tpu.memory_space<vmem>>, vector<16xf32>,
      tpu.vector_store %arg8[%swap3A_582], %broadcast_in_dim3A_581 {strides = array<i32>} : memref<304xf32, #tpu.memory_space<vmem>>, vector<16xf32>,
      %lt3A_584 = arith.cmpf olt, %sub3A_573, %select_n3A_550 : vector<16xf32>
      %add3A_585 = arith.constant 80 : i32
      %add3A_586 = vector.broadcast %add3A_585 : i32 to vector<16xi32>
      %add3A_587 = arith.addi %iota3A, %add3A_586 : vector<16xi32>
      %select_n3A_588 = arith.select %lt3A_584, %add3A_587, %select_n3A_549 : vector<16xi1>, vector<16xi32>
      %select_n3A_589 = arith.select %lt3A_584, %sub3A_573, %select_n3A_550 : vector<16xi1>, vector<16xf32>
      %get3A_590 = arith.constant 96 : index
      %get3A_591 = tpu.vector_load %arg8[%get3A_590] {strides = array<i32>} : memref<304xf32, #tpu.memory_space<vmem>>, vector<16xf32>,
      %get3A_592 = arith.constant 96 : index
      %get3A_593 = tpu.vector_load %arg5[%get3A_592] {strides = array<i32>} : memref<304xf32, #tpu.memory_space<vmem>>, vector<16xf32>,
      %ne3A_594 = arith.constant 0.000000e+00 : f32
      %ne3A_595 = vector.broadcast %ne3A_594 : f32 to vector<16xf32>
      %ne3A_596 = arith.cmpf one, %get3A_591, %ne3A_595 : vector<16xf32>
      %broadcast_in_dim3A_597 = vector.broadcast %eq3A_356 : i1 to vector<16xi1>
      %not3A_598 = arith.constant dense<true> : vector<16xi1>
      %not3A_599 = arith.xori %broadcast_in_dim3A_597, %not3A_598 : vector<16xi1>
      %and3A_600 = arith.andi %ne3A_596, %not3A_599 : vector<16xi1>
      %get3A_601 = arith.constant 96 : index
      %get3A_602 = tpu.vector_load %arg6[%get3A_601] {strides = array<i32>} : memref<304xf32, #tpu.memory_space<vmem>>, vector<16xf32>,
      %sub3A_603 = vector.broadcast %scan3A_354 : f32 to vector<16xf32>
      %sub3A_604 = arith.subf %get3A_602, %sub3A_603 : vector<16xf32>
      %add3A_605 = arith.addf %get3A_593, %sub3A_604 : vector<16xf32>
      %select_n3A_606 = arith.select %and3A_600, %add3A_605, %get3A_593 : vector<16xi1>, vector<16xf32>
      %swap3A_607 = arith.constant 96 : index
      %swap3A_608 = tpu.vector_load %arg5[%swap3A_607] {strides = array<i32>} : memref<304xf32, #tpu.memory_space<vmem>>, vector<16xf32>,
      tpu.vector_store %arg5[%swap3A_607], %select_n3A_606 {strides = array<i32>} : memref<304xf32, #tpu.memory_space<vmem>>, vector<16xf32>,
      %get3A_609 = arith.index_cast %scan3A_353 : i32 to index
      %get3A_610 = arith.constant 96 : index
      %get3A_611 = tpu.vector_load %arg4[%get3A_609, %get3A_610] {strides = array<i32>} : memref<48x304xf32, #tpu.memory_space<vmem>>, vector<16xf32>,
      %sub3A_612 = arith.subf %get3A_611, %select_n3A_606 : vector<16xf32>
      %swap3A_613 = arith.constant 96 : index
      %swap3A_614 = tpu.vector_load %arg6[%swap3A_613] {strides = array<i32>} : memref<304xf32, #tpu.memory_space<vmem>>, vector<16xf32>,
      tpu.vector_store %arg6[%swap3A_613], %sub3A_612 {strides = array<i32>} : memref<304xf32, #tpu.memory_space<vmem>>, vector<16xf32>,
      %broadcast_in_dim3A_615 = arith.constant -2 : i32
      %broadcast_in_dim3A_616 = vector.broadcast %broadcast_in_dim3A_615 : i32 to vector<16xi32>
      %swap3A_617 = arith.constant 96 : index
      %swap3A_618 = tpu.vector_load %arg7[%swap3A_617] {strides = array<i32>} : memref<304xi32, #tpu.memory_space<vmem>>, vector<16xi32>,
      tpu.vector_store %arg7[%swap3A_617], %broadcast_in_dim3A_616 {strides = array<i32>} : memref<304xi32, #tpu.memory_space<vmem>>, vector<16xi32>,
      %broadcast_in_dim3A_619 = arith.constant 0.000000e+00 : f32
      %broadcast_in_dim3A_620 = vector.broadcast %broadcast_in_dim3A_619 : f32 to vector<16xf32>
      %swap3A_621 = arith.constant 96 : index
      %swap3A_622 = tpu.vector_load %arg8[%swap3A_621] {strides = array<i32>} : memref<304xf32, #tpu.memory_space<vmem>>, vector<16xf32>,
      tpu.vector_store %arg8[%swap3A_621], %broadcast_in_dim3A_620 {strides = array<i32>} : memref<304xf32, #tpu.memory_space<vmem>>, vector<16xf32>,
      %lt3A_623 = arith.cmpf olt, %sub3A_612, %select_n3A_589 : vector<16xf32>
      %add3A_624 = arith.constant 96 : i32
      %add3A_625 = vector.broadcast %add3A_624 : i32 to vector<16xi32>
      %add3A_626 = arith.addi %iota3A, %add3A_625 : vector<16xi32>
      %select_n3A_627 = arith.select %lt3A_623, %add3A_626, %select_n3A_588 : vector<16xi1>, vector<16xi32>
      %select_n3A_628 = arith.select %lt3A_623, %sub3A_612, %select_n3A_589 : vector<16xi1>, vector<16xf32>
      %get3A_629 = arith.constant 112 : index
      %get3A_630 = tpu.vector_load %arg8[%get3A_629] {strides = array<i32>} : memref<304xf32, #tpu.memory_space<vmem>>, vector<16xf32>,
      %get3A_631 = arith.constant 112 : index
      %get3A_632 = tpu.vector_load %arg5[%get3A_631] {strides = array<i32>} : memref<304xf32, #tpu.memory_space<vmem>>, vector<16xf32>,
      %ne3A_633 = arith.constant 0.000000e+00 : f32
      %ne3A_634 = vector.broadcast %ne3A_633 : f32 to vector<16xf32>
      %ne3A_635 = arith.cmpf one, %get3A_630, %ne3A_634 : vector<16xf32>
      %broadcast_in_dim3A_636 = vector.broadcast %eq3A_356 : i1 to vector<16xi1>
      %not3A_637 = arith.constant dense<true> : vector<16xi1>
      %not3A_638 = arith.xori %broadcast_in_dim3A_636, %not3A_637 : vector<16xi1>
      %and3A_639 = arith.andi %ne3A_635, %not3A_638 : vector<16xi1>
      %get3A_640 = arith.constant 112 : index
      %get3A_641 = tpu.vector_load %arg6[%get3A_640] {strides = array<i32>} : memref<304xf32, #tpu.memory_space<vmem>>, vector<16xf32>,
      %sub3A_642 = vector.broadcast %scan3A_354 : f32 to vector<16xf32>
      %sub3A_643 = arith.subf %get3A_641, %sub3A_642 : vector<16xf32>
      %add3A_644 = arith.addf %get3A_632, %sub3A_643 : vector<16xf32>
      %select_n3A_645 = arith.select %and3A_639, %add3A_644, %get3A_632 : vector<16xi1>, vector<16xf32>
      %swap3A_646 = arith.constant 112 : index
      %swap3A_647 = tpu.vector_load %arg5[%swap3A_646] {strides = array<i32>} : memref<304xf32, #tpu.memory_space<vmem>>, vector<16xf32>,
      tpu.vector_store %arg5[%swap3A_646], %select_n3A_645 {strides = array<i32>} : memref<304xf32, #tpu.memory_space<vmem>>, vector<16xf32>,
      %get3A_648 = arith.index_cast %scan3A_353 : i32 to index
      %get3A_649 = arith.constant 112 : index
      %get3A_650 = tpu.vector_load %arg4[%get3A_648, %get3A_649] {strides = array<i32>} : memref<48x304xf32, #tpu.memory_space<vmem>>, vector<16xf32>,
      %sub3A_651 = arith.subf %get3A_650, %select_n3A_645 : vector<16xf32>
      %swap3A_652 = arith.constant 112 : index
      %swap3A_653 = tpu.vector_load %arg6[%swap3A_652] {strides = array<i32>} : memref<304xf32, #tpu.memory_space<vmem>>, vector<16xf32>,
      tpu.vector_store %arg6[%swap3A_652], %sub3A_651 {strides = array<i32>} : memref<304xf32, #tpu.memory_space<vmem>>, vector<16xf32>,
      %broadcast_in_dim3A_654 = arith.constant -2 : i32
      %broadcast_in_dim3A_655 = vector.broadcast %broadcast_in_dim3A_654 : i32 to vector<16xi32>
      %swap3A_656 = arith.constant 112 : index
      %swap3A_657 = tpu.vector_load %arg7[%swap3A_656] {strides = array<i32>} : memref<304xi32, #tpu.memory_space<vmem>>, vector<16xi32>,
      tpu.vector_store %arg7[%swap3A_656], %broadcast_in_dim3A_655 {strides = array<i32>} : memref<304xi32, #tpu.memory_space<vmem>>, vector<16xi32>,
      %broadcast_in_dim3A_658 = arith.constant 0.000000e+00 : f32
      %broadcast_in_dim3A_659 = vector.broadcast %broadcast_in_dim3A_658 : f32 to vector<16xf32>
      %swap3A_660 = arith.constant 112 : index
      %swap3A_661 = tpu.vector_load %arg8[%swap3A_660] {strides = array<i32>} : memref<304xf32, #tpu.memory_space<vmem>>, vector<16xf32>,
      tpu.vector_store %arg8[%swap3A_660], %broadcast_in_dim3A_659 {strides = array<i32>} : memref<304xf32, #tpu.memory_space<vmem>>, vector<16xf32>,
      %lt3A_662 = arith.cmpf olt, %sub3A_651, %select_n3A_628 : vector<16xf32>
      %add3A_663 = arith.constant 112 : i32
      %add3A_664 = vector.broadcast %add3A_663 : i32 to vector<16xi32>
      %add3A_665 = arith.addi %iota3A, %add3A_664 : vector<16xi32>
      %select_n3A_666 = arith.select %lt3A_662, %add3A_665, %select_n3A_627 : vector<16xi1>, vector<16xi32>
      %select_n3A_667 = arith.select %lt3A_662, %sub3A_651, %select_n3A_628 : vector<16xi1>, vector<16xf32>
      %get3A_668 = arith.constant 128 : index
      %get3A_669 = tpu.vector_load %arg8[%get3A_668] {strides = array<i32>} : memref<304xf32, #tpu.memory_space<vmem>>, vector<16xf32>,
      %get3A_670 = arith.constant 128 : index
      %get3A_671 = tpu.vector_load %arg5[%get3A_670] {strides = array<i32>} : memref<304xf32, #tpu.memory_space<vmem>>, vector<16xf32>,
      %ne3A_672 = arith.constant 0.000000e+00 : f32
      %ne3A_673 = vector.broadcast %ne3A_672 : f32 to vector<16xf32>
      %ne3A_674 = arith.cmpf one, %get3A_669, %ne3A_673 : vector<16xf32>
      %broadcast_in_dim3A_675 = vector.broadcast %eq3A_356 : i1 to vector<16xi1>
      %not3A_676 = arith.constant dense<true> : vector<16xi1>
      %not3A_677 = arith.xori %broadcast_in_dim3A_675, %not3A_676 : vector<16xi1>
      %and3A_678 = arith.andi %ne3A_674, %not3A_677 : vector<16xi1>
      %get3A_679 = arith.constant 128 : index
      %get3A_680 = tpu.vector_load %arg6[%get3A_679] {strides = array<i32>} : memref<304xf32, #tpu.memory_space<vmem>>, vector<16xf32>,
      %sub3A_681 = vector.broadcast %scan3A_354 : f32 to vector<16xf32>
      %sub3A_682 = arith.subf %get3A_680, %sub3A_681 : vector<16xf32>
      %add3A_683 = arith.addf %get3A_671, %sub3A_682 : vector<16xf32>
      %select_n3A_684 = arith.select %and3A_678, %add3A_683, %get3A_671 : vector<16xi1>, vector<16xf32>
      %swap3A_685 = arith.constant 128 : index
      %swap3A_686 = tpu.vector_load %arg5[%swap3A_685] {strides = array<i32>} : memref<304xf32, #tpu.memory_space<vmem>>, vector<16xf32>,
      tpu.vector_store %arg5[%swap3A_685], %select_n3A_684 {strides = array<i32>} : memref<304xf32, #tpu.memory_space<vmem>>, vector<16xf32>,
      %get3A_687 = arith.index_cast %scan3A_353 : i32 to index
      %get3A_688 = arith.constant 128 : index
      %get3A_689 = tpu.vector_load %arg4[%get3A_687, %get3A_688] {strides = array<i32>} : memref<48x304xf32, #tpu.memory_space<vmem>>, vector<16xf32>,
      %sub3A_690 = arith.subf %get3A_689, %select_n3A_684 : vector<16xf32>
      %swap3A_691 = arith.constant 128 : index
      %swap3A_692 = tpu.vector_load %arg6[%swap3A_691] {strides = array<i32>} : memref<304xf32, #tpu.memory_space<vmem>>, vector<16xf32>,
      tpu.vector_store %arg6[%swap3A_691], %sub3A_690 {strides = array<i32>} : memref<304xf32, #tpu.memory_space<vmem>>, vector<16xf32>,
      %broadcast_in_dim3A_693 = arith.constant -2 : i32
      %broadcast_in_dim3A_694 = vector.broadcast %broadcast_in_dim3A_693 : i32 to vector<16xi32>
      %swap3A_695 = arith.constant 128 : index
      %swap3A_696 = tpu.vector_load %arg7[%swap3A_695] {strides = array<i32>} : memref<304xi32, #tpu.memory_space<vmem>>, vector<16xi32>,
      tpu.vector_store %arg7[%swap3A_695], %broadcast_in_dim3A_694 {strides = array<i32>} : memref<304xi32, #tpu.memory_space<vmem>>, vector<16xi32>,
      %broadcast_in_dim3A_697 = arith.constant 0.000000e+00 : f32
      %broadcast_in_dim3A_698 = vector.broadcast %broadcast_in_dim3A_697 : f32 to vector<16xf32>
      %swap3A_699 = arith.constant 128 : index
      %swap3A_700 = tpu.vector_load %arg8[%swap3A_699] {strides = array<i32>} : memref<304xf32, #tpu.memory_space<vmem>>, vector<16xf32>,
      tpu.vector_store %arg8[%swap3A_699], %broadcast_in_dim3A_698 {strides = array<i32>} : memref<304xf32, #tpu.memory_space<vmem>>, vector<16xf32>,
      %lt3A_701 = arith.cmpf olt, %sub3A_690, %select_n3A_667 : vector<16xf32>
      %add3A_702 = arith.constant 128 : i32
      %add3A_703 = vector.broadcast %add3A_702 : i32 to vector<16xi32>
      %add3A_704 = arith.addi %iota3A, %add3A_703 : vector<16xi32>
      %select_n3A_705 = arith.select %lt3A_701, %add3A_704, %select_n3A_666 : vector<16xi1>, vector<16xi32>
      %select_n3A_706 = arith.select %lt3A_701, %sub3A_690, %select_n3A_667 : vector<16xi1>, vector<16xf32>
      %get3A_707 = arith.constant 144 : index
      %get3A_708 = tpu.vector_load %arg8[%get3A_707] {strides = array<i32>} : memref<304xf32, #tpu.memory_space<vmem>>, vector<16xf32>,
      %get3A_709 = arith.constant 144 : index
      %get3A_710 = tpu.vector_load %arg5[%get3A_709] {strides = array<i32>} : memref<304xf32, #tpu.memory_space<vmem>>, vector<16xf32>,
      %ne3A_711 = arith.constant 0.000000e+00 : f32
      %ne3A_712 = vector.broadcast %ne3A_711 : f32 to vector<16xf32>
      %ne3A_713 = arith.cmpf one, %get3A_708, %ne3A_712 : vector<16xf32>
      %broadcast_in_dim3A_714 = vector.broadcast %eq3A_356 : i1 to vector<16xi1>
      %not3A_715 = arith.constant dense<true> : vector<16xi1>
      %not3A_716 = arith.xori %broadcast_in_dim3A_714, %not3A_715 : vector<16xi1>
      %and3A_717 = arith.andi %ne3A_713, %not3A_716 : vector<16xi1>
      %get3A_718 = arith.constant 144 : index
      %get3A_719 = tpu.vector_load %arg6[%get3A_718] {strides = array<i32>} : memref<304xf32, #tpu.memory_space<vmem>>, vector<16xf32>,
      %sub3A_720 = vector.broadcast %scan3A_354 : f32 to vector<16xf32>
      %sub3A_721 = arith.subf %get3A_719, %sub3A_720 : vector<16xf32>
      %add3A_722 = arith.addf %get3A_710, %sub3A_721 : vector<16xf32>
      %select_n3A_723 = arith.select %and3A_717, %add3A_722, %get3A_710 : vector<16xi1>, vector<16xf32>
      %swap3A_724 = arith.constant 144 : index
      %swap3A_725 = tpu.vector_load %arg5[%swap3A_724] {strides = array<i32>} : memref<304xf32, #tpu.memory_space<vmem>>, vector<16xf32>,
      tpu.vector_store %arg5[%swap3A_724], %select_n3A_723 {strides = array<i32>} : memref<304xf32, #tpu.memory_space<vmem>>, vector<16xf32>,
      %get3A_726 = arith.index_cast %scan3A_353 : i32 to index
      %get3A_727 = arith.constant 144 : index
      %get3A_728 = tpu.vector_load %arg4[%get3A_726, %get3A_727] {strides = array<i32>} : memref<48x304xf32, #tpu.memory_space<vmem>>, vector<16xf32>,
      %sub3A_729 = arith.subf %get3A_728, %select_n3A_723 : vector<16xf32>
      %swap3A_730 = arith.constant 144 : index
      %swap3A_731 = tpu.vector_load %arg6[%swap3A_730] {strides = array<i32>} : memref<304xf32, #tpu.memory_space<vmem>>, vector<16xf32>,
      tpu.vector_store %arg6[%swap3A_730], %sub3A_729 {strides = array<i32>} : memref<304xf32, #tpu.memory_space<vmem>>, vector<16xf32>,
      %broadcast_in_dim3A_732 = arith.constant -2 : i32
      %broadcast_in_dim3A_733 = vector.broadcast %broadcast_in_dim3A_732 : i32 to vector<16xi32>
      %swap3A_734 = arith.constant 144 : index
      %swap3A_735 = tpu.vector_load %arg7[%swap3A_734] {strides = array<i32>} : memref<304xi32, #tpu.memory_space<vmem>>, vector<16xi32>,
      tpu.vector_store %arg7[%swap3A_734], %broadcast_in_dim3A_733 {strides = array<i32>} : memref<304xi32, #tpu.memory_space<vmem>>, vector<16xi32>,
      %broadcast_in_dim3A_736 = arith.constant 0.000000e+00 : f32
      %broadcast_in_dim3A_737 = vector.broadcast %broadcast_in_dim3A_736 : f32 to vector<16xf32>
      %swap3A_738 = arith.constant 144 : index
      %swap3A_739 = tpu.vector_load %arg8[%swap3A_738] {strides = array<i32>} : memref<304xf32, #tpu.memory_space<vmem>>, vector<16xf32>,
      tpu.vector_store %arg8[%swap3A_738], %broadcast_in_dim3A_737 {strides = array<i32>} : memref<304xf32, #tpu.memory_space<vmem>>, vector<16xf32>,
      %lt3A_740 = arith.cmpf olt, %sub3A_729, %select_n3A_706 : vector<16xf32>
      %add3A_741 = arith.constant 144 : i32
      %add3A_742 = vector.broadcast %add3A_741 : i32 to vector<16xi32>
      %add3A_743 = arith.addi %iota3A, %add3A_742 : vector<16xi32>
      %select_n3A_744 = arith.select %lt3A_740, %add3A_743, %select_n3A_705 : vector<16xi1>, vector<16xi32>
      %select_n3A_745 = arith.select %lt3A_740, %sub3A_729, %select_n3A_706 : vector<16xi1>, vector<16xf32>
      %get3A_746 = arith.constant 160 : index
      %get3A_747 = tpu.vector_load %arg8[%get3A_746] {strides = array<i32>} : memref<304xf32, #tpu.memory_space<vmem>>, vector<16xf32>,
      %get3A_748 = arith.constant 160 : index
      %get3A_749 = tpu.vector_load %arg5[%get3A_748] {strides = array<i32>} : memref<304xf32, #tpu.memory_space<vmem>>, vector<16xf32>,
      %ne3A_750 = arith.constant 0.000000e+00 : f32
      %ne3A_751 = vector.broadcast %ne3A_750 : f32 to vector<16xf32>
      %ne3A_752 = arith.cmpf one, %get3A_747, %ne3A_751 : vector<16xf32>
      %broadcast_in_dim3A_753 = vector.broadcast %eq3A_356 : i1 to vector<16xi1>
      %not3A_754 = arith.constant dense<true> : vector<16xi1>
      %not3A_755 = arith.xori %broadcast_in_dim3A_753, %not3A_754 : vector<16xi1>
      %and3A_756 = arith.andi %ne3A_752, %not3A_755 : vector<16xi1>
      %get3A_757 = arith.constant 160 : index
      %get3A_758 = tpu.vector_load %arg6[%get3A_757] {strides = array<i32>} : memref<304xf32, #tpu.memory_space<vmem>>, vector<16xf32>,
      %sub3A_759 = vector.broadcast %scan3A_354 : f32 to vector<16xf32>
      %sub3A_760 = arith.subf %get3A_758, %sub3A_759 : vector<16xf32>
      %add3A_761 = arith.addf %get3A_749, %sub3A_760 : vector<16xf32>
      %select_n3A_762 = arith.select %and3A_756, %add3A_761, %get3A_749 : vector<16xi1>, vector<16xf32>
      %swap3A_763 = arith.constant 160 : index
      %swap3A_764 = tpu.vector_load %arg5[%swap3A_763] {strides = array<i32>} : memref<304xf32, #tpu.memory_space<vmem>>, vector<16xf32>,
      tpu.vector_store %arg5[%swap3A_763], %select_n3A_762 {strides = array<i32>} : memref<304xf32, #tpu.memory_space<vmem>>, vector<16xf32>,
      %get3A_765 = arith.index_cast %scan3A_353 : i32 to index
      %get3A_766 = arith.constant 160 : index
      %get3A_767 = tpu.vector_load %arg4[%get3A_765, %get3A_766] {strides = array<i32>} : memref<48x304xf32, #tpu.memory_space<vmem>>, vector<16xf32>,
      %sub3A_768 = arith.subf %get3A_767, %select_n3A_762 : vector<16xf32>
      %swap3A_769 = arith.constant 160 : index
      %swap3A_770 = tpu.vector_load %arg6[%swap3A_769] {strides = array<i32>} : memref<304xf32, #tpu.memory_space<vmem>>, vector<16xf32>,
      tpu.vector_store %arg6[%swap3A_769], %sub3A_768 {strides = array<i32>} : memref<304xf32, #tpu.memory_space<vmem>>, vector<16xf32>,
      %broadcast_in_dim3A_771 = arith.constant -2 : i32
      %broadcast_in_dim3A_772 = vector.broadcast %broadcast_in_dim3A_771 : i32 to vector<16xi32>
      %swap3A_773 = arith.constant 160 : index
      %swap3A_774 = tpu.vector_load %arg7[%swap3A_773] {strides = array<i32>} : memref<304xi32, #tpu.memory_space<vmem>>, vector<16xi32>,
      tpu.vector_store %arg7[%swap3A_773], %broadcast_in_dim3A_772 {strides = array<i32>} : memref<304xi32, #tpu.memory_space<vmem>>, vector<16xi32>,
      %broadcast_in_dim3A_775 = arith.constant 0.000000e+00 : f32
      %broadcast_in_dim3A_776 = vector.broadcast %broadcast_in_dim3A_775 : f32 to vector<16xf32>
      %swap3A_777 = arith.constant 160 : index
      %swap3A_778 = tpu.vector_load %arg8[%swap3A_777] {strides = array<i32>} : memref<304xf32, #tpu.memory_space<vmem>>, vector<16xf32>,
      tpu.vector_store %arg8[%swap3A_777], %broadcast_in_dim3A_776 {strides = array<i32>} : memref<304xf32, #tpu.memory_space<vmem>>, vector<16xf32>,
      %lt3A_779 = arith.cmpf olt, %sub3A_768, %select_n3A_745 : vector<16xf32>
      %add3A_780 = arith.constant 160 : i32
      %add3A_781 = vector.broadcast %add3A_780 : i32 to vector<16xi32>
      %add3A_782 = arith.addi %iota3A, %add3A_781 : vector<16xi32>
      %select_n3A_783 = arith.select %lt3A_779, %add3A_782, %select_n3A_744 : vector<16xi1>, vector<16xi32>
      %select_n3A_784 = arith.select %lt3A_779, %sub3A_768, %select_n3A_745 : vector<16xi1>, vector<16xf32>
      %get3A_785 = arith.constant 176 : index
      %get3A_786 = tpu.vector_load %arg8[%get3A_785] {strides = array<i32>} : memref<304xf32, #tpu.memory_space<vmem>>, vector<16xf32>,
      %get3A_787 = arith.constant 176 : index
      %get3A_788 = tpu.vector_load %arg5[%get3A_787] {strides = array<i32>} : memref<304xf32, #tpu.memory_space<vmem>>, vector<16xf32>,
      %ne3A_789 = arith.constant 0.000000e+00 : f32
      %ne3A_790 = vector.broadcast %ne3A_789 : f32 to vector<16xf32>
      %ne3A_791 = arith.cmpf one, %get3A_786, %ne3A_790 : vector<16xf32>
      %broadcast_in_dim3A_792 = vector.broadcast %eq3A_356 : i1 to vector<16xi1>
      %not3A_793 = arith.constant dense<true> : vector<16xi1>
      %not3A_794 = arith.xori %broadcast_in_dim3A_792, %not3A_793 : vector<16xi1>
      %and3A_795 = arith.andi %ne3A_791, %not3A_794 : vector<16xi1>
      %get3A_796 = arith.constant 176 : index
      %get3A_797 = tpu.vector_load %arg6[%get3A_796] {strides = array<i32>} : memref<304xf32, #tpu.memory_space<vmem>>, vector<16xf32>,
      %sub3A_798 = vector.broadcast %scan3A_354 : f32 to vector<16xf32>
      %sub3A_799 = arith.subf %get3A_797, %sub3A_798 : vector<16xf32>
      %add3A_800 = arith.addf %get3A_788, %sub3A_799 : vector<16xf32>
      %select_n3A_801 = arith.select %and3A_795, %add3A_800, %get3A_788 : vector<16xi1>, vector<16xf32>
      %swap3A_802 = arith.constant 176 : index
      %swap3A_803 = tpu.vector_load %arg5[%swap3A_802] {strides = array<i32>} : memref<304xf32, #tpu.memory_space<vmem>>, vector<16xf32>,
      tpu.vector_store %arg5[%swap3A_802], %select_n3A_801 {strides = array<i32>} : memref<304xf32, #tpu.memory_space<vmem>>, vector<16xf32>,
      %get3A_804 = arith.index_cast %scan3A_353 : i32 to index
      %get3A_805 = arith.constant 176 : index
      %get3A_806 = tpu.vector_load %arg4[%get3A_804, %get3A_805] {strides = array<i32>} : memref<48x304xf32, #tpu.memory_space<vmem>>, vector<16xf32>,
      %sub3A_807 = arith.subf %get3A_806, %select_n3A_801 : vector<16xf32>
      %swap3A_808 = arith.constant 176 : index
      %swap3A_809 = tpu.vector_load %arg6[%swap3A_808] {strides = array<i32>} : memref<304xf32, #tpu.memory_space<vmem>>, vector<16xf32>,
      tpu.vector_store %arg6[%swap3A_808], %sub3A_807 {strides = array<i32>} : memref<304xf32, #tpu.memory_space<vmem>>, vector<16xf32>,
      %broadcast_in_dim3A_810 = arith.constant -2 : i32
      %broadcast_in_dim3A_811 = vector.broadcast %broadcast_in_dim3A_810 : i32 to vector<16xi32>
      %swap3A_812 = arith.constant 176 : index
      %swap3A_813 = tpu.vector_load %arg7[%swap3A_812] {strides = array<i32>} : memref<304xi32, #tpu.memory_space<vmem>>, vector<16xi32>,
      tpu.vector_store %arg7[%swap3A_812], %broadcast_in_dim3A_811 {strides = array<i32>} : memref<304xi32, #tpu.memory_space<vmem>>, vector<16xi32>,
      %broadcast_in_dim3A_814 = arith.constant 0.000000e+00 : f32
      %broadcast_in_dim3A_815 = vector.broadcast %broadcast_in_dim3A_814 : f32 to vector<16xf32>
      %swap3A_816 = arith.constant 176 : index
      %swap3A_817 = tpu.vector_load %arg8[%swap3A_816] {strides = array<i32>} : memref<304xf32, #tpu.memory_space<vmem>>, vector<16xf32>,
      tpu.vector_store %arg8[%swap3A_816], %broadcast_in_dim3A_815 {strides = array<i32>} : memref<304xf32, #tpu.memory_space<vmem>>, vector<16xf32>,
      %lt3A_818 = arith.cmpf olt, %sub3A_807, %select_n3A_784 : vector<16xf32>
      %add3A_819 = arith.constant 176 : i32
      %add3A_820 = vector.broadcast %add3A_819 : i32 to vector<16xi32>
      %add3A_821 = arith.addi %iota3A, %add3A_820 : vector<16xi32>
      %select_n3A_822 = arith.select %lt3A_818, %add3A_821, %select_n3A_783 : vector<16xi1>, vector<16xi32>
      %select_n3A_823 = arith.select %lt3A_818, %sub3A_807, %select_n3A_784 : vector<16xi1>, vector<16xf32>
      %get3A_824 = arith.constant 192 : index
      %get3A_825 = tpu.vector_load %arg8[%get3A_824] {strides = array<i32>} : memref<304xf32, #tpu.memory_space<vmem>>, vector<16xf32>,
      %get3A_826 = arith.constant 192 : index
      %get3A_827 = tpu.vector_load %arg5[%get3A_826] {strides = array<i32>} : memref<304xf32, #tpu.memory_space<vmem>>, vector<16xf32>,
      %ne3A_828 = arith.constant 0.000000e+00 : f32
      %ne3A_829 = vector.broadcast %ne3A_828 : f32 to vector<16xf32>
      %ne3A_830 = arith.cmpf one, %get3A_825, %ne3A_829 : vector<16xf32>
      %broadcast_in_dim3A_831 = vector.broadcast %eq3A_356 : i1 to vector<16xi1>
      %not3A_832 = arith.constant dense<true> : vector<16xi1>
      %not3A_833 = arith.xori %broadcast_in_dim3A_831, %not3A_832 : vector<16xi1>
      %and3A_834 = arith.andi %ne3A_830, %not3A_833 : vector<16xi1>
      %get3A_835 = arith.constant 192 : index
      %get3A_836 = tpu.vector_load %arg6[%get3A_835] {strides = array<i32>} : memref<304xf32, #tpu.memory_space<vmem>>, vector<16xf32>,
      %sub3A_837 = vector.broadcast %scan3A_354 : f32 to vector<16xf32>
      %sub3A_838 = arith.subf %get3A_836, %sub3A_837 : vector<16xf32>
      %add3A_839 = arith.addf %get3A_827, %sub3A_838 : vector<16xf32>
      %select_n3A_840 = arith.select %and3A_834, %add3A_839, %get3A_827 : vector<16xi1>, vector<16xf32>
      %swap3A_841 = arith.constant 192 : index
      %swap3A_842 = tpu.vector_load %arg5[%swap3A_841] {strides = array<i32>} : memref<304xf32, #tpu.memory_space<vmem>>, vector<16xf32>,
      tpu.vector_store %arg5[%swap3A_841], %select_n3A_840 {strides = array<i32>} : memref<304xf32, #tpu.memory_space<vmem>>, vector<16xf32>,
      %get3A_843 = arith.index_cast %scan3A_353 : i32 to index
      %get3A_844 = arith.constant 192 : index
      %get3A_845 = tpu.vector_load %arg4[%get3A_843, %get3A_844] {strides = array<i32>} : memref<48x304xf32, #tpu.memory_space<vmem>>, vector<16xf32>,
      %sub3A_846 = arith.subf %get3A_845, %select_n3A_840 : vector<16xf32>
      %swap3A_847 = arith.constant 192 : index
      %swap3A_848 = tpu.vector_load %arg6[%swap3A_847] {strides = array<i32>} : memref<304xf32, #tpu.memory_space<vmem>>, vector<16xf32>,
      tpu.vector_store %arg6[%swap3A_847], %sub3A_846 {strides = array<i32>} : memref<304xf32, #tpu.memory_space<vmem>>, vector<16xf32>,
      %broadcast_in_dim3A_849 = arith.constant -2 : i32
      %broadcast_in_dim3A_850 = vector.broadcast %broadcast_in_dim3A_849 : i32 to vector<16xi32>
      %swap3A_851 = arith.constant 192 : index
      %swap3A_852 = tpu.vector_load %arg7[%swap3A_851] {strides = array<i32>} : memref<304xi32, #tpu.memory_space<vmem>>, vector<16xi32>,
      tpu.vector_store %arg7[%swap3A_851], %broadcast_in_dim3A_850 {strides = array<i32>} : memref<304xi32, #tpu.memory_space<vmem>>, vector<16xi32>,
      %broadcast_in_dim3A_853 = arith.constant 0.000000e+00 : f32
      %broadcast_in_dim3A_854 = vector.broadcast %broadcast_in_dim3A_853 : f32 to vector<16xf32>
      %swap3A_855 = arith.constant 192 : index
      %swap3A_856 = tpu.vector_load %arg8[%swap3A_855] {strides = array<i32>} : memref<304xf32, #tpu.memory_space<vmem>>, vector<16xf32>,
      tpu.vector_store %arg8[%swap3A_855], %broadcast_in_dim3A_854 {strides = array<i32>} : memref<304xf32, #tpu.memory_space<vmem>>, vector<16xf32>,
      %lt3A_857 = arith.cmpf olt, %sub3A_846, %select_n3A_823 : vector<16xf32>
      %add3A_858 = arith.constant 192 : i32
      %add3A_859 = vector.broadcast %add3A_858 : i32 to vector<16xi32>
      %add3A_860 = arith.addi %iota3A, %add3A_859 : vector<16xi32>
      %select_n3A_861 = arith.select %lt3A_857, %add3A_860, %select_n3A_822 : vector<16xi1>, vector<16xi32>
      %select_n3A_862 = arith.select %lt3A_857, %sub3A_846, %select_n3A_823 : vector<16xi1>, vector<16xf32>
      %get3A_863 = arith.constant 208 : index
      %get3A_864 = tpu.vector_load %arg8[%get3A_863] {strides = array<i32>} : memref<304xf32, #tpu.memory_space<vmem>>, vector<16xf32>,
      %get3A_865 = arith.constant 208 : index
      %get3A_866 = tpu.vector_load %arg5[%get3A_865] {strides = array<i32>} : memref<304xf32, #tpu.memory_space<vmem>>, vector<16xf32>,
      %ne3A_867 = arith.constant 0.000000e+00 : f32
      %ne3A_868 = vector.broadcast %ne3A_867 : f32 to vector<16xf32>
      %ne3A_869 = arith.cmpf one, %get3A_864, %ne3A_868 : vector<16xf32>
      %broadcast_in_dim3A_870 = vector.broadcast %eq3A_356 : i1 to vector<16xi1>
      %not3A_871 = arith.constant dense<true> : vector<16xi1>
      %not3A_872 = arith.xori %broadcast_in_dim3A_870, %not3A_871 : vector<16xi1>
      %and3A_873 = arith.andi %ne3A_869, %not3A_872 : vector<16xi1>
      %get3A_874 = arith.constant 208 : index
      %get3A_875 = tpu.vector_load %arg6[%get3A_874] {strides = array<i32>} : memref<304xf32, #tpu.memory_space<vmem>>, vector<16xf32>,
      %sub3A_876 = vector.broadcast %scan3A_354 : f32 to vector<16xf32>
      %sub3A_877 = arith.subf %get3A_875, %sub3A_876 : vector<16xf32>
      %add3A_878 = arith.addf %get3A_866, %sub3A_877 : vector<16xf32>
      %select_n3A_879 = arith.select %and3A_873, %add3A_878, %get3A_866 : vector<16xi1>, vector<16xf32>
      %swap3A_880 = arith.constant 208 : index
      %swap3A_881 = tpu.vector_load %arg5[%swap3A_880] {strides = array<i32>} : memref<304xf32, #tpu.memory_space<vmem>>, vector<16xf32>,
      tpu.vector_store %arg5[%swap3A_880], %select_n3A_879 {strides = array<i32>} : memref<304xf32, #tpu.memory_space<vmem>>, vector<16xf32>,
      %get3A_882 = arith.index_cast %scan3A_353 : i32 to index
      %get3A_883 = arith.constant 208 : index
      %get3A_884 = tpu.vector_load %arg4[%get3A_882, %get3A_883] {strides = array<i32>} : memref<48x304xf32, #tpu.memory_space<vmem>>, vector<16xf32>,
      %sub3A_885 = arith.subf %get3A_884, %select_n3A_879 : vector<16xf32>
      %swap3A_886 = arith.constant 208 : index
      %swap3A_887 = tpu.vector_load %arg6[%swap3A_886] {strides = array<i32>} : memref<304xf32, #tpu.memory_space<vmem>>, vector<16xf32>,
      tpu.vector_store %arg6[%swap3A_886], %sub3A_885 {strides = array<i32>} : memref<304xf32, #tpu.memory_space<vmem>>, vector<16xf32>,
      %broadcast_in_dim3A_888 = arith.constant -2 : i32
      %broadcast_in_dim3A_889 = vector.broadcast %broadcast_in_dim3A_888 : i32 to vector<16xi32>
      %swap3A_890 = arith.constant 208 : index
      %swap3A_891 = tpu.vector_load %arg7[%swap3A_890] {strides = array<i32>} : memref<304xi32, #tpu.memory_space<vmem>>, vector<16xi32>,
      tpu.vector_store %arg7[%swap3A_890], %broadcast_in_dim3A_889 {strides = array<i32>} : memref<304xi32, #tpu.memory_space<vmem>>, vector<16xi32>,
      %broadcast_in_dim3A_892 = arith.constant 0.000000e+00 : f32
      %broadcast_in_dim3A_893 = vector.broadcast %broadcast_in_dim3A_892 : f32 to vector<16xf32>
      %swap3A_894 = arith.constant 208 : index
      %swap3A_895 = tpu.vector_load %arg8[%swap3A_894] {strides = array<i32>} : memref<304xf32, #tpu.memory_space<vmem>>, vector<16xf32>,
      tpu.vector_store %arg8[%swap3A_894], %broadcast_in_dim3A_893 {strides = array<i32>} : memref<304xf32, #tpu.memory_space<vmem>>, vector<16xf32>,
      %lt3A_896 = arith.cmpf olt, %sub3A_885, %select_n3A_862 : vector<16xf32>
      %add3A_897 = arith.constant 208 : i32
      %add3A_898 = vector.broadcast %add3A_897 : i32 to vector<16xi32>
      %add3A_899 = arith.addi %iota3A, %add3A_898 : vector<16xi32>
      %select_n3A_900 = arith.select %lt3A_896, %add3A_899, %select_n3A_861 : vector<16xi1>, vector<16xi32>
      %select_n3A_901 = arith.select %lt3A_896, %sub3A_885, %select_n3A_862 : vector<16xi1>, vector<16xf32>
      %get3A_902 = arith.constant 224 : index
      %get3A_903 = tpu.vector_load %arg8[%get3A_902] {strides = array<i32>} : memref<304xf32, #tpu.memory_space<vmem>>, vector<16xf32>,
      %get3A_904 = arith.constant 224 : index
      %get3A_905 = tpu.vector_load %arg5[%get3A_904] {strides = array<i32>} : memref<304xf32, #tpu.memory_space<vmem>>, vector<16xf32>,
      %ne3A_906 = arith.constant 0.000000e+00 : f32
      %ne3A_907 = vector.broadcast %ne3A_906 : f32 to vector<16xf32>
      %ne3A_908 = arith.cmpf one, %get3A_903, %ne3A_907 : vector<16xf32>
      %broadcast_in_dim3A_909 = vector.broadcast %eq3A_356 : i1 to vector<16xi1>
      %not3A_910 = arith.constant dense<true> : vector<16xi1>
      %not3A_911 = arith.xori %broadcast_in_dim3A_909, %not3A_910 : vector<16xi1>
      %and3A_912 = arith.andi %ne3A_908, %not3A_911 : vector<16xi1>
      %get3A_913 = arith.constant 224 : index
      %get3A_914 = tpu.vector_load %arg6[%get3A_913] {strides = array<i32>} : memref<304xf32, #tpu.memory_space<vmem>>, vector<16xf32>,
      %sub3A_915 = vector.broadcast %scan3A_354 : f32 to vector<16xf32>
      %sub3A_916 = arith.subf %get3A_914, %sub3A_915 : vector<16xf32>
      %add3A_917 = arith.addf %get3A_905, %sub3A_916 : vector<16xf32>
      %select_n3A_918 = arith.select %and3A_912, %add3A_917, %get3A_905 : vector<16xi1>, vector<16xf32>
      %swap3A_919 = arith.constant 224 : index
      %swap3A_920 = tpu.vector_load %arg5[%swap3A_919] {strides = array<i32>} : memref<304xf32, #tpu.memory_space<vmem>>, vector<16xf32>,
      tpu.vector_store %arg5[%swap3A_919], %select_n3A_918 {strides = array<i32>} : memref<304xf32, #tpu.memory_space<vmem>>, vector<16xf32>,
      %get3A_921 = arith.index_cast %scan3A_353 : i32 to index
      %get3A_922 = arith.constant 224 : index
      %get3A_923 = tpu.vector_load %arg4[%get3A_921, %get3A_922] {strides = array<i32>} : memref<48x304xf32, #tpu.memory_space<vmem>>, vector<16xf32>,
      %sub3A_924 = arith.subf %get3A_923, %select_n3A_918 : vector<16xf32>
      %swap3A_925 = arith.constant 224 : index
      %swap3A_926 = tpu.vector_load %arg6[%swap3A_925] {strides = array<i32>} : memref<304xf32, #tpu.memory_space<vmem>>, vector<16xf32>,
      tpu.vector_store %arg6[%swap3A_925], %sub3A_924 {strides = array<i32>} : memref<304xf32, #tpu.memory_space<vmem>>, vector<16xf32>,
      %broadcast_in_dim3A_927 = arith.constant -2 : i32
      %broadcast_in_dim3A_928 = vector.broadcast %broadcast_in_dim3A_927 : i32 to vector<16xi32>
      %swap3A_929 = arith.constant 224 : index
      %swap3A_930 = tpu.vector_load %arg7[%swap3A_929] {strides = array<i32>} : memref<304xi32, #tpu.memory_space<vmem>>, vector<16xi32>,
      tpu.vector_store %arg7[%swap3A_929], %broadcast_in_dim3A_928 {strides = array<i32>} : memref<304xi32, #tpu.memory_space<vmem>>, vector<16xi32>,
      %broadcast_in_dim3A_931 = arith.constant 0.000000e+00 : f32
      %broadcast_in_dim3A_932 = vector.broadcast %broadcast_in_dim3A_931 : f32 to vector<16xf32>
      %swap3A_933 = arith.constant 224 : index
      %swap3A_934 = tpu.vector_load %arg8[%swap3A_933] {strides = array<i32>} : memref<304xf32, #tpu.memory_space<vmem>>, vector<16xf32>,
      tpu.vector_store %arg8[%swap3A_933], %broadcast_in_dim3A_932 {strides = array<i32>} : memref<304xf32, #tpu.memory_space<vmem>>, vector<16xf32>,
      %lt3A_935 = arith.cmpf olt, %sub3A_924, %select_n3A_901 : vector<16xf32>
      %add3A_936 = arith.constant 224 : i32
      %add3A_937 = vector.broadcast %add3A_936 : i32 to vector<16xi32>
      %add3A_938 = arith.addi %iota3A, %add3A_937 : vector<16xi32>
      %select_n3A_939 = arith.select %lt3A_935, %add3A_938, %select_n3A_900 : vector<16xi1>, vector<16xi32>
      %select_n3A_940 = arith.select %lt3A_935, %sub3A_924, %select_n3A_901 : vector<16xi1>, vector<16xf32>
      %get3A_941 = arith.constant 240 : index
      %get3A_942 = tpu.vector_load %arg8[%get3A_941] {strides = array<i32>} : memref<304xf32, #tpu.memory_space<vmem>>, vector<16xf32>,
      %get3A_943 = arith.constant 240 : index
      %get3A_944 = tpu.vector_load %arg5[%get3A_943] {strides = array<i32>} : memref<304xf32, #tpu.memory_space<vmem>>, vector<16xf32>,
      %ne3A_945 = arith.constant 0.000000e+00 : f32
      %ne3A_946 = vector.broadcast %ne3A_945 : f32 to vector<16xf32>
      %ne3A_947 = arith.cmpf one, %get3A_942, %ne3A_946 : vector<16xf32>
      %broadcast_in_dim3A_948 = vector.broadcast %eq3A_356 : i1 to vector<16xi1>
      %not3A_949 = arith.constant dense<true> : vector<16xi1>
      %not3A_950 = arith.xori %broadcast_in_dim3A_948, %not3A_949 : vector<16xi1>
      %and3A_951 = arith.andi %ne3A_947, %not3A_950 : vector<16xi1>
      %get3A_952 = arith.constant 240 : index
      %get3A_953 = tpu.vector_load %arg6[%get3A_952] {strides = array<i32>} : memref<304xf32, #tpu.memory_space<vmem>>, vector<16xf32>,
      %sub3A_954 = vector.broadcast %scan3A_354 : f32 to vector<16xf32>
      %sub3A_955 = arith.subf %get3A_953, %sub3A_954 : vector<16xf32>
      %add3A_956 = arith.addf %get3A_944, %sub3A_955 : vector<16xf32>
      %select_n3A_957 = arith.select %and3A_951, %add3A_956, %get3A_944 : vector<16xi1>, vector<16xf32>
      %swap3A_958 = arith.constant 240 : index
      %swap3A_959 = tpu.vector_load %arg5[%swap3A_958] {strides = array<i32>} : memref<304xf32, #tpu.memory_space<vmem>>, vector<16xf32>,
      tpu.vector_store %arg5[%swap3A_958], %select_n3A_957 {strides = array<i32>} : memref<304xf32, #tpu.memory_space<vmem>>, vector<16xf32>,
      %get3A_960 = arith.index_cast %scan3A_353 : i32 to index
      %get3A_961 = arith.constant 240 : index
      %get3A_962 = tpu.vector_load %arg4[%get3A_960, %get3A_961] {strides = array<i32>} : memref<48x304xf32, #tpu.memory_space<vmem>>, vector<16xf32>,
      %sub3A_963 = arith.subf %get3A_962, %select_n3A_957 : vector<16xf32>
      %swap3A_964 = arith.constant 240 : index
      %swap3A_965 = tpu.vector_load %arg6[%swap3A_964] {strides = array<i32>} : memref<304xf32, #tpu.memory_space<vmem>>, vector<16xf32>,
      tpu.vector_store %arg6[%swap3A_964], %sub3A_963 {strides = array<i32>} : memref<304xf32, #tpu.memory_space<vmem>>, vector<16xf32>,
      %broadcast_in_dim3A_966 = arith.constant -2 : i32
      %broadcast_in_dim3A_967 = vector.broadcast %broadcast_in_dim3A_966 : i32 to vector<16xi32>
      %swap3A_968 = arith.constant 240 : index
      %swap3A_969 = tpu.vector_load %arg7[%swap3A_968] {strides = array<i32>} : memref<304xi32, #tpu.memory_space<vmem>>, vector<16xi32>,
      tpu.vector_store %arg7[%swap3A_968], %broadcast_in_dim3A_967 {strides = array<i32>} : memref<304xi32, #tpu.memory_space<vmem>>, vector<16xi32>,
      %broadcast_in_dim3A_970 = arith.constant 0.000000e+00 : f32
      %broadcast_in_dim3A_971 = vector.broadcast %broadcast_in_dim3A_970 : f32 to vector<16xf32>
      %swap3A_972 = arith.constant 240 : index
      %swap3A_973 = tpu.vector_load %arg8[%swap3A_972] {strides = array<i32>} : memref<304xf32, #tpu.memory_space<vmem>>, vector<16xf32>,
      tpu.vector_store %arg8[%swap3A_972], %broadcast_in_dim3A_971 {strides = array<i32>} : memref<304xf32, #tpu.memory_space<vmem>>, vector<16xf32>,
      %lt3A_974 = arith.cmpf olt, %sub3A_963, %select_n3A_940 : vector<16xf32>
      %add3A_975 = arith.constant 240 : i32
      %add3A_976 = vector.broadcast %add3A_975 : i32 to vector<16xi32>
      %add3A_977 = arith.addi %iota3A, %add3A_976 : vector<16xi32>
      %select_n3A_978 = arith.select %lt3A_974, %add3A_977, %select_n3A_939 : vector<16xi1>, vector<16xi32>
      %select_n3A_979 = arith.select %lt3A_974, %sub3A_963, %select_n3A_940 : vector<16xi1>, vector<16xf32>
      %get3A_980 = arith.constant 256 : index
      %get3A_981 = tpu.vector_load %arg8[%get3A_980] {strides = array<i32>} : memref<304xf32, #tpu.memory_space<vmem>>, vector<16xf32>,
      %get3A_982 = arith.constant 256 : index
      %get3A_983 = tpu.vector_load %arg5[%get3A_982] {strides = array<i32>} : memref<304xf32, #tpu.memory_space<vmem>>, vector<16xf32>,
      %ne3A_984 = arith.constant 0.000000e+00 : f32
      %ne3A_985 = vector.broadcast %ne3A_984 : f32 to vector<16xf32>
      %ne3A_986 = arith.cmpf one, %get3A_981, %ne3A_985 : vector<16xf32>
      %broadcast_in_dim3A_987 = vector.broadcast %eq3A_356 : i1 to vector<16xi1>
      %not3A_988 = arith.constant dense<true> : vector<16xi1>
      %not3A_989 = arith.xori %broadcast_in_dim3A_987, %not3A_988 : vector<16xi1>
      %and3A_990 = arith.andi %ne3A_986, %not3A_989 : vector<16xi1>
      %get3A_991 = arith.constant 256 : index
      %get3A_992 = tpu.vector_load %arg6[%get3A_991] {strides = array<i32>} : memref<304xf32, #tpu.memory_space<vmem>>, vector<16xf32>,
      %sub3A_993 = vector.broadcast %scan3A_354 : f32 to vector<16xf32>
      %sub3A_994 = arith.subf %get3A_992, %sub3A_993 : vector<16xf32>
      %add3A_995 = arith.addf %get3A_983, %sub3A_994 : vector<16xf32>
      %select_n3A_996 = arith.select %and3A_990, %add3A_995, %get3A_983 : vector<16xi1>, vector<16xf32>
      %swap3A_997 = arith.constant 256 : index
      %swap3A_998 = tpu.vector_load %arg5[%swap3A_997] {strides = array<i32>} : memref<304xf32, #tpu.memory_space<vmem>>, vector<16xf32>,
      tpu.vector_store %arg5[%swap3A_997], %select_n3A_996 {strides = array<i32>} : memref<304xf32, #tpu.memory_space<vmem>>, vector<16xf32>,
      %get3A_999 = arith.index_cast %scan3A_353 : i32 to index
      %get3A_1000 = arith.constant 256 : index
      %get3A_1001 = tpu.vector_load %arg4[%get3A_999, %get3A_1000] {strides = array<i32>} : memref<48x304xf32, #tpu.memory_space<vmem>>, vector<16xf32>,
      %sub3A_1002 = arith.subf %get3A_1001, %select_n3A_996 : vector<16xf32>
      %swap3A_1003 = arith.constant 256 : index
      %swap3A_1004 = tpu.vector_load %arg6[%swap3A_1003] {strides = array<i32>} : memref<304xf32, #tpu.memory_space<vmem>>, vector<16xf32>,
      tpu.vector_store %arg6[%swap3A_1003], %sub3A_1002 {strides = array<i32>} : memref<304xf32, #tpu.memory_space<vmem>>, vector<16xf32>,
      %broadcast_in_dim3A_1005 = arith.constant -2 : i32
      %broadcast_in_dim3A_1006 = vector.broadcast %broadcast_in_dim3A_1005 : i32 to vector<16xi32>
      %swap3A_1007 = arith.constant 256 : index
      %swap3A_1008 = tpu.vector_load %arg7[%swap3A_1007] {strides = array<i32>} : memref<304xi32, #tpu.memory_space<vmem>>, vector<16xi32>,
      tpu.vector_store %arg7[%swap3A_1007], %broadcast_in_dim3A_1006 {strides = array<i32>} : memref<304xi32, #tpu.memory_space<vmem>>, vector<16xi32>,
      %broadcast_in_dim3A_1009 = arith.constant 0.000000e+00 : f32
      %broadcast_in_dim3A_1010 = vector.broadcast %broadcast_in_dim3A_1009 : f32 to vector<16xf32>
      %swap3A_1011 = arith.constant 256 : index
      %swap3A_1012 = tpu.vector_load %arg8[%swap3A_1011] {strides = array<i32>} : memref<304xf32, #tpu.memory_space<vmem>>, vector<16xf32>,
      tpu.vector_store %arg8[%swap3A_1011], %broadcast_in_dim3A_1010 {strides = array<i32>} : memref<304xf32, #tpu.memory_space<vmem>>, vector<16xf32>,
      %lt3A_1013 = arith.cmpf olt, %sub3A_1002, %select_n3A_979 : vector<16xf32>
      %add3A_1014 = arith.constant 256 : i32
      %add3A_1015 = vector.broadcast %add3A_1014 : i32 to vector<16xi32>
      %add3A_1016 = arith.addi %iota3A, %add3A_1015 : vector<16xi32>
      %select_n3A_1017 = arith.select %lt3A_1013, %add3A_1016, %select_n3A_978 : vector<16xi1>, vector<16xi32>
      %select_n3A_1018 = arith.select %lt3A_1013, %sub3A_1002, %select_n3A_979 : vector<16xi1>, vector<16xf32>
      %get3A_1019 = arith.constant 272 : index
      %get3A_1020 = tpu.vector_load %arg8[%get3A_1019] {strides = array<i32>} : memref<304xf32, #tpu.memory_space<vmem>>, vector<16xf32>,
      %get3A_1021 = arith.constant 272 : index
      %get3A_1022 = tpu.vector_load %arg5[%get3A_1021] {strides = array<i32>} : memref<304xf32, #tpu.memory_space<vmem>>, vector<16xf32>,
      %ne3A_1023 = arith.constant 0.000000e+00 : f32
      %ne3A_1024 = vector.broadcast %ne3A_1023 : f32 to vector<16xf32>
      %ne3A_1025 = arith.cmpf one, %get3A_1020, %ne3A_1024 : vector<16xf32>
      %broadcast_in_dim3A_1026 = vector.broadcast %eq3A_356 : i1 to vector<16xi1>
      %not3A_1027 = arith.constant dense<true> : vector<16xi1>
      %not3A_1028 = arith.xori %broadcast_in_dim3A_1026, %not3A_1027 : vector<16xi1>
      %and3A_1029 = arith.andi %ne3A_1025, %not3A_1028 : vector<16xi1>
      %get3A_1030 = arith.constant 272 : index
      %get3A_1031 = tpu.vector_load %arg6[%get3A_1030] {strides = array<i32>} : memref<304xf32, #tpu.memory_space<vmem>>, vector<16xf32>,
      %sub3A_1032 = vector.broadcast %scan3A_354 : f32 to vector<16xf32>
      %sub3A_1033 = arith.subf %get3A_1031, %sub3A_1032 : vector<16xf32>
      %add3A_1034 = arith.addf %get3A_1022, %sub3A_1033 : vector<16xf32>
      %select_n3A_1035 = arith.select %and3A_1029, %add3A_1034, %get3A_1022 : vector<16xi1>, vector<16xf32>
      %swap3A_1036 = arith.constant 272 : index
      %swap3A_1037 = tpu.vector_load %arg5[%swap3A_1036] {strides = array<i32>} : memref<304xf32, #tpu.memory_space<vmem>>, vector<16xf32>,
      tpu.vector_store %arg5[%swap3A_1036], %select_n3A_1035 {strides = array<i32>} : memref<304xf32, #tpu.memory_space<vmem>>, vector<16xf32>,
      %get3A_1038 = arith.index_cast %scan3A_353 : i32 to index
      %get3A_1039 = arith.constant 272 : index
      %get3A_1040 = tpu.vector_load %arg4[%get3A_1038, %get3A_1039] {strides = array<i32>} : memref<48x304xf32, #tpu.memory_space<vmem>>, vector<16xf32>,
      %sub3A_1041 = arith.subf %get3A_1040, %select_n3A_1035 : vector<16xf32>
      %swap3A_1042 = arith.constant 272 : index
      %swap3A_1043 = tpu.vector_load %arg6[%swap3A_1042] {strides = array<i32>} : memref<304xf32, #tpu.memory_space<vmem>>, vector<16xf32>,
      tpu.vector_store %arg6[%swap3A_1042], %sub3A_1041 {strides = array<i32>} : memref<304xf32, #tpu.memory_space<vmem>>, vector<16xf32>,
      %broadcast_in_dim3A_1044 = arith.constant -2 : i32
      %broadcast_in_dim3A_1045 = vector.broadcast %broadcast_in_dim3A_1044 : i32 to vector<16xi32>
      %swap3A_1046 = arith.constant 272 : index
      %swap3A_1047 = tpu.vector_load %arg7[%swap3A_1046] {strides = array<i32>} : memref<304xi32, #tpu.memory_space<vmem>>, vector<16xi32>,
      tpu.vector_store %arg7[%swap3A_1046], %broadcast_in_dim3A_1045 {strides = array<i32>} : memref<304xi32, #tpu.memory_space<vmem>>, vector<16xi32>,
      %broadcast_in_dim3A_1048 = arith.constant 0.000000e+00 : f32
      %broadcast_in_dim3A_1049 = vector.broadcast %broadcast_in_dim3A_1048 : f32 to vector<16xf32>
      %swap3A_1050 = arith.constant 272 : index
      %swap3A_1051 = tpu.vector_load %arg8[%swap3A_1050] {strides = array<i32>} : memref<304xf32, #tpu.memory_space<vmem>>, vector<16xf32>,
      tpu.vector_store %arg8[%swap3A_1050], %broadcast_in_dim3A_1049 {strides = array<i32>} : memref<304xf32, #tpu.memory_space<vmem>>, vector<16xf32>,
      %lt3A_1052 = arith.cmpf olt, %sub3A_1041, %select_n3A_1018 : vector<16xf32>
      %add3A_1053 = arith.constant 272 : i32
      %add3A_1054 = vector.broadcast %add3A_1053 : i32 to vector<16xi32>
      %add3A_1055 = arith.addi %iota3A, %add3A_1054 : vector<16xi32>
      %select_n3A_1056 = arith.select %lt3A_1052, %add3A_1055, %select_n3A_1017 : vector<16xi1>, vector<16xi32>
      %select_n3A_1057 = arith.select %lt3A_1052, %sub3A_1041, %select_n3A_1018 : vector<16xi1>, vector<16xf32>
      %get3A_1058 = arith.constant 288 : index
      %get3A_1059 = tpu.vector_load %arg8[%get3A_1058] {strides = array<i32>} : memref<304xf32, #tpu.memory_space<vmem>>, vector<16xf32>,
      %get3A_1060 = arith.constant 288 : index
      %get3A_1061 = tpu.vector_load %arg5[%get3A_1060] {strides = array<i32>} : memref<304xf32, #tpu.memory_space<vmem>>, vector<16xf32>,
      %ne3A_1062 = arith.constant 0.000000e+00 : f32
      %ne3A_1063 = vector.broadcast %ne3A_1062 : f32 to vector<16xf32>
      %ne3A_1064 = arith.cmpf one, %get3A_1059, %ne3A_1063 : vector<16xf32>
      %broadcast_in_dim3A_1065 = vector.broadcast %eq3A_356 : i1 to vector<16xi1>
      %not3A_1066 = arith.constant dense<true> : vector<16xi1>
      %not3A_1067 = arith.xori %broadcast_in_dim3A_1065, %not3A_1066 : vector<16xi1>
      %and3A_1068 = arith.andi %ne3A_1064, %not3A_1067 : vector<16xi1>
      %get3A_1069 = arith.constant 288 : index
      %get3A_1070 = tpu.vector_load %arg6[%get3A_1069] {strides = array<i32>} : memref<304xf32, #tpu.memory_space<vmem>>, vector<16xf32>,
      %sub3A_1071 = vector.broadcast %scan3A_354 : f32 to vector<16xf32>
      %sub3A_1072 = arith.subf %get3A_1070, %sub3A_1071 : vector<16xf32>
      %add3A_1073 = arith.addf %get3A_1061, %sub3A_1072 : vector<16xf32>
      %select_n3A_1074 = arith.select %and3A_1068, %add3A_1073, %get3A_1061 : vector<16xi1>, vector<16xf32>
      %swap3A_1075 = arith.constant 288 : index
      %swap3A_1076 = tpu.vector_load %arg5[%swap3A_1075] {strides = array<i32>} : memref<304xf32, #tpu.memory_space<vmem>>, vector<16xf32>,
      tpu.vector_store %arg5[%swap3A_1075], %select_n3A_1074 {strides = array<i32>} : memref<304xf32, #tpu.memory_space<vmem>>, vector<16xf32>,
      %get3A_1077 = arith.index_cast %scan3A_353 : i32 to index
      %get3A_1078 = arith.constant 288 : index
      %get3A_1079 = tpu.vector_load %arg4[%get3A_1077, %get3A_1078] {strides = array<i32>} : memref<48x304xf32, #tpu.memory_space<vmem>>, vector<16xf32>,
      %sub3A_1080 = arith.subf %get3A_1079, %select_n3A_1074 : vector<16xf32>
      %swap3A_1081 = arith.constant 288 : index
      %swap3A_1082 = tpu.vector_load %arg6[%swap3A_1081] {strides = array<i32>} : memref<304xf32, #tpu.memory_space<vmem>>, vector<16xf32>,
      tpu.vector_store %arg6[%swap3A_1081], %sub3A_1080 {strides = array<i32>} : memref<304xf32, #tpu.memory_space<vmem>>, vector<16xf32>,
      %broadcast_in_dim3A_1083 = arith.constant -2 : i32
      %broadcast_in_dim3A_1084 = vector.broadcast %broadcast_in_dim3A_1083 : i32 to vector<16xi32>
      %swap3A_1085 = arith.constant 288 : index
      %swap3A_1086 = tpu.vector_load %arg7[%swap3A_1085] {strides = array<i32>} : memref<304xi32, #tpu.memory_space<vmem>>, vector<16xi32>,
      tpu.vector_store %arg7[%swap3A_1085], %broadcast_in_dim3A_1084 {strides = array<i32>} : memref<304xi32, #tpu.memory_space<vmem>>, vector<16xi32>,
      %broadcast_in_dim3A_1087 = arith.constant 0.000000e+00 : f32
      %broadcast_in_dim3A_1088 = vector.broadcast %broadcast_in_dim3A_1087 : f32 to vector<16xf32>
      %swap3A_1089 = arith.constant 288 : index
      %swap3A_1090 = tpu.vector_load %arg8[%swap3A_1089] {strides = array<i32>} : memref<304xf32, #tpu.memory_space<vmem>>, vector<16xf32>,
      tpu.vector_store %arg8[%swap3A_1089], %broadcast_in_dim3A_1088 {strides = array<i32>} : memref<304xf32, #tpu.memory_space<vmem>>, vector<16xf32>,
      %lt3A_1091 = arith.cmpf olt, %sub3A_1080, %select_n3A_1057 : vector<16xf32>
      %add3A_1092 = arith.constant 288 : i32
      %add3A_1093 = vector.broadcast %add3A_1092 : i32 to vector<16xi32>
      %add3A_1094 = arith.addi %iota3A, %add3A_1093 : vector<16xi32>
      %select_n3A_1095 = arith.select %lt3A_1091, %add3A_1094, %select_n3A_1056 : vector<16xi1>, vector<16xi32>
      %select_n3A_1096 = arith.select %lt3A_1091, %sub3A_1080, %select_n3A_1057 : vector<16xi1>, vector<16xf32>
      %reduce_min3A = arith.constant true
      %reduce_min3A_1097 = vector.broadcast %reduce_min3A : i1 to vector<16xi1>
      %reduce_min3A_1098 = tpu.scan <min>, %select_n3A_1096 masked %reduce_min3A_1097 : vector<16xf32>, vector<16xi1> -> vector<16xf32>
      %reduce_min3A_1099 = vector.extract %reduce_min3A_1098[15] : f32 from vector<16xf32>
      %eq3A_1100 = vector.broadcast %reduce_min3A_1099 : f32 to vector<16xf32>
      %eq3A_1101 = arith.cmpf oeq, %select_n3A_1096, %eq3A_1100 : vector<16xf32>
      %jit3A = arith.constant 1073741824 : i32
      %broadcast_in_dim3A_1102 = vector.broadcast %jit3A : i32 to vector<16xi32>
      %select_n3A_1103 = arith.select %eq3A_1101, %select_n3A_1095, %broadcast_in_dim3A_1102 : vector<16xi1>, vector<16xi32>
      %reduce_min3A_1104 = arith.constant true
      %reduce_min3A_1105 = vector.broadcast %reduce_min3A_1104 : i1 to vector<16xi1>
      %reduce_min3A_1106 = arith.constant -2147483648 : i32
      %reduce_min3A_1107 = vector.broadcast %reduce_min3A_1106 : i32 to vector<16xi32>
      %reduce_min3A_1108 = arith.xori %select_n3A_1103, %reduce_min3A_1107 : vector<16xi32>
      %reduce_min3A_1109 = tpu.scan <min>, %reduce_min3A_1108 masked %reduce_min3A_1105 : vector<16xi32>, vector<16xi1> -> vector<16xi32>
      %reduce_min3A_1110 = arith.xori %reduce_min3A_1109, %reduce_min3A_1107 : vector<16xi32>
      %reduce_min3A_1111 = vector.extract %reduce_min3A_1110[15] : i32 from vector<16xi32>
      %while3A:2 = scf.while (%while3A_1117 = %reduce_min3A_1111, %while3A_1118 = %reduce_min3A_1099) : (i32, f32) -> (i32, f32) {
        %get3A_1119 = arith.index_cast %while3A_1117 : i32 to index
        %get3A_1120 = memref.load %arg10[%get3A_1119] : memref<304xi32, #tpu.memory_space<smem>>
        %ne3A_1121 = arith.constant -1 : i32
        %ne3A_1122 = arith.cmpi ne, %get3A_1120, %ne3A_1121 : i32
        scf.condition(%ne3A_1122) %while3A_1117, %while3A_1118 : i32, f32
      } do {
      ^bb0(%while3A_1117: i32, %while3A_1118: f32):
        %get3A_1119 = arith.index_cast %while3A_1117 : i32 to index
        %get3A_1120 = memref.load %arg10[%get3A_1119] : memref<304xi32, #tpu.memory_space<smem>>
        %broadcast_in_dim3A_1121 = vector.broadcast %while3A_1117 : i32 to vector<16xi32>
        %broadcast_in_dim3A_1122 = arith.constant 1.000000e+00 : f32
        %broadcast_in_dim3A_1123 = vector.broadcast %broadcast_in_dim3A_1122 : f32 to vector<16xf32>
        tpu.vector_store_idx %arg8[%broadcast_in_dim3A_1121], %broadcast_in_dim3A_1123 masked %eq3A_16 : memref<304xf32, #tpu.memory_space<vmem>>[vector<16xi32>], vector<16xf32>, vector<16xi1>
        %broadcast_in_dim3A_1124 = vector.broadcast %get3A_1120 : i32 to vector<16xi32>
        %broadcast_in_dim3A_1125 = vector.broadcast %while3A_1117 : i32 to vector<16xi32>
        %gather3A = tpu.vector_load_idx %arg4[%broadcast_in_dim3A_1124, %broadcast_in_dim3A_1125] : memref<48x304xf32, #tpu.memory_space<vmem>>[vector<16xi32>, vector<16xi32>], vector<16xf32>,
        %reduce_min3A_1126 = arith.constant true
        %reduce_min3A_1127 = vector.broadcast %reduce_min3A_1126 : i1 to vector<16xi1>
        %reduce_min3A_1128 = tpu.scan <min>, %gather3A masked %reduce_min3A_1127 : vector<16xf32>, vector<16xi1> -> vector<16xf32>
        %reduce_min3A_1129 = vector.extract %reduce_min3A_1128[15] : f32 from vector<16xf32>
        %broadcast_in_dim3A_1130 = vector.broadcast %while3A_1117 : i32 to vector<16xi32>
        %gather3A_1131 = tpu.vector_load_idx %arg5[%broadcast_in_dim3A_1130] : memref<304xf32, #tpu.memory_space<vmem>>[vector<16xi32>], vector<16xf32>,
        %reduce_min3A_1132 = arith.constant true
        %reduce_min3A_1133 = vector.broadcast %reduce_min3A_1132 : i1 to vector<16xi1>
        %reduce_min3A_1134 = tpu.scan <min>, %gather3A_1131 masked %reduce_min3A_1133 : vector<16xf32>, vector<16xi1> -> vector<16xf32>
        %reduce_min3A_1135 = vector.extract %reduce_min3A_1134[15] : f32 from vector<16xf32>
        %sub3A_1136 = arith.subf %while3A_1118, %reduce_min3A_1129 : f32
        %add3A_1137 = arith.addf %sub3A_1136, %reduce_min3A_1135 : f32
        %broadcast_in_dim3A_1138 = arith.constant 3.000000e+38 : f32
        %broadcast_in_dim3A_1139 = vector.broadcast %broadcast_in_dim3A_1138 : f32 to vector<16xf32>
        %broadcast_in_dim3A_1140 = arith.constant 0 : i32
        %broadcast_in_dim3A_1141 = vector.broadcast %broadcast_in_dim3A_1140 : i32 to vector<16xi32>
        %get3A_1142 = arith.index_cast %get3A_1120 : i32 to index
        %get3A_1143 = arith.constant 0 : index
        %get3A_1144 = tpu.vector_load %arg4[%get3A_1142, %get3A_1143] {strides = array<i32>} : memref<48x304xf32, #tpu.memory_space<vmem>>, vector<16xf32>,
        %get3A_1145 = arith.constant 0 : index
        %get3A_1146 = tpu.vector_load %arg5[%get3A_1145] {strides = array<i32>} : memref<304xf32, #tpu.memory_space<vmem>>, vector<16xf32>,
        %sub3A_1147 = arith.subf %get3A_1144, %get3A_1146 : vector<16xf32>
        %add3A_1148 = vector.broadcast %add3A_1137 : f32 to vector<16xf32>
        %add3A_1149 = arith.addf %sub3A_1147, %add3A_1148 : vector<16xf32>
        %get3A_1150 = arith.constant 0 : index
        %get3A_1151 = tpu.vector_load %arg6[%get3A_1150] {strides = array<i32>} : memref<304xf32, #tpu.memory_space<vmem>>, vector<16xf32>,
        %get3A_1152 = arith.constant 0 : index
        %get3A_1153 = tpu.vector_load %arg8[%get3A_1152] {strides = array<i32>} : memref<304xf32, #tpu.memory_space<vmem>>, vector<16xf32>,
        %lt3A_1154 = arith.cmpf olt, %add3A_1149, %get3A_1151 : vector<16xf32>
        %eq3A_1155 = arith.constant 0.000000e+00 : f32
        %eq3A_1156 = vector.broadcast %eq3A_1155 : f32 to vector<16xf32>
        %eq3A_1157 = arith.cmpf oeq, %get3A_1153, %eq3A_1156 : vector<16xf32>
        %and3A_1158 = arith.andi %lt3A_1154, %eq3A_1157 : vector<16xi1>
        %select_n3A_1159 = arith.select %and3A_1158, %add3A_1149, %get3A_1151 : vector<16xi1>, vector<16xf32>
        %swap3A_1160 = arith.constant 0 : index
        %swap3A_1161 = tpu.vector_load %arg6[%swap3A_1160] {strides = array<i32>} : memref<304xf32, #tpu.memory_space<vmem>>, vector<16xf32>,
        tpu.vector_store %arg6[%swap3A_1160], %select_n3A_1159 {strides = array<i32>} : memref<304xf32, #tpu.memory_space<vmem>>, vector<16xf32>,
        %broadcast_in_dim3A_1162 = vector.broadcast %while3A_1117 : i32 to vector<16xi32>
        %get3A_1163 = arith.constant 0 : index
        %get3A_1164 = tpu.vector_load %arg7[%get3A_1163] {strides = array<i32>} : memref<304xi32, #tpu.memory_space<vmem>>, vector<16xi32>,
        %select_n3A_1165 = arith.select %and3A_1158, %broadcast_in_dim3A_1162, %get3A_1164 : vector<16xi1>, vector<16xi32>
        %swap3A_1166 = arith.constant 0 : index
        %swap3A_1167 = tpu.vector_load %arg7[%swap3A_1166] {strides = array<i32>} : memref<304xi32, #tpu.memory_space<vmem>>, vector<16xi32>,
        tpu.vector_store %arg7[%swap3A_1166], %select_n3A_1165 {strides = array<i32>} : memref<304xi32, #tpu.memory_space<vmem>>, vector<16xi32>,
        %eq3A_1168 = arith.constant 0.000000e+00 : f32
        %eq3A_1169 = vector.broadcast %eq3A_1168 : f32 to vector<16xf32>
        %eq3A_1170 = arith.cmpf oeq, %get3A_1153, %eq3A_1169 : vector<16xf32>
        %jit3A_1171 = arith.constant 3.000000e+38 : f32
        %broadcast_in_dim3A_1172 = vector.broadcast %jit3A_1171 : f32 to vector<16xf32>
        %select_n3A_1173 = arith.select %eq3A_1170, %select_n3A_1159, %broadcast_in_dim3A_1172 : vector<16xi1>, vector<16xf32>
        %lt3A_1174 = arith.cmpf olt, %select_n3A_1173, %broadcast_in_dim3A_1139 : vector<16xf32>
        %add3A_1175 = arith.constant 0 : i32
        %add3A_1176 = vector.broadcast %add3A_1175 : i32 to vector<16xi32>
        %add3A_1177 = arith.addi %iota3A, %add3A_1176 : vector<16xi32>
        %select_n3A_1178 = arith.select %lt3A_1174, %add3A_1177, %broadcast_in_dim3A_1141 : vector<16xi1>, vector<16xi32>
        %select_n3A_1179 = arith.select %lt3A_1174, %select_n3A_1173, %broadcast_in_dim3A_1139 : vector<16xi1>, vector<16xf32>
        %get3A_1180 = arith.index_cast %get3A_1120 : i32 to index
        %get3A_1181 = arith.constant 16 : index
        %get3A_1182 = tpu.vector_load %arg4[%get3A_1180, %get3A_1181] {strides = array<i32>} : memref<48x304xf32, #tpu.memory_space<vmem>>, vector<16xf32>,
        %get3A_1183 = arith.constant 16 : index
        %get3A_1184 = tpu.vector_load %arg5[%get3A_1183] {strides = array<i32>} : memref<304xf32, #tpu.memory_space<vmem>>, vector<16xf32>,
        %sub3A_1185 = arith.subf %get3A_1182, %get3A_1184 : vector<16xf32>
        %add3A_1186 = vector.broadcast %add3A_1137 : f32 to vector<16xf32>
        %add3A_1187 = arith.addf %sub3A_1185, %add3A_1186 : vector<16xf32>
        %get3A_1188 = arith.constant 16 : index
        %get3A_1189 = tpu.vector_load %arg6[%get3A_1188] {strides = array<i32>} : memref<304xf32, #tpu.memory_space<vmem>>, vector<16xf32>,
        %get3A_1190 = arith.constant 16 : index
        %get3A_1191 = tpu.vector_load %arg8[%get3A_1190] {strides = array<i32>} : memref<304xf32, #tpu.memory_space<vmem>>, vector<16xf32>,
        %lt3A_1192 = arith.cmpf olt, %add3A_1187, %get3A_1189 : vector<16xf32>
        %eq3A_1193 = arith.constant 0.000000e+00 : f32
        %eq3A_1194 = vector.broadcast %eq3A_1193 : f32 to vector<16xf32>
        %eq3A_1195 = arith.cmpf oeq, %get3A_1191, %eq3A_1194 : vector<16xf32>
        %and3A_1196 = arith.andi %lt3A_1192, %eq3A_1195 : vector<16xi1>
        %select_n3A_1197 = arith.select %and3A_1196, %add3A_1187, %get3A_1189 : vector<16xi1>, vector<16xf32>
        %swap3A_1198 = arith.constant 16 : index
        %swap3A_1199 = tpu.vector_load %arg6[%swap3A_1198] {strides = array<i32>} : memref<304xf32, #tpu.memory_space<vmem>>, vector<16xf32>,
        tpu.vector_store %arg6[%swap3A_1198], %select_n3A_1197 {strides = array<i32>} : memref<304xf32, #tpu.memory_space<vmem>>, vector<16xf32>,
        %broadcast_in_dim3A_1200 = vector.broadcast %while3A_1117 : i32 to vector<16xi32>
        %get3A_1201 = arith.constant 16 : index
        %get3A_1202 = tpu.vector_load %arg7[%get3A_1201] {strides = array<i32>} : memref<304xi32, #tpu.memory_space<vmem>>, vector<16xi32>,
        %select_n3A_1203 = arith.select %and3A_1196, %broadcast_in_dim3A_1200, %get3A_1202 : vector<16xi1>, vector<16xi32>
        %swap3A_1204 = arith.constant 16 : index
        %swap3A_1205 = tpu.vector_load %arg7[%swap3A_1204] {strides = array<i32>} : memref<304xi32, #tpu.memory_space<vmem>>, vector<16xi32>,
        tpu.vector_store %arg7[%swap3A_1204], %select_n3A_1203 {strides = array<i32>} : memref<304xi32, #tpu.memory_space<vmem>>, vector<16xi32>,
        %eq3A_1206 = arith.constant 0.000000e+00 : f32
        %eq3A_1207 = vector.broadcast %eq3A_1206 : f32 to vector<16xf32>
        %eq3A_1208 = arith.cmpf oeq, %get3A_1191, %eq3A_1207 : vector<16xf32>
        %jit3A_1209 = arith.constant 3.000000e+38 : f32
        %broadcast_in_dim3A_1210 = vector.broadcast %jit3A_1209 : f32 to vector<16xf32>
        %select_n3A_1211 = arith.select %eq3A_1208, %select_n3A_1197, %broadcast_in_dim3A_1210 : vector<16xi1>, vector<16xf32>
        %lt3A_1212 = arith.cmpf olt, %select_n3A_1211, %select_n3A_1179 : vector<16xf32>
        %add3A_1213 = arith.constant 16 : i32
        %add3A_1214 = vector.broadcast %add3A_1213 : i32 to vector<16xi32>
        %add3A_1215 = arith.addi %iota3A, %add3A_1214 : vector<16xi32>
        %select_n3A_1216 = arith.select %lt3A_1212, %add3A_1215, %select_n3A_1178 : vector<16xi1>, vector<16xi32>
        %select_n3A_1217 = arith.select %lt3A_1212, %select_n3A_1211, %select_n3A_1179 : vector<16xi1>, vector<16xf32>
        %get3A_1218 = arith.index_cast %get3A_1120 : i32 to index
        %get3A_1219 = arith.constant 32 : index
        %get3A_1220 = tpu.vector_load %arg4[%get3A_1218, %get3A_1219] {strides = array<i32>} : memref<48x304xf32, #tpu.memory_space<vmem>>, vector<16xf32>,
        %get3A_1221 = arith.constant 32 : index
        %get3A_1222 = tpu.vector_load %arg5[%get3A_1221] {strides = array<i32>} : memref<304xf32, #tpu.memory_space<vmem>>, vector<16xf32>,
        %sub3A_1223 = arith.subf %get3A_1220, %get3A_1222 : vector<16xf32>
        %add3A_1224 = vector.broadcast %add3A_1137 : f32 to vector<16xf32>
        %add3A_1225 = arith.addf %sub3A_1223, %add3A_1224 : vector<16xf32>
        %get3A_1226 = arith.constant 32 : index
        %get3A_1227 = tpu.vector_load %arg6[%get3A_1226] {strides = array<i32>} : memref<304xf32, #tpu.memory_space<vmem>>, vector<16xf32>,
        %get3A_1228 = arith.constant 32 : index
        %get3A_1229 = tpu.vector_load %arg8[%get3A_1228] {strides = array<i32>} : memref<304xf32, #tpu.memory_space<vmem>>, vector<16xf32>,
        %lt3A_1230 = arith.cmpf olt, %add3A_1225, %get3A_1227 : vector<16xf32>
        %eq3A_1231 = arith.constant 0.000000e+00 : f32
        %eq3A_1232 = vector.broadcast %eq3A_1231 : f32 to vector<16xf32>
        %eq3A_1233 = arith.cmpf oeq, %get3A_1229, %eq3A_1232 : vector<16xf32>
        %and3A_1234 = arith.andi %lt3A_1230, %eq3A_1233 : vector<16xi1>
        %select_n3A_1235 = arith.select %and3A_1234, %add3A_1225, %get3A_1227 : vector<16xi1>, vector<16xf32>
        %swap3A_1236 = arith.constant 32 : index
        %swap3A_1237 = tpu.vector_load %arg6[%swap3A_1236] {strides = array<i32>} : memref<304xf32, #tpu.memory_space<vmem>>, vector<16xf32>,
        tpu.vector_store %arg6[%swap3A_1236], %select_n3A_1235 {strides = array<i32>} : memref<304xf32, #tpu.memory_space<vmem>>, vector<16xf32>,
        %broadcast_in_dim3A_1238 = vector.broadcast %while3A_1117 : i32 to vector<16xi32>
        %get3A_1239 = arith.constant 32 : index
        %get3A_1240 = tpu.vector_load %arg7[%get3A_1239] {strides = array<i32>} : memref<304xi32, #tpu.memory_space<vmem>>, vector<16xi32>,
        %select_n3A_1241 = arith.select %and3A_1234, %broadcast_in_dim3A_1238, %get3A_1240 : vector<16xi1>, vector<16xi32>
        %swap3A_1242 = arith.constant 32 : index
        %swap3A_1243 = tpu.vector_load %arg7[%swap3A_1242] {strides = array<i32>} : memref<304xi32, #tpu.memory_space<vmem>>, vector<16xi32>,
        tpu.vector_store %arg7[%swap3A_1242], %select_n3A_1241 {strides = array<i32>} : memref<304xi32, #tpu.memory_space<vmem>>, vector<16xi32>,
        %eq3A_1244 = arith.constant 0.000000e+00 : f32
        %eq3A_1245 = vector.broadcast %eq3A_1244 : f32 to vector<16xf32>
        %eq3A_1246 = arith.cmpf oeq, %get3A_1229, %eq3A_1245 : vector<16xf32>
        %jit3A_1247 = arith.constant 3.000000e+38 : f32
        %broadcast_in_dim3A_1248 = vector.broadcast %jit3A_1247 : f32 to vector<16xf32>
        %select_n3A_1249 = arith.select %eq3A_1246, %select_n3A_1235, %broadcast_in_dim3A_1248 : vector<16xi1>, vector<16xf32>
        %lt3A_1250 = arith.cmpf olt, %select_n3A_1249, %select_n3A_1217 : vector<16xf32>
        %add3A_1251 = arith.constant 32 : i32
        %add3A_1252 = vector.broadcast %add3A_1251 : i32 to vector<16xi32>
        %add3A_1253 = arith.addi %iota3A, %add3A_1252 : vector<16xi32>
        %select_n3A_1254 = arith.select %lt3A_1250, %add3A_1253, %select_n3A_1216 : vector<16xi1>, vector<16xi32>
        %select_n3A_1255 = arith.select %lt3A_1250, %select_n3A_1249, %select_n3A_1217 : vector<16xi1>, vector<16xf32>
        %get3A_1256 = arith.index_cast %get3A_1120 : i32 to index
        %get3A_1257 = arith.constant 48 : index
        %get3A_1258 = tpu.vector_load %arg4[%get3A_1256, %get3A_1257] {strides = array<i32>} : memref<48x304xf32, #tpu.memory_space<vmem>>, vector<16xf32>,
        %get3A_1259 = arith.constant 48 : index
        %get3A_1260 = tpu.vector_load %arg5[%get3A_1259] {strides = array<i32>} : memref<304xf32, #tpu.memory_space<vmem>>, vector<16xf32>,
        %sub3A_1261 = arith.subf %get3A_1258, %get3A_1260 : vector<16xf32>
        %add3A_1262 = vector.broadcast %add3A_1137 : f32 to vector<16xf32>
        %add3A_1263 = arith.addf %sub3A_1261, %add3A_1262 : vector<16xf32>
        %get3A_1264 = arith.constant 48 : index
        %get3A_1265 = tpu.vector_load %arg6[%get3A_1264] {strides = array<i32>} : memref<304xf32, #tpu.memory_space<vmem>>, vector<16xf32>,
        %get3A_1266 = arith.constant 48 : index
        %get3A_1267 = tpu.vector_load %arg8[%get3A_1266] {strides = array<i32>} : memref<304xf32, #tpu.memory_space<vmem>>, vector<16xf32>,
        %lt3A_1268 = arith.cmpf olt, %add3A_1263, %get3A_1265 : vector<16xf32>
        %eq3A_1269 = arith.constant 0.000000e+00 : f32
        %eq3A_1270 = vector.broadcast %eq3A_1269 : f32 to vector<16xf32>
        %eq3A_1271 = arith.cmpf oeq, %get3A_1267, %eq3A_1270 : vector<16xf32>
        %and3A_1272 = arith.andi %lt3A_1268, %eq3A_1271 : vector<16xi1>
        %select_n3A_1273 = arith.select %and3A_1272, %add3A_1263, %get3A_1265 : vector<16xi1>, vector<16xf32>
        %swap3A_1274 = arith.constant 48 : index
        %swap3A_1275 = tpu.vector_load %arg6[%swap3A_1274] {strides = array<i32>} : memref<304xf32, #tpu.memory_space<vmem>>, vector<16xf32>,
        tpu.vector_store %arg6[%swap3A_1274], %select_n3A_1273 {strides = array<i32>} : memref<304xf32, #tpu.memory_space<vmem>>, vector<16xf32>,
        %broadcast_in_dim3A_1276 = vector.broadcast %while3A_1117 : i32 to vector<16xi32>
        %get3A_1277 = arith.constant 48 : index
        %get3A_1278 = tpu.vector_load %arg7[%get3A_1277] {strides = array<i32>} : memref<304xi32, #tpu.memory_space<vmem>>, vector<16xi32>,
        %select_n3A_1279 = arith.select %and3A_1272, %broadcast_in_dim3A_1276, %get3A_1278 : vector<16xi1>, vector<16xi32>
        %swap3A_1280 = arith.constant 48 : index
        %swap3A_1281 = tpu.vector_load %arg7[%swap3A_1280] {strides = array<i32>} : memref<304xi32, #tpu.memory_space<vmem>>, vector<16xi32>,
        tpu.vector_store %arg7[%swap3A_1280], %select_n3A_1279 {strides = array<i32>} : memref<304xi32, #tpu.memory_space<vmem>>, vector<16xi32>,
        %eq3A_1282 = arith.constant 0.000000e+00 : f32
        %eq3A_1283 = vector.broadcast %eq3A_1282 : f32 to vector<16xf32>
        %eq3A_1284 = arith.cmpf oeq, %get3A_1267, %eq3A_1283 : vector<16xf32>
        %jit3A_1285 = arith.constant 3.000000e+38 : f32
        %broadcast_in_dim3A_1286 = vector.broadcast %jit3A_1285 : f32 to vector<16xf32>
        %select_n3A_1287 = arith.select %eq3A_1284, %select_n3A_1273, %broadcast_in_dim3A_1286 : vector<16xi1>, vector<16xf32>
        %lt3A_1288 = arith.cmpf olt, %select_n3A_1287, %select_n3A_1255 : vector<16xf32>
        %add3A_1289 = arith.constant 48 : i32
        %add3A_1290 = vector.broadcast %add3A_1289 : i32 to vector<16xi32>
        %add3A_1291 = arith.addi %iota3A, %add3A_1290 : vector<16xi32>
        %select_n3A_1292 = arith.select %lt3A_1288, %add3A_1291, %select_n3A_1254 : vector<16xi1>, vector<16xi32>
        %select_n3A_1293 = arith.select %lt3A_1288, %select_n3A_1287, %select_n3A_1255 : vector<16xi1>, vector<16xf32>
        %get3A_1294 = arith.index_cast %get3A_1120 : i32 to index
        %get3A_1295 = arith.constant 64 : index
        %get3A_1296 = tpu.vector_load %arg4[%get3A_1294, %get3A_1295] {strides = array<i32>} : memref<48x304xf32, #tpu.memory_space<vmem>>, vector<16xf32>,
        %get3A_1297 = arith.constant 64 : index
        %get3A_1298 = tpu.vector_load %arg5[%get3A_1297] {strides = array<i32>} : memref<304xf32, #tpu.memory_space<vmem>>, vector<16xf32>,
        %sub3A_1299 = arith.subf %get3A_1296, %get3A_1298 : vector<16xf32>
        %add3A_1300 = vector.broadcast %add3A_1137 : f32 to vector<16xf32>
        %add3A_1301 = arith.addf %sub3A_1299, %add3A_1300 : vector<16xf32>
        %get3A_1302 = arith.constant 64 : index
        %get3A_1303 = tpu.vector_load %arg6[%get3A_1302] {strides = array<i32>} : memref<304xf32, #tpu.memory_space<vmem>>, vector<16xf32>,
        %get3A_1304 = arith.constant 64 : index
        %get3A_1305 = tpu.vector_load %arg8[%get3A_1304] {strides = array<i32>} : memref<304xf32, #tpu.memory_space<vmem>>, vector<16xf32>,
        %lt3A_1306 = arith.cmpf olt, %add3A_1301, %get3A_1303 : vector<16xf32>
        %eq3A_1307 = arith.constant 0.000000e+00 : f32
        %eq3A_1308 = vector.broadcast %eq3A_1307 : f32 to vector<16xf32>
        %eq3A_1309 = arith.cmpf oeq, %get3A_1305, %eq3A_1308 : vector<16xf32>
        %and3A_1310 = arith.andi %lt3A_1306, %eq3A_1309 : vector<16xi1>
        %select_n3A_1311 = arith.select %and3A_1310, %add3A_1301, %get3A_1303 : vector<16xi1>, vector<16xf32>
        %swap3A_1312 = arith.constant 64 : index
        %swap3A_1313 = tpu.vector_load %arg6[%swap3A_1312] {strides = array<i32>} : memref<304xf32, #tpu.memory_space<vmem>>, vector<16xf32>,
        tpu.vector_store %arg6[%swap3A_1312], %select_n3A_1311 {strides = array<i32>} : memref<304xf32, #tpu.memory_space<vmem>>, vector<16xf32>,
        %broadcast_in_dim3A_1314 = vector.broadcast %while3A_1117 : i32 to vector<16xi32>
        %get3A_1315 = arith.constant 64 : index
        %get3A_1316 = tpu.vector_load %arg7[%get3A_1315] {strides = array<i32>} : memref<304xi32, #tpu.memory_space<vmem>>, vector<16xi32>,
        %select_n3A_1317 = arith.select %and3A_1310, %broadcast_in_dim3A_1314, %get3A_1316 : vector<16xi1>, vector<16xi32>
        %swap3A_1318 = arith.constant 64 : index
        %swap3A_1319 = tpu.vector_load %arg7[%swap3A_1318] {strides = array<i32>} : memref<304xi32, #tpu.memory_space<vmem>>, vector<16xi32>,
        tpu.vector_store %arg7[%swap3A_1318], %select_n3A_1317 {strides = array<i32>} : memref<304xi32, #tpu.memory_space<vmem>>, vector<16xi32>,
        %eq3A_1320 = arith.constant 0.000000e+00 : f32
        %eq3A_1321 = vector.broadcast %eq3A_1320 : f32 to vector<16xf32>
        %eq3A_1322 = arith.cmpf oeq, %get3A_1305, %eq3A_1321 : vector<16xf32>
        %jit3A_1323 = arith.constant 3.000000e+38 : f32
        %broadcast_in_dim3A_1324 = vector.broadcast %jit3A_1323 : f32 to vector<16xf32>
        %select_n3A_1325 = arith.select %eq3A_1322, %select_n3A_1311, %broadcast_in_dim3A_1324 : vector<16xi1>, vector<16xf32>
        %lt3A_1326 = arith.cmpf olt, %select_n3A_1325, %select_n3A_1293 : vector<16xf32>
        %add3A_1327 = arith.constant 64 : i32
        %add3A_1328 = vector.broadcast %add3A_1327 : i32 to vector<16xi32>
        %add3A_1329 = arith.addi %iota3A, %add3A_1328 : vector<16xi32>
        %select_n3A_1330 = arith.select %lt3A_1326, %add3A_1329, %select_n3A_1292 : vector<16xi1>, vector<16xi32>
        %select_n3A_1331 = arith.select %lt3A_1326, %select_n3A_1325, %select_n3A_1293 : vector<16xi1>, vector<16xf32>
        %get3A_1332 = arith.index_cast %get3A_1120 : i32 to index
        %get3A_1333 = arith.constant 80 : index
        %get3A_1334 = tpu.vector_load %arg4[%get3A_1332, %get3A_1333] {strides = array<i32>} : memref<48x304xf32, #tpu.memory_space<vmem>>, vector<16xf32>,
        %get3A_1335 = arith.constant 80 : index
        %get3A_1336 = tpu.vector_load %arg5[%get3A_1335] {strides = array<i32>} : memref<304xf32, #tpu.memory_space<vmem>>, vector<16xf32>,
        %sub3A_1337 = arith.subf %get3A_1334, %get3A_1336 : vector<16xf32>
        %add3A_1338 = vector.broadcast %add3A_1137 : f32 to vector<16xf32>
        %add3A_1339 = arith.addf %sub3A_1337, %add3A_1338 : vector<16xf32>
        %get3A_1340 = arith.constant 80 : index
        %get3A_1341 = tpu.vector_load %arg6[%get3A_1340] {strides = array<i32>} : memref<304xf32, #tpu.memory_space<vmem>>, vector<16xf32>,
        %get3A_1342 = arith.constant 80 : index
        %get3A_1343 = tpu.vector_load %arg8[%get3A_1342] {strides = array<i32>} : memref<304xf32, #tpu.memory_space<vmem>>, vector<16xf32>,
        %lt3A_1344 = arith.cmpf olt, %add3A_1339, %get3A_1341 : vector<16xf32>
        %eq3A_1345 = arith.constant 0.000000e+00 : f32
        %eq3A_1346 = vector.broadcast %eq3A_1345 : f32 to vector<16xf32>
        %eq3A_1347 = arith.cmpf oeq, %get3A_1343, %eq3A_1346 : vector<16xf32>
        %and3A_1348 = arith.andi %lt3A_1344, %eq3A_1347 : vector<16xi1>
        %select_n3A_1349 = arith.select %and3A_1348, %add3A_1339, %get3A_1341 : vector<16xi1>, vector<16xf32>
        %swap3A_1350 = arith.constant 80 : index
        %swap3A_1351 = tpu.vector_load %arg6[%swap3A_1350] {strides = array<i32>} : memref<304xf32, #tpu.memory_space<vmem>>, vector<16xf32>,
        tpu.vector_store %arg6[%swap3A_1350], %select_n3A_1349 {strides = array<i32>} : memref<304xf32, #tpu.memory_space<vmem>>, vector<16xf32>,
        %broadcast_in_dim3A_1352 = vector.broadcast %while3A_1117 : i32 to vector<16xi32>
        %get3A_1353 = arith.constant 80 : index
        %get3A_1354 = tpu.vector_load %arg7[%get3A_1353] {strides = array<i32>} : memref<304xi32, #tpu.memory_space<vmem>>, vector<16xi32>,
        %select_n3A_1355 = arith.select %and3A_1348, %broadcast_in_dim3A_1352, %get3A_1354 : vector<16xi1>, vector<16xi32>
        %swap3A_1356 = arith.constant 80 : index
        %swap3A_1357 = tpu.vector_load %arg7[%swap3A_1356] {strides = array<i32>} : memref<304xi32, #tpu.memory_space<vmem>>, vector<16xi32>,
        tpu.vector_store %arg7[%swap3A_1356], %select_n3A_1355 {strides = array<i32>} : memref<304xi32, #tpu.memory_space<vmem>>, vector<16xi32>,
        %eq3A_1358 = arith.constant 0.000000e+00 : f32
        %eq3A_1359 = vector.broadcast %eq3A_1358 : f32 to vector<16xf32>
        %eq3A_1360 = arith.cmpf oeq, %get3A_1343, %eq3A_1359 : vector<16xf32>
        %jit3A_1361 = arith.constant 3.000000e+38 : f32
        %broadcast_in_dim3A_1362 = vector.broadcast %jit3A_1361 : f32 to vector<16xf32>
        %select_n3A_1363 = arith.select %eq3A_1360, %select_n3A_1349, %broadcast_in_dim3A_1362 : vector<16xi1>, vector<16xf32>
        %lt3A_1364 = arith.cmpf olt, %select_n3A_1363, %select_n3A_1331 : vector<16xf32>
        %add3A_1365 = arith.constant 80 : i32
        %add3A_1366 = vector.broadcast %add3A_1365 : i32 to vector<16xi32>
        %add3A_1367 = arith.addi %iota3A, %add3A_1366 : vector<16xi32>
        %select_n3A_1368 = arith.select %lt3A_1364, %add3A_1367, %select_n3A_1330 : vector<16xi1>, vector<16xi32>
        %select_n3A_1369 = arith.select %lt3A_1364, %select_n3A_1363, %select_n3A_1331 : vector<16xi1>, vector<16xf32>
        %get3A_1370 = arith.index_cast %get3A_1120 : i32 to index
        %get3A_1371 = arith.constant 96 : index
        %get3A_1372 = tpu.vector_load %arg4[%get3A_1370, %get3A_1371] {strides = array<i32>} : memref<48x304xf32, #tpu.memory_space<vmem>>, vector<16xf32>,
        %get3A_1373 = arith.constant 96 : index
        %get3A_1374 = tpu.vector_load %arg5[%get3A_1373] {strides = array<i32>} : memref<304xf32, #tpu.memory_space<vmem>>, vector<16xf32>,
        %sub3A_1375 = arith.subf %get3A_1372, %get3A_1374 : vector<16xf32>
        %add3A_1376 = vector.broadcast %add3A_1137 : f32 to vector<16xf32>
        %add3A_1377 = arith.addf %sub3A_1375, %add3A_1376 : vector<16xf32>
        %get3A_1378 = arith.constant 96 : index
        %get3A_1379 = tpu.vector_load %arg6[%get3A_1378] {strides = array<i32>} : memref<304xf32, #tpu.memory_space<vmem>>, vector<16xf32>,
        %get3A_1380 = arith.constant 96 : index
        %get3A_1381 = tpu.vector_load %arg8[%get3A_1380] {strides = array<i32>} : memref<304xf32, #tpu.memory_space<vmem>>, vector<16xf32>,
        %lt3A_1382 = arith.cmpf olt, %add3A_1377, %get3A_1379 : vector<16xf32>
        %eq3A_1383 = arith.constant 0.000000e+00 : f32
        %eq3A_1384 = vector.broadcast %eq3A_1383 : f32 to vector<16xf32>
        %eq3A_1385 = arith.cmpf oeq, %get3A_1381, %eq3A_1384 : vector<16xf32>
        %and3A_1386 = arith.andi %lt3A_1382, %eq3A_1385 : vector<16xi1>
        %select_n3A_1387 = arith.select %and3A_1386, %add3A_1377, %get3A_1379 : vector<16xi1>, vector<16xf32>
        %swap3A_1388 = arith.constant 96 : index
        %swap3A_1389 = tpu.vector_load %arg6[%swap3A_1388] {strides = array<i32>} : memref<304xf32, #tpu.memory_space<vmem>>, vector<16xf32>,
        tpu.vector_store %arg6[%swap3A_1388], %select_n3A_1387 {strides = array<i32>} : memref<304xf32, #tpu.memory_space<vmem>>, vector<16xf32>,
        %broadcast_in_dim3A_1390 = vector.broadcast %while3A_1117 : i32 to vector<16xi32>
        %get3A_1391 = arith.constant 96 : index
        %get3A_1392 = tpu.vector_load %arg7[%get3A_1391] {strides = array<i32>} : memref<304xi32, #tpu.memory_space<vmem>>, vector<16xi32>,
        %select_n3A_1393 = arith.select %and3A_1386, %broadcast_in_dim3A_1390, %get3A_1392 : vector<16xi1>, vector<16xi32>
        %swap3A_1394 = arith.constant 96 : index
        %swap3A_1395 = tpu.vector_load %arg7[%swap3A_1394] {strides = array<i32>} : memref<304xi32, #tpu.memory_space<vmem>>, vector<16xi32>,
        tpu.vector_store %arg7[%swap3A_1394], %select_n3A_1393 {strides = array<i32>} : memref<304xi32, #tpu.memory_space<vmem>>, vector<16xi32>,
        %eq3A_1396 = arith.constant 0.000000e+00 : f32
        %eq3A_1397 = vector.broadcast %eq3A_1396 : f32 to vector<16xf32>
        %eq3A_1398 = arith.cmpf oeq, %get3A_1381, %eq3A_1397 : vector<16xf32>
        %jit3A_1399 = arith.constant 3.000000e+38 : f32
        %broadcast_in_dim3A_1400 = vector.broadcast %jit3A_1399 : f32 to vector<16xf32>
        %select_n3A_1401 = arith.select %eq3A_1398, %select_n3A_1387, %broadcast_in_dim3A_1400 : vector<16xi1>, vector<16xf32>
        %lt3A_1402 = arith.cmpf olt, %select_n3A_1401, %select_n3A_1369 : vector<16xf32>
        %add3A_1403 = arith.constant 96 : i32
        %add3A_1404 = vector.broadcast %add3A_1403 : i32 to vector<16xi32>
        %add3A_1405 = arith.addi %iota3A, %add3A_1404 : vector<16xi32>
        %select_n3A_1406 = arith.select %lt3A_1402, %add3A_1405, %select_n3A_1368 : vector<16xi1>, vector<16xi32>
        %select_n3A_1407 = arith.select %lt3A_1402, %select_n3A_1401, %select_n3A_1369 : vector<16xi1>, vector<16xf32>
        %get3A_1408 = arith.index_cast %get3A_1120 : i32 to index
        %get3A_1409 = arith.constant 112 : index
        %get3A_1410 = tpu.vector_load %arg4[%get3A_1408, %get3A_1409] {strides = array<i32>} : memref<48x304xf32, #tpu.memory_space<vmem>>, vector<16xf32>,
        %get3A_1411 = arith.constant 112 : index
        %get3A_1412 = tpu.vector_load %arg5[%get3A_1411] {strides = array<i32>} : memref<304xf32, #tpu.memory_space<vmem>>, vector<16xf32>,
        %sub3A_1413 = arith.subf %get3A_1410, %get3A_1412 : vector<16xf32>
        %add3A_1414 = vector.broadcast %add3A_1137 : f32 to vector<16xf32>
        %add3A_1415 = arith.addf %sub3A_1413, %add3A_1414 : vector<16xf32>
        %get3A_1416 = arith.constant 112 : index
        %get3A_1417 = tpu.vector_load %arg6[%get3A_1416] {strides = array<i32>} : memref<304xf32, #tpu.memory_space<vmem>>, vector<16xf32>,
        %get3A_1418 = arith.constant 112 : index
        %get3A_1419 = tpu.vector_load %arg8[%get3A_1418] {strides = array<i32>} : memref<304xf32, #tpu.memory_space<vmem>>, vector<16xf32>,
        %lt3A_1420 = arith.cmpf olt, %add3A_1415, %get3A_1417 : vector<16xf32>
        %eq3A_1421 = arith.constant 0.000000e+00 : f32
        %eq3A_1422 = vector.broadcast %eq3A_1421 : f32 to vector<16xf32>
        %eq3A_1423 = arith.cmpf oeq, %get3A_1419, %eq3A_1422 : vector<16xf32>
        %and3A_1424 = arith.andi %lt3A_1420, %eq3A_1423 : vector<16xi1>
        %select_n3A_1425 = arith.select %and3A_1424, %add3A_1415, %get3A_1417 : vector<16xi1>, vector<16xf32>
        %swap3A_1426 = arith.constant 112 : index
        %swap3A_1427 = tpu.vector_load %arg6[%swap3A_1426] {strides = array<i32>} : memref<304xf32, #tpu.memory_space<vmem>>, vector<16xf32>,
        tpu.vector_store %arg6[%swap3A_1426], %select_n3A_1425 {strides = array<i32>} : memref<304xf32, #tpu.memory_space<vmem>>, vector<16xf32>,
        %broadcast_in_dim3A_1428 = vector.broadcast %while3A_1117 : i32 to vector<16xi32>
        %get3A_1429 = arith.constant 112 : index
        %get3A_1430 = tpu.vector_load %arg7[%get3A_1429] {strides = array<i32>} : memref<304xi32, #tpu.memory_space<vmem>>, vector<16xi32>,
        %select_n3A_1431 = arith.select %and3A_1424, %broadcast_in_dim3A_1428, %get3A_1430 : vector<16xi1>, vector<16xi32>
        %swap3A_1432 = arith.constant 112 : index
        %swap3A_1433 = tpu.vector_load %arg7[%swap3A_1432] {strides = array<i32>} : memref<304xi32, #tpu.memory_space<vmem>>, vector<16xi32>,
        tpu.vector_store %arg7[%swap3A_1432], %select_n3A_1431 {strides = array<i32>} : memref<304xi32, #tpu.memory_space<vmem>>, vector<16xi32>,
        %eq3A_1434 = arith.constant 0.000000e+00 : f32
        %eq3A_1435 = vector.broadcast %eq3A_1434 : f32 to vector<16xf32>
        %eq3A_1436 = arith.cmpf oeq, %get3A_1419, %eq3A_1435 : vector<16xf32>
        %jit3A_1437 = arith.constant 3.000000e+38 : f32
        %broadcast_in_dim3A_1438 = vector.broadcast %jit3A_1437 : f32 to vector<16xf32>
        %select_n3A_1439 = arith.select %eq3A_1436, %select_n3A_1425, %broadcast_in_dim3A_1438 : vector<16xi1>, vector<16xf32>
        %lt3A_1440 = arith.cmpf olt, %select_n3A_1439, %select_n3A_1407 : vector<16xf32>
        %add3A_1441 = arith.constant 112 : i32
        %add3A_1442 = vector.broadcast %add3A_1441 : i32 to vector<16xi32>
        %add3A_1443 = arith.addi %iota3A, %add3A_1442 : vector<16xi32>
        %select_n3A_1444 = arith.select %lt3A_1440, %add3A_1443, %select_n3A_1406 : vector<16xi1>, vector<16xi32>
        %select_n3A_1445 = arith.select %lt3A_1440, %select_n3A_1439, %select_n3A_1407 : vector<16xi1>, vector<16xf32>
        %get3A_1446 = arith.index_cast %get3A_1120 : i32 to index
        %get3A_1447 = arith.constant 128 : index
        %get3A_1448 = tpu.vector_load %arg4[%get3A_1446, %get3A_1447] {strides = array<i32>} : memref<48x304xf32, #tpu.memory_space<vmem>>, vector<16xf32>,
        %get3A_1449 = arith.constant 128 : index
        %get3A_1450 = tpu.vector_load %arg5[%get3A_1449] {strides = array<i32>} : memref<304xf32, #tpu.memory_space<vmem>>, vector<16xf32>,
        %sub3A_1451 = arith.subf %get3A_1448, %get3A_1450 : vector<16xf32>
        %add3A_1452 = vector.broadcast %add3A_1137 : f32 to vector<16xf32>
        %add3A_1453 = arith.addf %sub3A_1451, %add3A_1452 : vector<16xf32>
        %get3A_1454 = arith.constant 128 : index
        %get3A_1455 = tpu.vector_load %arg6[%get3A_1454] {strides = array<i32>} : memref<304xf32, #tpu.memory_space<vmem>>, vector<16xf32>,
        %get3A_1456 = arith.constant 128 : index
        %get3A_1457 = tpu.vector_load %arg8[%get3A_1456] {strides = array<i32>} : memref<304xf32, #tpu.memory_space<vmem>>, vector<16xf32>,
        %lt3A_1458 = arith.cmpf olt, %add3A_1453, %get3A_1455 : vector<16xf32>
        %eq3A_1459 = arith.constant 0.000000e+00 : f32
        %eq3A_1460 = vector.broadcast %eq3A_1459 : f32 to vector<16xf32>
        %eq3A_1461 = arith.cmpf oeq, %get3A_1457, %eq3A_1460 : vector<16xf32>
        %and3A_1462 = arith.andi %lt3A_1458, %eq3A_1461 : vector<16xi1>
        %select_n3A_1463 = arith.select %and3A_1462, %add3A_1453, %get3A_1455 : vector<16xi1>, vector<16xf32>
        %swap3A_1464 = arith.constant 128 : index
        %swap3A_1465 = tpu.vector_load %arg6[%swap3A_1464] {strides = array<i32>} : memref<304xf32, #tpu.memory_space<vmem>>, vector<16xf32>,
        tpu.vector_store %arg6[%swap3A_1464], %select_n3A_1463 {strides = array<i32>} : memref<304xf32, #tpu.memory_space<vmem>>, vector<16xf32>,
        %broadcast_in_dim3A_1466 = vector.broadcast %while3A_1117 : i32 to vector<16xi32>
        %get3A_1467 = arith.constant 128 : index
        %get3A_1468 = tpu.vector_load %arg7[%get3A_1467] {strides = array<i32>} : memref<304xi32, #tpu.memory_space<vmem>>, vector<16xi32>,
        %select_n3A_1469 = arith.select %and3A_1462, %broadcast_in_dim3A_1466, %get3A_1468 : vector<16xi1>, vector<16xi32>
        %swap3A_1470 = arith.constant 128 : index
        %swap3A_1471 = tpu.vector_load %arg7[%swap3A_1470] {strides = array<i32>} : memref<304xi32, #tpu.memory_space<vmem>>, vector<16xi32>,
        tpu.vector_store %arg7[%swap3A_1470], %select_n3A_1469 {strides = array<i32>} : memref<304xi32, #tpu.memory_space<vmem>>, vector<16xi32>,
        %eq3A_1472 = arith.constant 0.000000e+00 : f32
        %eq3A_1473 = vector.broadcast %eq3A_1472 : f32 to vector<16xf32>
        %eq3A_1474 = arith.cmpf oeq, %get3A_1457, %eq3A_1473 : vector<16xf32>
        %jit3A_1475 = arith.constant 3.000000e+38 : f32
        %broadcast_in_dim3A_1476 = vector.broadcast %jit3A_1475 : f32 to vector<16xf32>
        %select_n3A_1477 = arith.select %eq3A_1474, %select_n3A_1463, %broadcast_in_dim3A_1476 : vector<16xi1>, vector<16xf32>
        %lt3A_1478 = arith.cmpf olt, %select_n3A_1477, %select_n3A_1445 : vector<16xf32>
        %add3A_1479 = arith.constant 128 : i32
        %add3A_1480 = vector.broadcast %add3A_1479 : i32 to vector<16xi32>
        %add3A_1481 = arith.addi %iota3A, %add3A_1480 : vector<16xi32>
        %select_n3A_1482 = arith.select %lt3A_1478, %add3A_1481, %select_n3A_1444 : vector<16xi1>, vector<16xi32>
        %select_n3A_1483 = arith.select %lt3A_1478, %select_n3A_1477, %select_n3A_1445 : vector<16xi1>, vector<16xf32>
        %get3A_1484 = arith.index_cast %get3A_1120 : i32 to index
        %get3A_1485 = arith.constant 144 : index
        %get3A_1486 = tpu.vector_load %arg4[%get3A_1484, %get3A_1485] {strides = array<i32>} : memref<48x304xf32, #tpu.memory_space<vmem>>, vector<16xf32>,
        %get3A_1487 = arith.constant 144 : index
        %get3A_1488 = tpu.vector_load %arg5[%get3A_1487] {strides = array<i32>} : memref<304xf32, #tpu.memory_space<vmem>>, vector<16xf32>,
        %sub3A_1489 = arith.subf %get3A_1486, %get3A_1488 : vector<16xf32>
        %add3A_1490 = vector.broadcast %add3A_1137 : f32 to vector<16xf32>
        %add3A_1491 = arith.addf %sub3A_1489, %add3A_1490 : vector<16xf32>
        %get3A_1492 = arith.constant 144 : index
        %get3A_1493 = tpu.vector_load %arg6[%get3A_1492] {strides = array<i32>} : memref<304xf32, #tpu.memory_space<vmem>>, vector<16xf32>,
        %get3A_1494 = arith.constant 144 : index
        %get3A_1495 = tpu.vector_load %arg8[%get3A_1494] {strides = array<i32>} : memref<304xf32, #tpu.memory_space<vmem>>, vector<16xf32>,
        %lt3A_1496 = arith.cmpf olt, %add3A_1491, %get3A_1493 : vector<16xf32>
        %eq3A_1497 = arith.constant 0.000000e+00 : f32
        %eq3A_1498 = vector.broadcast %eq3A_1497 : f32 to vector<16xf32>
        %eq3A_1499 = arith.cmpf oeq, %get3A_1495, %eq3A_1498 : vector<16xf32>
        %and3A_1500 = arith.andi %lt3A_1496, %eq3A_1499 : vector<16xi1>
        %select_n3A_1501 = arith.select %and3A_1500, %add3A_1491, %get3A_1493 : vector<16xi1>, vector<16xf32>
        %swap3A_1502 = arith.constant 144 : index
        %swap3A_1503 = tpu.vector_load %arg6[%swap3A_1502] {strides = array<i32>} : memref<304xf32, #tpu.memory_space<vmem>>, vector<16xf32>,
        tpu.vector_store %arg6[%swap3A_1502], %select_n3A_1501 {strides = array<i32>} : memref<304xf32, #tpu.memory_space<vmem>>, vector<16xf32>,
        %broadcast_in_dim3A_1504 = vector.broadcast %while3A_1117 : i32 to vector<16xi32>
        %get3A_1505 = arith.constant 144 : index
        %get3A_1506 = tpu.vector_load %arg7[%get3A_1505] {strides = array<i32>} : memref<304xi32, #tpu.memory_space<vmem>>, vector<16xi32>,
        %select_n3A_1507 = arith.select %and3A_1500, %broadcast_in_dim3A_1504, %get3A_1506 : vector<16xi1>, vector<16xi32>
        %swap3A_1508 = arith.constant 144 : index
        %swap3A_1509 = tpu.vector_load %arg7[%swap3A_1508] {strides = array<i32>} : memref<304xi32, #tpu.memory_space<vmem>>, vector<16xi32>,
        tpu.vector_store %arg7[%swap3A_1508], %select_n3A_1507 {strides = array<i32>} : memref<304xi32, #tpu.memory_space<vmem>>, vector<16xi32>,
        %eq3A_1510 = arith.constant 0.000000e+00 : f32
        %eq3A_1511 = vector.broadcast %eq3A_1510 : f32 to vector<16xf32>
        %eq3A_1512 = arith.cmpf oeq, %get3A_1495, %eq3A_1511 : vector<16xf32>
        %jit3A_1513 = arith.constant 3.000000e+38 : f32
        %broadcast_in_dim3A_1514 = vector.broadcast %jit3A_1513 : f32 to vector<16xf32>
        %select_n3A_1515 = arith.select %eq3A_1512, %select_n3A_1501, %broadcast_in_dim3A_1514 : vector<16xi1>, vector<16xf32>
        %lt3A_1516 = arith.cmpf olt, %select_n3A_1515, %select_n3A_1483 : vector<16xf32>
        %add3A_1517 = arith.constant 144 : i32
        %add3A_1518 = vector.broadcast %add3A_1517 : i32 to vector<16xi32>
        %add3A_1519 = arith.addi %iota3A, %add3A_1518 : vector<16xi32>
        %select_n3A_1520 = arith.select %lt3A_1516, %add3A_1519, %select_n3A_1482 : vector<16xi1>, vector<16xi32>
        %select_n3A_1521 = arith.select %lt3A_1516, %select_n3A_1515, %select_n3A_1483 : vector<16xi1>, vector<16xf32>
        %get3A_1522 = arith.index_cast %get3A_1120 : i32 to index
        %get3A_1523 = arith.constant 160 : index
        %get3A_1524 = tpu.vector_load %arg4[%get3A_1522, %get3A_1523] {strides = array<i32>} : memref<48x304xf32, #tpu.memory_space<vmem>>, vector<16xf32>,
        %get3A_1525 = arith.constant 160 : index
        %get3A_1526 = tpu.vector_load %arg5[%get3A_1525] {strides = array<i32>} : memref<304xf32, #tpu.memory_space<vmem>>, vector<16xf32>,
        %sub3A_1527 = arith.subf %get3A_1524, %get3A_1526 : vector<16xf32>
        %add3A_1528 = vector.broadcast %add3A_1137 : f32 to vector<16xf32>
        %add3A_1529 = arith.addf %sub3A_1527, %add3A_1528 : vector<16xf32>
        %get3A_1530 = arith.constant 160 : index
        %get3A_1531 = tpu.vector_load %arg6[%get3A_1530] {strides = array<i32>} : memref<304xf32, #tpu.memory_space<vmem>>, vector<16xf32>,
        %get3A_1532 = arith.constant 160 : index
        %get3A_1533 = tpu.vector_load %arg8[%get3A_1532] {strides = array<i32>} : memref<304xf32, #tpu.memory_space<vmem>>, vector<16xf32>,
        %lt3A_1534 = arith.cmpf olt, %add3A_1529, %get3A_1531 : vector<16xf32>
        %eq3A_1535 = arith.constant 0.000000e+00 : f32
        %eq3A_1536 = vector.broadcast %eq3A_1535 : f32 to vector<16xf32>
        %eq3A_1537 = arith.cmpf oeq, %get3A_1533, %eq3A_1536 : vector<16xf32>
        %and3A_1538 = arith.andi %lt3A_1534, %eq3A_1537 : vector<16xi1>
        %select_n3A_1539 = arith.select %and3A_1538, %add3A_1529, %get3A_1531 : vector<16xi1>, vector<16xf32>
        %swap3A_1540 = arith.constant 160 : index
        %swap3A_1541 = tpu.vector_load %arg6[%swap3A_1540] {strides = array<i32>} : memref<304xf32, #tpu.memory_space<vmem>>, vector<16xf32>,
        tpu.vector_store %arg6[%swap3A_1540], %select_n3A_1539 {strides = array<i32>} : memref<304xf32, #tpu.memory_space<vmem>>, vector<16xf32>,
        %broadcast_in_dim3A_1542 = vector.broadcast %while3A_1117 : i32 to vector<16xi32>
        %get3A_1543 = arith.constant 160 : index
        %get3A_1544 = tpu.vector_load %arg7[%get3A_1543] {strides = array<i32>} : memref<304xi32, #tpu.memory_space<vmem>>, vector<16xi32>,
        %select_n3A_1545 = arith.select %and3A_1538, %broadcast_in_dim3A_1542, %get3A_1544 : vector<16xi1>, vector<16xi32>
        %swap3A_1546 = arith.constant 160 : index
        %swap3A_1547 = tpu.vector_load %arg7[%swap3A_1546] {strides = array<i32>} : memref<304xi32, #tpu.memory_space<vmem>>, vector<16xi32>,
        tpu.vector_store %arg7[%swap3A_1546], %select_n3A_1545 {strides = array<i32>} : memref<304xi32, #tpu.memory_space<vmem>>, vector<16xi32>,
        %eq3A_1548 = arith.constant 0.000000e+00 : f32
        %eq3A_1549 = vector.broadcast %eq3A_1548 : f32 to vector<16xf32>
        %eq3A_1550 = arith.cmpf oeq, %get3A_1533, %eq3A_1549 : vector<16xf32>
        %jit3A_1551 = arith.constant 3.000000e+38 : f32
        %broadcast_in_dim3A_1552 = vector.broadcast %jit3A_1551 : f32 to vector<16xf32>
        %select_n3A_1553 = arith.select %eq3A_1550, %select_n3A_1539, %broadcast_in_dim3A_1552 : vector<16xi1>, vector<16xf32>
        %lt3A_1554 = arith.cmpf olt, %select_n3A_1553, %select_n3A_1521 : vector<16xf32>
        %add3A_1555 = arith.constant 160 : i32
        %add3A_1556 = vector.broadcast %add3A_1555 : i32 to vector<16xi32>
        %add3A_1557 = arith.addi %iota3A, %add3A_1556 : vector<16xi32>
        %select_n3A_1558 = arith.select %lt3A_1554, %add3A_1557, %select_n3A_1520 : vector<16xi1>, vector<16xi32>
        %select_n3A_1559 = arith.select %lt3A_1554, %select_n3A_1553, %select_n3A_1521 : vector<16xi1>, vector<16xf32>
        %get3A_1560 = arith.index_cast %get3A_1120 : i32 to index
        %get3A_1561 = arith.constant 176 : index
        %get3A_1562 = tpu.vector_load %arg4[%get3A_1560, %get3A_1561] {strides = array<i32>} : memref<48x304xf32, #tpu.memory_space<vmem>>, vector<16xf32>,
        %get3A_1563 = arith.constant 176 : index
        %get3A_1564 = tpu.vector_load %arg5[%get3A_1563] {strides = array<i32>} : memref<304xf32, #tpu.memory_space<vmem>>, vector<16xf32>,
        %sub3A_1565 = arith.subf %get3A_1562, %get3A_1564 : vector<16xf32>
        %add3A_1566 = vector.broadcast %add3A_1137 : f32 to vector<16xf32>
        %add3A_1567 = arith.addf %sub3A_1565, %add3A_1566 : vector<16xf32>
        %get3A_1568 = arith.constant 176 : index
        %get3A_1569 = tpu.vector_load %arg6[%get3A_1568] {strides = array<i32>} : memref<304xf32, #tpu.memory_space<vmem>>, vector<16xf32>,
        %get3A_1570 = arith.constant 176 : index
        %get3A_1571 = tpu.vector_load %arg8[%get3A_1570] {strides = array<i32>} : memref<304xf32, #tpu.memory_space<vmem>>, vector<16xf32>,
        %lt3A_1572 = arith.cmpf olt, %add3A_1567, %get3A_1569 : vector<16xf32>
        %eq3A_1573 = arith.constant 0.000000e+00 : f32
        %eq3A_1574 = vector.broadcast %eq3A_1573 : f32 to vector<16xf32>
        %eq3A_1575 = arith.cmpf oeq, %get3A_1571, %eq3A_1574 : vector<16xf32>
        %and3A_1576 = arith.andi %lt3A_1572, %eq3A_1575 : vector<16xi1>
        %select_n3A_1577 = arith.select %and3A_1576, %add3A_1567, %get3A_1569 : vector<16xi1>, vector<16xf32>
        %swap3A_1578 = arith.constant 176 : index
        %swap3A_1579 = tpu.vector_load %arg6[%swap3A_1578] {strides = array<i32>} : memref<304xf32, #tpu.memory_space<vmem>>, vector<16xf32>,
        tpu.vector_store %arg6[%swap3A_1578], %select_n3A_1577 {strides = array<i32>} : memref<304xf32, #tpu.memory_space<vmem>>, vector<16xf32>,
        %broadcast_in_dim3A_1580 = vector.broadcast %while3A_1117 : i32 to vector<16xi32>
        %get3A_1581 = arith.constant 176 : index
        %get3A_1582 = tpu.vector_load %arg7[%get3A_1581] {strides = array<i32>} : memref<304xi32, #tpu.memory_space<vmem>>, vector<16xi32>,
        %select_n3A_1583 = arith.select %and3A_1576, %broadcast_in_dim3A_1580, %get3A_1582 : vector<16xi1>, vector<16xi32>
        %swap3A_1584 = arith.constant 176 : index
        %swap3A_1585 = tpu.vector_load %arg7[%swap3A_1584] {strides = array<i32>} : memref<304xi32, #tpu.memory_space<vmem>>, vector<16xi32>,
        tpu.vector_store %arg7[%swap3A_1584], %select_n3A_1583 {strides = array<i32>} : memref<304xi32, #tpu.memory_space<vmem>>, vector<16xi32>,
        %eq3A_1586 = arith.constant 0.000000e+00 : f32
        %eq3A_1587 = vector.broadcast %eq3A_1586 : f32 to vector<16xf32>
        %eq3A_1588 = arith.cmpf oeq, %get3A_1571, %eq3A_1587 : vector<16xf32>
        %jit3A_1589 = arith.constant 3.000000e+38 : f32
        %broadcast_in_dim3A_1590 = vector.broadcast %jit3A_1589 : f32 to vector<16xf32>
        %select_n3A_1591 = arith.select %eq3A_1588, %select_n3A_1577, %broadcast_in_dim3A_1590 : vector<16xi1>, vector<16xf32>
        %lt3A_1592 = arith.cmpf olt, %select_n3A_1591, %select_n3A_1559 : vector<16xf32>
        %add3A_1593 = arith.constant 176 : i32
        %add3A_1594 = vector.broadcast %add3A_1593 : i32 to vector<16xi32>
        %add3A_1595 = arith.addi %iota3A, %add3A_1594 : vector<16xi32>
        %select_n3A_1596 = arith.select %lt3A_1592, %add3A_1595, %select_n3A_1558 : vector<16xi1>, vector<16xi32>
        %select_n3A_1597 = arith.select %lt3A_1592, %select_n3A_1591, %select_n3A_1559 : vector<16xi1>, vector<16xf32>
        %get3A_1598 = arith.index_cast %get3A_1120 : i32 to index
        %get3A_1599 = arith.constant 192 : index
        %get3A_1600 = tpu.vector_load %arg4[%get3A_1598, %get3A_1599] {strides = array<i32>} : memref<48x304xf32, #tpu.memory_space<vmem>>, vector<16xf32>,
        %get3A_1601 = arith.constant 192 : index
        %get3A_1602 = tpu.vector_load %arg5[%get3A_1601] {strides = array<i32>} : memref<304xf32, #tpu.memory_space<vmem>>, vector<16xf32>,
        %sub3A_1603 = arith.subf %get3A_1600, %get3A_1602 : vector<16xf32>
        %add3A_1604 = vector.broadcast %add3A_1137 : f32 to vector<16xf32>
        %add3A_1605 = arith.addf %sub3A_1603, %add3A_1604 : vector<16xf32>
        %get3A_1606 = arith.constant 192 : index
        %get3A_1607 = tpu.vector_load %arg6[%get3A_1606] {strides = array<i32>} : memref<304xf32, #tpu.memory_space<vmem>>, vector<16xf32>,
        %get3A_1608 = arith.constant 192 : index
        %get3A_1609 = tpu.vector_load %arg8[%get3A_1608] {strides = array<i32>} : memref<304xf32, #tpu.memory_space<vmem>>, vector<16xf32>,
        %lt3A_1610 = arith.cmpf olt, %add3A_1605, %get3A_1607 : vector<16xf32>
        %eq3A_1611 = arith.constant 0.000000e+00 : f32
        %eq3A_1612 = vector.broadcast %eq3A_1611 : f32 to vector<16xf32>
        %eq3A_1613 = arith.cmpf oeq, %get3A_1609, %eq3A_1612 : vector<16xf32>
        %and3A_1614 = arith.andi %lt3A_1610, %eq3A_1613 : vector<16xi1>
        %select_n3A_1615 = arith.select %and3A_1614, %add3A_1605, %get3A_1607 : vector<16xi1>, vector<16xf32>
        %swap3A_1616 = arith.constant 192 : index
        %swap3A_1617 = tpu.vector_load %arg6[%swap3A_1616] {strides = array<i32>} : memref<304xf32, #tpu.memory_space<vmem>>, vector<16xf32>,
        tpu.vector_store %arg6[%swap3A_1616], %select_n3A_1615 {strides = array<i32>} : memref<304xf32, #tpu.memory_space<vmem>>, vector<16xf32>,
        %broadcast_in_dim3A_1618 = vector.broadcast %while3A_1117 : i32 to vector<16xi32>
        %get3A_1619 = arith.constant 192 : index
        %get3A_1620 = tpu.vector_load %arg7[%get3A_1619] {strides = array<i32>} : memref<304xi32, #tpu.memory_space<vmem>>, vector<16xi32>,
        %select_n3A_1621 = arith.select %and3A_1614, %broadcast_in_dim3A_1618, %get3A_1620 : vector<16xi1>, vector<16xi32>
        %swap3A_1622 = arith.constant 192 : index
        %swap3A_1623 = tpu.vector_load %arg7[%swap3A_1622] {strides = array<i32>} : memref<304xi32, #tpu.memory_space<vmem>>, vector<16xi32>,
        tpu.vector_store %arg7[%swap3A_1622], %select_n3A_1621 {strides = array<i32>} : memref<304xi32, #tpu.memory_space<vmem>>, vector<16xi32>,
        %eq3A_1624 = arith.constant 0.000000e+00 : f32
        %eq3A_1625 = vector.broadcast %eq3A_1624 : f32 to vector<16xf32>
        %eq3A_1626 = arith.cmpf oeq, %get3A_1609, %eq3A_1625 : vector<16xf32>
        %jit3A_1627 = arith.constant 3.000000e+38 : f32
        %broadcast_in_dim3A_1628 = vector.broadcast %jit3A_1627 : f32 to vector<16xf32>
        %select_n3A_1629 = arith.select %eq3A_1626, %select_n3A_1615, %broadcast_in_dim3A_1628 : vector<16xi1>, vector<16xf32>
        %lt3A_1630 = arith.cmpf olt, %select_n3A_1629, %select_n3A_1597 : vector<16xf32>
        %add3A_1631 = arith.constant 192 : i32
        %add3A_1632 = vector.broadcast %add3A_1631 : i32 to vector<16xi32>
        %add3A_1633 = arith.addi %iota3A, %add3A_1632 : vector<16xi32>
        %select_n3A_1634 = arith.select %lt3A_1630, %add3A_1633, %select_n3A_1596 : vector<16xi1>, vector<16xi32>
        %select_n3A_1635 = arith.select %lt3A_1630, %select_n3A_1629, %select_n3A_1597 : vector<16xi1>, vector<16xf32>
        %get3A_1636 = arith.index_cast %get3A_1120 : i32 to index
        %get3A_1637 = arith.constant 208 : index
        %get3A_1638 = tpu.vector_load %arg4[%get3A_1636, %get3A_1637] {strides = array<i32>} : memref<48x304xf32, #tpu.memory_space<vmem>>, vector<16xf32>,
        %get3A_1639 = arith.constant 208 : index
        %get3A_1640 = tpu.vector_load %arg5[%get3A_1639] {strides = array<i32>} : memref<304xf32, #tpu.memory_space<vmem>>, vector<16xf32>,
        %sub3A_1641 = arith.subf %get3A_1638, %get3A_1640 : vector<16xf32>
        %add3A_1642 = vector.broadcast %add3A_1137 : f32 to vector<16xf32>
        %add3A_1643 = arith.addf %sub3A_1641, %add3A_1642 : vector<16xf32>
        %get3A_1644 = arith.constant 208 : index
        %get3A_1645 = tpu.vector_load %arg6[%get3A_1644] {strides = array<i32>} : memref<304xf32, #tpu.memory_space<vmem>>, vector<16xf32>,
        %get3A_1646 = arith.constant 208 : index
        %get3A_1647 = tpu.vector_load %arg8[%get3A_1646] {strides = array<i32>} : memref<304xf32, #tpu.memory_space<vmem>>, vector<16xf32>,
        %lt3A_1648 = arith.cmpf olt, %add3A_1643, %get3A_1645 : vector<16xf32>
        %eq3A_1649 = arith.constant 0.000000e+00 : f32
        %eq3A_1650 = vector.broadcast %eq3A_1649 : f32 to vector<16xf32>
        %eq3A_1651 = arith.cmpf oeq, %get3A_1647, %eq3A_1650 : vector<16xf32>
        %and3A_1652 = arith.andi %lt3A_1648, %eq3A_1651 : vector<16xi1>
        %select_n3A_1653 = arith.select %and3A_1652, %add3A_1643, %get3A_1645 : vector<16xi1>, vector<16xf32>
        %swap3A_1654 = arith.constant 208 : index
        %swap3A_1655 = tpu.vector_load %arg6[%swap3A_1654] {strides = array<i32>} : memref<304xf32, #tpu.memory_space<vmem>>, vector<16xf32>,
        tpu.vector_store %arg6[%swap3A_1654], %select_n3A_1653 {strides = array<i32>} : memref<304xf32, #tpu.memory_space<vmem>>, vector<16xf32>,
        %broadcast_in_dim3A_1656 = vector.broadcast %while3A_1117 : i32 to vector<16xi32>
        %get3A_1657 = arith.constant 208 : index
        %get3A_1658 = tpu.vector_load %arg7[%get3A_1657] {strides = array<i32>} : memref<304xi32, #tpu.memory_space<vmem>>, vector<16xi32>,
        %select_n3A_1659 = arith.select %and3A_1652, %broadcast_in_dim3A_1656, %get3A_1658 : vector<16xi1>, vector<16xi32>
        %swap3A_1660 = arith.constant 208 : index
        %swap3A_1661 = tpu.vector_load %arg7[%swap3A_1660] {strides = array<i32>} : memref<304xi32, #tpu.memory_space<vmem>>, vector<16xi32>,
        tpu.vector_store %arg7[%swap3A_1660], %select_n3A_1659 {strides = array<i32>} : memref<304xi32, #tpu.memory_space<vmem>>, vector<16xi32>,
        %eq3A_1662 = arith.constant 0.000000e+00 : f32
        %eq3A_1663 = vector.broadcast %eq3A_1662 : f32 to vector<16xf32>
        %eq3A_1664 = arith.cmpf oeq, %get3A_1647, %eq3A_1663 : vector<16xf32>
        %jit3A_1665 = arith.constant 3.000000e+38 : f32
        %broadcast_in_dim3A_1666 = vector.broadcast %jit3A_1665 : f32 to vector<16xf32>
        %select_n3A_1667 = arith.select %eq3A_1664, %select_n3A_1653, %broadcast_in_dim3A_1666 : vector<16xi1>, vector<16xf32>
        %lt3A_1668 = arith.cmpf olt, %select_n3A_1667, %select_n3A_1635 : vector<16xf32>
        %add3A_1669 = arith.constant 208 : i32
        %add3A_1670 = vector.broadcast %add3A_1669 : i32 to vector<16xi32>
        %add3A_1671 = arith.addi %iota3A, %add3A_1670 : vector<16xi32>
        %select_n3A_1672 = arith.select %lt3A_1668, %add3A_1671, %select_n3A_1634 : vector<16xi1>, vector<16xi32>
        %select_n3A_1673 = arith.select %lt3A_1668, %select_n3A_1667, %select_n3A_1635 : vector<16xi1>, vector<16xf32>
        %get3A_1674 = arith.index_cast %get3A_1120 : i32 to index
        %get3A_1675 = arith.constant 224 : index
        %get3A_1676 = tpu.vector_load %arg4[%get3A_1674, %get3A_1675] {strides = array<i32>} : memref<48x304xf32, #tpu.memory_space<vmem>>, vector<16xf32>,
        %get3A_1677 = arith.constant 224 : index
        %get3A_1678 = tpu.vector_load %arg5[%get3A_1677] {strides = array<i32>} : memref<304xf32, #tpu.memory_space<vmem>>, vector<16xf32>,
        %sub3A_1679 = arith.subf %get3A_1676, %get3A_1678 : vector<16xf32>
        %add3A_1680 = vector.broadcast %add3A_1137 : f32 to vector<16xf32>
        %add3A_1681 = arith.addf %sub3A_1679, %add3A_1680 : vector<16xf32>
        %get3A_1682 = arith.constant 224 : index
        %get3A_1683 = tpu.vector_load %arg6[%get3A_1682] {strides = array<i32>} : memref<304xf32, #tpu.memory_space<vmem>>, vector<16xf32>,
        %get3A_1684 = arith.constant 224 : index
        %get3A_1685 = tpu.vector_load %arg8[%get3A_1684] {strides = array<i32>} : memref<304xf32, #tpu.memory_space<vmem>>, vector<16xf32>,
        %lt3A_1686 = arith.cmpf olt, %add3A_1681, %get3A_1683 : vector<16xf32>
        %eq3A_1687 = arith.constant 0.000000e+00 : f32
        %eq3A_1688 = vector.broadcast %eq3A_1687 : f32 to vector<16xf32>
        %eq3A_1689 = arith.cmpf oeq, %get3A_1685, %eq3A_1688 : vector<16xf32>
        %and3A_1690 = arith.andi %lt3A_1686, %eq3A_1689 : vector<16xi1>
        %select_n3A_1691 = arith.select %and3A_1690, %add3A_1681, %get3A_1683 : vector<16xi1>, vector<16xf32>
        %swap3A_1692 = arith.constant 224 : index
        %swap3A_1693 = tpu.vector_load %arg6[%swap3A_1692] {strides = array<i32>} : memref<304xf32, #tpu.memory_space<vmem>>, vector<16xf32>,
        tpu.vector_store %arg6[%swap3A_1692], %select_n3A_1691 {strides = array<i32>} : memref<304xf32, #tpu.memory_space<vmem>>, vector<16xf32>,
        %broadcast_in_dim3A_1694 = vector.broadcast %while3A_1117 : i32 to vector<16xi32>
        %get3A_1695 = arith.constant 224 : index
        %get3A_1696 = tpu.vector_load %arg7[%get3A_1695] {strides = array<i32>} : memref<304xi32, #tpu.memory_space<vmem>>, vector<16xi32>,
        %select_n3A_1697 = arith.select %and3A_1690, %broadcast_in_dim3A_1694, %get3A_1696 : vector<16xi1>, vector<16xi32>
        %swap3A_1698 = arith.constant 224 : index
        %swap3A_1699 = tpu.vector_load %arg7[%swap3A_1698] {strides = array<i32>} : memref<304xi32, #tpu.memory_space<vmem>>, vector<16xi32>,
        tpu.vector_store %arg7[%swap3A_1698], %select_n3A_1697 {strides = array<i32>} : memref<304xi32, #tpu.memory_space<vmem>>, vector<16xi32>,
        %eq3A_1700 = arith.constant 0.000000e+00 : f32
        %eq3A_1701 = vector.broadcast %eq3A_1700 : f32 to vector<16xf32>
        %eq3A_1702 = arith.cmpf oeq, %get3A_1685, %eq3A_1701 : vector<16xf32>
        %jit3A_1703 = arith.constant 3.000000e+38 : f32
        %broadcast_in_dim3A_1704 = vector.broadcast %jit3A_1703 : f32 to vector<16xf32>
        %select_n3A_1705 = arith.select %eq3A_1702, %select_n3A_1691, %broadcast_in_dim3A_1704 : vector<16xi1>, vector<16xf32>
        %lt3A_1706 = arith.cmpf olt, %select_n3A_1705, %select_n3A_1673 : vector<16xf32>
        %add3A_1707 = arith.constant 224 : i32
        %add3A_1708 = vector.broadcast %add3A_1707 : i32 to vector<16xi32>
        %add3A_1709 = arith.addi %iota3A, %add3A_1708 : vector<16xi32>
        %select_n3A_1710 = arith.select %lt3A_1706, %add3A_1709, %select_n3A_1672 : vector<16xi1>, vector<16xi32>
        %select_n3A_1711 = arith.select %lt3A_1706, %select_n3A_1705, %select_n3A_1673 : vector<16xi1>, vector<16xf32>
        %get3A_1712 = arith.index_cast %get3A_1120 : i32 to index
        %get3A_1713 = arith.constant 240 : index
        %get3A_1714 = tpu.vector_load %arg4[%get3A_1712, %get3A_1713] {strides = array<i32>} : memref<48x304xf32, #tpu.memory_space<vmem>>, vector<16xf32>,
        %get3A_1715 = arith.constant 240 : index
        %get3A_1716 = tpu.vector_load %arg5[%get3A_1715] {strides = array<i32>} : memref<304xf32, #tpu.memory_space<vmem>>, vector<16xf32>,
        %sub3A_1717 = arith.subf %get3A_1714, %get3A_1716 : vector<16xf32>
        %add3A_1718 = vector.broadcast %add3A_1137 : f32 to vector<16xf32>
        %add3A_1719 = arith.addf %sub3A_1717, %add3A_1718 : vector<16xf32>
        %get3A_1720 = arith.constant 240 : index
        %get3A_1721 = tpu.vector_load %arg6[%get3A_1720] {strides = array<i32>} : memref<304xf32, #tpu.memory_space<vmem>>, vector<16xf32>,
        %get3A_1722 = arith.constant 240 : index
        %get3A_1723 = tpu.vector_load %arg8[%get3A_1722] {strides = array<i32>} : memref<304xf32, #tpu.memory_space<vmem>>, vector<16xf32>,
        %lt3A_1724 = arith.cmpf olt, %add3A_1719, %get3A_1721 : vector<16xf32>
        %eq3A_1725 = arith.constant 0.000000e+00 : f32
        %eq3A_1726 = vector.broadcast %eq3A_1725 : f32 to vector<16xf32>
        %eq3A_1727 = arith.cmpf oeq, %get3A_1723, %eq3A_1726 : vector<16xf32>
        %and3A_1728 = arith.andi %lt3A_1724, %eq3A_1727 : vector<16xi1>
        %select_n3A_1729 = arith.select %and3A_1728, %add3A_1719, %get3A_1721 : vector<16xi1>, vector<16xf32>
        %swap3A_1730 = arith.constant 240 : index
        %swap3A_1731 = tpu.vector_load %arg6[%swap3A_1730] {strides = array<i32>} : memref<304xf32, #tpu.memory_space<vmem>>, vector<16xf32>,
        tpu.vector_store %arg6[%swap3A_1730], %select_n3A_1729 {strides = array<i32>} : memref<304xf32, #tpu.memory_space<vmem>>, vector<16xf32>,
        %broadcast_in_dim3A_1732 = vector.broadcast %while3A_1117 : i32 to vector<16xi32>
        %get3A_1733 = arith.constant 240 : index
        %get3A_1734 = tpu.vector_load %arg7[%get3A_1733] {strides = array<i32>} : memref<304xi32, #tpu.memory_space<vmem>>, vector<16xi32>,
        %select_n3A_1735 = arith.select %and3A_1728, %broadcast_in_dim3A_1732, %get3A_1734 : vector<16xi1>, vector<16xi32>
        %swap3A_1736 = arith.constant 240 : index
        %swap3A_1737 = tpu.vector_load %arg7[%swap3A_1736] {strides = array<i32>} : memref<304xi32, #tpu.memory_space<vmem>>, vector<16xi32>,
        tpu.vector_store %arg7[%swap3A_1736], %select_n3A_1735 {strides = array<i32>} : memref<304xi32, #tpu.memory_space<vmem>>, vector<16xi32>,
        %eq3A_1738 = arith.constant 0.000000e+00 : f32
        %eq3A_1739 = vector.broadcast %eq3A_1738 : f32 to vector<16xf32>
        %eq3A_1740 = arith.cmpf oeq, %get3A_1723, %eq3A_1739 : vector<16xf32>
        %jit3A_1741 = arith.constant 3.000000e+38 : f32
        %broadcast_in_dim3A_1742 = vector.broadcast %jit3A_1741 : f32 to vector<16xf32>
        %select_n3A_1743 = arith.select %eq3A_1740, %select_n3A_1729, %broadcast_in_dim3A_1742 : vector<16xi1>, vector<16xf32>
        %lt3A_1744 = arith.cmpf olt, %select_n3A_1743, %select_n3A_1711 : vector<16xf32>
        %add3A_1745 = arith.constant 240 : i32
        %add3A_1746 = vector.broadcast %add3A_1745 : i32 to vector<16xi32>
        %add3A_1747 = arith.addi %iota3A, %add3A_1746 : vector<16xi32>
        %select_n3A_1748 = arith.select %lt3A_1744, %add3A_1747, %select_n3A_1710 : vector<16xi1>, vector<16xi32>
        %select_n3A_1749 = arith.select %lt3A_1744, %select_n3A_1743, %select_n3A_1711 : vector<16xi1>, vector<16xf32>
        %get3A_1750 = arith.index_cast %get3A_1120 : i32 to index
        %get3A_1751 = arith.constant 256 : index
        %get3A_1752 = tpu.vector_load %arg4[%get3A_1750, %get3A_1751] {strides = array<i32>} : memref<48x304xf32, #tpu.memory_space<vmem>>, vector<16xf32>,
        %get3A_1753 = arith.constant 256 : index
        %get3A_1754 = tpu.vector_load %arg5[%get3A_1753] {strides = array<i32>} : memref<304xf32, #tpu.memory_space<vmem>>, vector<16xf32>,
        %sub3A_1755 = arith.subf %get3A_1752, %get3A_1754 : vector<16xf32>
        %add3A_1756 = vector.broadcast %add3A_1137 : f32 to vector<16xf32>
        %add3A_1757 = arith.addf %sub3A_1755, %add3A_1756 : vector<16xf32>
        %get3A_1758 = arith.constant 256 : index
        %get3A_1759 = tpu.vector_load %arg6[%get3A_1758] {strides = array<i32>} : memref<304xf32, #tpu.memory_space<vmem>>, vector<16xf32>,
        %get3A_1760 = arith.constant 256 : index
        %get3A_1761 = tpu.vector_load %arg8[%get3A_1760] {strides = array<i32>} : memref<304xf32, #tpu.memory_space<vmem>>, vector<16xf32>,
        %lt3A_1762 = arith.cmpf olt, %add3A_1757, %get3A_1759 : vector<16xf32>
        %eq3A_1763 = arith.constant 0.000000e+00 : f32
        %eq3A_1764 = vector.broadcast %eq3A_1763 : f32 to vector<16xf32>
        %eq3A_1765 = arith.cmpf oeq, %get3A_1761, %eq3A_1764 : vector<16xf32>
        %and3A_1766 = arith.andi %lt3A_1762, %eq3A_1765 : vector<16xi1>
        %select_n3A_1767 = arith.select %and3A_1766, %add3A_1757, %get3A_1759 : vector<16xi1>, vector<16xf32>
        %swap3A_1768 = arith.constant 256 : index
        %swap3A_1769 = tpu.vector_load %arg6[%swap3A_1768] {strides = array<i32>} : memref<304xf32, #tpu.memory_space<vmem>>, vector<16xf32>,
        tpu.vector_store %arg6[%swap3A_1768], %select_n3A_1767 {strides = array<i32>} : memref<304xf32, #tpu.memory_space<vmem>>, vector<16xf32>,
        %broadcast_in_dim3A_1770 = vector.broadcast %while3A_1117 : i32 to vector<16xi32>
        %get3A_1771 = arith.constant 256 : index
        %get3A_1772 = tpu.vector_load %arg7[%get3A_1771] {strides = array<i32>} : memref<304xi32, #tpu.memory_space<vmem>>, vector<16xi32>,
        %select_n3A_1773 = arith.select %and3A_1766, %broadcast_in_dim3A_1770, %get3A_1772 : vector<16xi1>, vector<16xi32>
        %swap3A_1774 = arith.constant 256 : index
        %swap3A_1775 = tpu.vector_load %arg7[%swap3A_1774] {strides = array<i32>} : memref<304xi32, #tpu.memory_space<vmem>>, vector<16xi32>,
        tpu.vector_store %arg7[%swap3A_1774], %select_n3A_1773 {strides = array<i32>} : memref<304xi32, #tpu.memory_space<vmem>>, vector<16xi32>,
        %eq3A_1776 = arith.constant 0.000000e+00 : f32
        %eq3A_1777 = vector.broadcast %eq3A_1776 : f32 to vector<16xf32>
        %eq3A_1778 = arith.cmpf oeq, %get3A_1761, %eq3A_1777 : vector<16xf32>
        %jit3A_1779 = arith.constant 3.000000e+38 : f32
        %broadcast_in_dim3A_1780 = vector.broadcast %jit3A_1779 : f32 to vector<16xf32>
        %select_n3A_1781 = arith.select %eq3A_1778, %select_n3A_1767, %broadcast_in_dim3A_1780 : vector<16xi1>, vector<16xf32>
        %lt3A_1782 = arith.cmpf olt, %select_n3A_1781, %select_n3A_1749 : vector<16xf32>
        %add3A_1783 = arith.constant 256 : i32
        %add3A_1784 = vector.broadcast %add3A_1783 : i32 to vector<16xi32>
        %add3A_1785 = arith.addi %iota3A, %add3A_1784 : vector<16xi32>
        %select_n3A_1786 = arith.select %lt3A_1782, %add3A_1785, %select_n3A_1748 : vector<16xi1>, vector<16xi32>
        %select_n3A_1787 = arith.select %lt3A_1782, %select_n3A_1781, %select_n3A_1749 : vector<16xi1>, vector<16xf32>
        %get3A_1788 = arith.index_cast %get3A_1120 : i32 to index
        %get3A_1789 = arith.constant 272 : index
        %get3A_1790 = tpu.vector_load %arg4[%get3A_1788, %get3A_1789] {strides = array<i32>} : memref<48x304xf32, #tpu.memory_space<vmem>>, vector<16xf32>,
        %get3A_1791 = arith.constant 272 : index
        %get3A_1792 = tpu.vector_load %arg5[%get3A_1791] {strides = array<i32>} : memref<304xf32, #tpu.memory_space<vmem>>, vector<16xf32>,
        %sub3A_1793 = arith.subf %get3A_1790, %get3A_1792 : vector<16xf32>
        %add3A_1794 = vector.broadcast %add3A_1137 : f32 to vector<16xf32>
        %add3A_1795 = arith.addf %sub3A_1793, %add3A_1794 : vector<16xf32>
        %get3A_1796 = arith.constant 272 : index
        %get3A_1797 = tpu.vector_load %arg6[%get3A_1796] {strides = array<i32>} : memref<304xf32, #tpu.memory_space<vmem>>, vector<16xf32>,
        %get3A_1798 = arith.constant 272 : index
        %get3A_1799 = tpu.vector_load %arg8[%get3A_1798] {strides = array<i32>} : memref<304xf32, #tpu.memory_space<vmem>>, vector<16xf32>,
        %lt3A_1800 = arith.cmpf olt, %add3A_1795, %get3A_1797 : vector<16xf32>
        %eq3A_1801 = arith.constant 0.000000e+00 : f32
        %eq3A_1802 = vector.broadcast %eq3A_1801 : f32 to vector<16xf32>
        %eq3A_1803 = arith.cmpf oeq, %get3A_1799, %eq3A_1802 : vector<16xf32>
        %and3A_1804 = arith.andi %lt3A_1800, %eq3A_1803 : vector<16xi1>
        %select_n3A_1805 = arith.select %and3A_1804, %add3A_1795, %get3A_1797 : vector<16xi1>, vector<16xf32>
        %swap3A_1806 = arith.constant 272 : index
        %swap3A_1807 = tpu.vector_load %arg6[%swap3A_1806] {strides = array<i32>} : memref<304xf32, #tpu.memory_space<vmem>>, vector<16xf32>,
        tpu.vector_store %arg6[%swap3A_1806], %select_n3A_1805 {strides = array<i32>} : memref<304xf32, #tpu.memory_space<vmem>>, vector<16xf32>,
        %broadcast_in_dim3A_1808 = vector.broadcast %while3A_1117 : i32 to vector<16xi32>
        %get3A_1809 = arith.constant 272 : index
        %get3A_1810 = tpu.vector_load %arg7[%get3A_1809] {strides = array<i32>} : memref<304xi32, #tpu.memory_space<vmem>>, vector<16xi32>,
        %select_n3A_1811 = arith.select %and3A_1804, %broadcast_in_dim3A_1808, %get3A_1810 : vector<16xi1>, vector<16xi32>
        %swap3A_1812 = arith.constant 272 : index
        %swap3A_1813 = tpu.vector_load %arg7[%swap3A_1812] {strides = array<i32>} : memref<304xi32, #tpu.memory_space<vmem>>, vector<16xi32>,
        tpu.vector_store %arg7[%swap3A_1812], %select_n3A_1811 {strides = array<i32>} : memref<304xi32, #tpu.memory_space<vmem>>, vector<16xi32>,
        %eq3A_1814 = arith.constant 0.000000e+00 : f32
        %eq3A_1815 = vector.broadcast %eq3A_1814 : f32 to vector<16xf32>
        %eq3A_1816 = arith.cmpf oeq, %get3A_1799, %eq3A_1815 : vector<16xf32>
        %jit3A_1817 = arith.constant 3.000000e+38 : f32
        %broadcast_in_dim3A_1818 = vector.broadcast %jit3A_1817 : f32 to vector<16xf32>
        %select_n3A_1819 = arith.select %eq3A_1816, %select_n3A_1805, %broadcast_in_dim3A_1818 : vector<16xi1>, vector<16xf32>
        %lt3A_1820 = arith.cmpf olt, %select_n3A_1819, %select_n3A_1787 : vector<16xf32>
        %add3A_1821 = arith.constant 272 : i32
        %add3A_1822 = vector.broadcast %add3A_1821 : i32 to vector<16xi32>
        %add3A_1823 = arith.addi %iota3A, %add3A_1822 : vector<16xi32>
        %select_n3A_1824 = arith.select %lt3A_1820, %add3A_1823, %select_n3A_1786 : vector<16xi1>, vector<16xi32>
        %select_n3A_1825 = arith.select %lt3A_1820, %select_n3A_1819, %select_n3A_1787 : vector<16xi1>, vector<16xf32>
        %get3A_1826 = arith.index_cast %get3A_1120 : i32 to index
        %get3A_1827 = arith.constant 288 : index
        %get3A_1828 = tpu.vector_load %arg4[%get3A_1826, %get3A_1827] {strides = array<i32>} : memref<48x304xf32, #tpu.memory_space<vmem>>, vector<16xf32>,
        %get3A_1829 = arith.constant 288 : index
        %get3A_1830 = tpu.vector_load %arg5[%get3A_1829] {strides = array<i32>} : memref<304xf32, #tpu.memory_space<vmem>>, vector<16xf32>,
        %sub3A_1831 = arith.subf %get3A_1828, %get3A_1830 : vector<16xf32>
        %add3A_1832 = vector.broadcast %add3A_1137 : f32 to vector<16xf32>
        %add3A_1833 = arith.addf %sub3A_1831, %add3A_1832 : vector<16xf32>
        %get3A_1834 = arith.constant 288 : index
        %get3A_1835 = tpu.vector_load %arg6[%get3A_1834] {strides = array<i32>} : memref<304xf32, #tpu.memory_space<vmem>>, vector<16xf32>,
        %get3A_1836 = arith.constant 288 : index
        %get3A_1837 = tpu.vector_load %arg8[%get3A_1836] {strides = array<i32>} : memref<304xf32, #tpu.memory_space<vmem>>, vector<16xf32>,
        %lt3A_1838 = arith.cmpf olt, %add3A_1833, %get3A_1835 : vector<16xf32>
        %eq3A_1839 = arith.constant 0.000000e+00 : f32
        %eq3A_1840 = vector.broadcast %eq3A_1839 : f32 to vector<16xf32>
        %eq3A_1841 = arith.cmpf oeq, %get3A_1837, %eq3A_1840 : vector<16xf32>
        %and3A_1842 = arith.andi %lt3A_1838, %eq3A_1841 : vector<16xi1>
        %select_n3A_1843 = arith.select %and3A_1842, %add3A_1833, %get3A_1835 : vector<16xi1>, vector<16xf32>
        %swap3A_1844 = arith.constant 288 : index
        %swap3A_1845 = tpu.vector_load %arg6[%swap3A_1844] {strides = array<i32>} : memref<304xf32, #tpu.memory_space<vmem>>, vector<16xf32>,
        tpu.vector_store %arg6[%swap3A_1844], %select_n3A_1843 {strides = array<i32>} : memref<304xf32, #tpu.memory_space<vmem>>, vector<16xf32>,
        %broadcast_in_dim3A_1846 = vector.broadcast %while3A_1117 : i32 to vector<16xi32>
        %get3A_1847 = arith.constant 288 : index
        %get3A_1848 = tpu.vector_load %arg7[%get3A_1847] {strides = array<i32>} : memref<304xi32, #tpu.memory_space<vmem>>, vector<16xi32>,
        %select_n3A_1849 = arith.select %and3A_1842, %broadcast_in_dim3A_1846, %get3A_1848 : vector<16xi1>, vector<16xi32>
        %swap3A_1850 = arith.constant 288 : index
        %swap3A_1851 = tpu.vector_load %arg7[%swap3A_1850] {strides = array<i32>} : memref<304xi32, #tpu.memory_space<vmem>>, vector<16xi32>,
        tpu.vector_store %arg7[%swap3A_1850], %select_n3A_1849 {strides = array<i32>} : memref<304xi32, #tpu.memory_space<vmem>>, vector<16xi32>,
        %eq3A_1852 = arith.constant 0.000000e+00 : f32
        %eq3A_1853 = vector.broadcast %eq3A_1852 : f32 to vector<16xf32>
        %eq3A_1854 = arith.cmpf oeq, %get3A_1837, %eq3A_1853 : vector<16xf32>
        %jit3A_1855 = arith.constant 3.000000e+38 : f32
        %broadcast_in_dim3A_1856 = vector.broadcast %jit3A_1855 : f32 to vector<16xf32>
        %select_n3A_1857 = arith.select %eq3A_1854, %select_n3A_1843, %broadcast_in_dim3A_1856 : vector<16xi1>, vector<16xf32>
        %lt3A_1858 = arith.cmpf olt, %select_n3A_1857, %select_n3A_1825 : vector<16xf32>
        %add3A_1859 = arith.constant 288 : i32
        %add3A_1860 = vector.broadcast %add3A_1859 : i32 to vector<16xi32>
        %add3A_1861 = arith.addi %iota3A, %add3A_1860 : vector<16xi32>
        %select_n3A_1862 = arith.select %lt3A_1858, %add3A_1861, %select_n3A_1824 : vector<16xi1>, vector<16xi32>
        %select_n3A_1863 = arith.select %lt3A_1858, %select_n3A_1857, %select_n3A_1825 : vector<16xi1>, vector<16xf32>
        %reduce_min3A_1864 = arith.constant true
        %reduce_min3A_1865 = vector.broadcast %reduce_min3A_1864 : i1 to vector<16xi1>
        %reduce_min3A_1866 = tpu.scan <min>, %select_n3A_1863 masked %reduce_min3A_1865 : vector<16xf32>, vector<16xi1> -> vector<16xf32>
        %reduce_min3A_1867 = vector.extract %reduce_min3A_1866[15] : f32 from vector<16xf32>
        %eq3A_1868 = vector.broadcast %reduce_min3A_1867 : f32 to vector<16xf32>
        %eq3A_1869 = arith.cmpf oeq, %select_n3A_1863, %eq3A_1868 : vector<16xf32>
        %jit3A_1870 = arith.constant 1073741824 : i32
        %broadcast_in_dim3A_1871 = vector.broadcast %jit3A_1870 : i32 to vector<16xi32>
        %select_n3A_1872 = arith.select %eq3A_1869, %select_n3A_1862, %broadcast_in_dim3A_1871 : vector<16xi1>, vector<16xi32>
        %reduce_min3A_1873 = arith.constant true
        %reduce_min3A_1874 = vector.broadcast %reduce_min3A_1873 : i1 to vector<16xi1>
        %reduce_min3A_1875 = arith.constant -2147483648 : i32
        %reduce_min3A_1876 = vector.broadcast %reduce_min3A_1875 : i32 to vector<16xi32>
        %reduce_min3A_1877 = arith.xori %select_n3A_1872, %reduce_min3A_1876 : vector<16xi32>
        %reduce_min3A_1878 = tpu.scan <min>, %reduce_min3A_1877 masked %reduce_min3A_1874 : vector<16xi32>, vector<16xi1> -> vector<16xi32>
        %reduce_min3A_1879 = arith.xori %reduce_min3A_1878, %reduce_min3A_1876 : vector<16xi32>
        %reduce_min3A_1880 = vector.extract %reduce_min3A_1879[15] : i32 from vector<16xi32>
        scf.yield %reduce_min3A_1880, %reduce_min3A_1867 : i32, f32
      }
      %while3A_1112 = scf.while (%while3A_1117 = %while3A#0) : (i32) -> i32 {
        %broadcast_in_dim3A_1118 = vector.broadcast %while3A_1117 : i32 to vector<16xi32>
        %gather3A = tpu.vector_load_idx %arg7[%broadcast_in_dim3A_1118] : memref<304xi32, #tpu.memory_space<vmem>>[vector<16xi32>], vector<16xi32>,
        %reduce_min3A_1119 = arith.constant true
        %reduce_min3A_1120 = vector.broadcast %reduce_min3A_1119 : i1 to vector<16xi1>
        %reduce_min3A_1121 = arith.constant -2147483648 : i32
        %reduce_min3A_1122 = vector.broadcast %reduce_min3A_1121 : i32 to vector<16xi32>
        %reduce_min3A_1123 = arith.xori %gather3A, %reduce_min3A_1122 : vector<16xi32>
        %reduce_min3A_1124 = tpu.scan <min>, %reduce_min3A_1123 masked %reduce_min3A_1120 : vector<16xi32>, vector<16xi1> -> vector<16xi32>
        %reduce_min3A_1125 = arith.xori %reduce_min3A_1124, %reduce_min3A_1122 : vector<16xi32>
        %reduce_min3A_1126 = vector.extract %reduce_min3A_1125[15] : i32 from vector<16xi32>
        %ne3A_1127 = arith.constant -2 : i32
        %ne3A_1128 = arith.cmpi ne, %reduce_min3A_1126, %ne3A_1127 : i32
        scf.condition(%ne3A_1128) %while3A_1117 : i32
      } do {
      ^bb0(%while3A_1117: i32):
        %broadcast_in_dim3A_1118 = vector.broadcast %while3A_1117 : i32 to vector<16xi32>
        %gather3A = tpu.vector_load_idx %arg7[%broadcast_in_dim3A_1118] : memref<304xi32, #tpu.memory_space<vmem>>[vector<16xi32>], vector<16xi32>,
        %reduce_min3A_1119 = arith.constant true
        %reduce_min3A_1120 = vector.broadcast %reduce_min3A_1119 : i1 to vector<16xi1>
        %reduce_min3A_1121 = arith.constant -2147483648 : i32
        %reduce_min3A_1122 = vector.broadcast %reduce_min3A_1121 : i32 to vector<16xi32>
        %reduce_min3A_1123 = arith.xori %gather3A, %reduce_min3A_1122 : vector<16xi32>
        %reduce_min3A_1124 = tpu.scan <min>, %reduce_min3A_1123 masked %reduce_min3A_1120 : vector<16xi32>, vector<16xi1> -> vector<16xi32>
        %reduce_min3A_1125 = arith.xori %reduce_min3A_1124, %reduce_min3A_1122 : vector<16xi32>
        %reduce_min3A_1126 = vector.extract %reduce_min3A_1125[15] : i32 from vector<16xi32>
        %get3A_1127 = arith.index_cast %reduce_min3A_1126 : i32 to index
        %get3A_1128 = memref.load %arg10[%get3A_1127] : memref<304xi32, #tpu.memory_space<smem>>
        %swap3A_1129 = arith.index_cast %while3A_1117 : i32 to index
        %swap3A_1130 = memref.load %arg10[%swap3A_1129] : memref<304xi32, #tpu.memory_space<smem>>
        memref.store %get3A_1128, %arg10[%swap3A_1129] : memref<304xi32, #tpu.memory_space<smem>>
        %swap3A_1131 = arith.index_cast %get3A_1128 : i32 to index
        %swap3A_1132 = memref.load %arg11[%swap3A_1131] : memref<48xi32, #tpu.memory_space<smem>>
        memref.store %while3A_1117, %arg11[%swap3A_1131] : memref<48xi32, #tpu.memory_space<smem>>
        scf.yield %reduce_min3A_1126 : i32
      }
      %swap3A_1113 = arith.index_cast %while3A_1112 : i32 to index
      %swap3A_1114 = memref.load %arg10[%swap3A_1113] : memref<304xi32, #tpu.memory_space<smem>>
      memref.store %scan3A_353, %arg10[%swap3A_1113] : memref<304xi32, #tpu.memory_space<smem>>
      %swap3A_1115 = arith.index_cast %scan3A_353 : i32 to index
      %swap3A_1116 = memref.load %arg11[%swap3A_1115] : memref<48xi32, #tpu.memory_space<smem>>
      memref.store %while3A_1112, %arg11[%swap3A_1115] : memref<48xi32, #tpu.memory_space<smem>>
      scf.yield %while3A#1 : f32
    }
    %scan3A_327 = arith.constant 40 : i32
    %mul3A_328 = arith.constant 1.000000e-01 : f32
    %mul3A_329 = arith.mulf %mul3A_328, %add3A_320 : f32
    %scan3A_330 = arith.constant 0.000000e+00 : f32
    %scan3A_331 = arith.constant 0 : i32
    %scan3A_332 = arith.constant 40 : i32
    %scan3A_333 = arith.addi %scan3A_331, %scan3A_332 : i32
    %scan3A_334 = arith.constant 1 : i32
    %scan3A_335 = scf.for %scan3A_353 = %scan3A_331 to %scan3A_333 step %scan3A_334 iter_args(%scan3A_354 = %scan3A_330) -> (f32)  : i32 {
      %get3A_355 = arith.index_cast %scan3A_353 : i32 to index
      %get3A_356 = memref.load %arg11[%get3A_355] : memref<48xi32, #tpu.memory_space<smem>>
      %broadcast_in_dim3A_357 = vector.broadcast %scan3A_353 : i32 to vector<16xi32>
      %broadcast_in_dim3A_358 = vector.broadcast %get3A_356 : i32 to vector<16xi32>
      %gather3A = tpu.vector_load_idx %arg4[%broadcast_in_dim3A_357, %broadcast_in_dim3A_358] : memref<48x304xf32, #tpu.memory_space<vmem>>[vector<16xi32>, vector<16xi32>], vector<16xf32>,
      %reduce_min3A = arith.constant true
      %reduce_min3A_359 = vector.broadcast %reduce_min3A : i1 to vector<16xi1>
      %reduce_min3A_360 = tpu.scan <min>, %gather3A masked %reduce_min3A_359 : vector<16xf32>, vector<16xi1> -> vector<16xf32>
      %reduce_min3A_361 = vector.extract %reduce_min3A_360[15] : f32 from vector<16xf32>
      %broadcast_in_dim3A_362 = arith.constant 40 : i32
      %broadcast_in_dim3A_363 = vector.broadcast %broadcast_in_dim3A_362 : i32 to vector<16xi32>
      %broadcast_in_dim3A_364 = vector.broadcast %get3A_356 : i32 to vector<16xi32>
      %gather3A_365 = tpu.vector_load_idx %arg4[%broadcast_in_dim3A_363, %broadcast_in_dim3A_364] : memref<48x304xf32, #tpu.memory_space<vmem>>[vector<16xi32>, vector<16xi32>], vector<16xf32>,
      %reduce_min3A_366 = arith.constant true
      %reduce_min3A_367 = vector.broadcast %reduce_min3A_366 : i1 to vector<16xi1>
      %reduce_min3A_368 = tpu.scan <min>, %gather3A_365 masked %reduce_min3A_367 : vector<16xf32>, vector<16xi1> -> vector<16xf32>
      %reduce_min3A_369 = vector.extract %reduce_min3A_368[15] : f32 from vector<16xf32>
      %add3A_370 = arith.constant 1.000000e+00 : f32
      %add3A_371 = arith.addf %add3A_370, %reduce_min3A_361 : f32
      %add3A_372 = arith.addf %scan3A_354, %add3A_371 : f32
      %sub3A_373 = arith.constant 1.000000e+00 : f32
      %sub3A_374 = arith.subf %sub3A_373, %reduce_min3A_369 : f32
      %mul3A_375 = arith.constant 1.000000e-01 : f32
      %mul3A_376 = arith.mulf %mul3A_375, %sub3A_374 : f32
      %sub3A_377 = arith.subf %add3A_372, %mul3A_376 : f32
      scf.yield %sub3A_377 : f32
    }
    %scan3A_336 = arith.constant 40 : i32
    %add3A_337 = arith.addf %mul3A_329, %scan3A_335 : f32
    %broadcast_in_dim3A_338 = vector.broadcast %add3A_337 : f32 to vector<16xf32>
    %swap3A_339 = arith.constant 0 : index
    %swap3A_340 = tpu.vector_load %arg9[%swap3A_339] {strides = array<i32>} : memref<16xf32, #tpu.memory_space<vmem>>, vector<16xf32>,
    tpu.vector_store %arg9[%swap3A_339], %broadcast_in_dim3A_338 {strides = array<i32>} : memref<16xf32, #tpu.memory_space<vmem>>, vector<16xf32>,
    %dma_start3A_341 = arith.constant 0 : i32
    %dma_start3A_342 = tpu.memref_slice %arg3[%add3A, %dma_start3A_341] : memref<32x16xf32, #tpu.memory_space<hbm>> -> memref<1x16xf32, #tpu.memory_space<hbm>>
    %dma_start3A_343 = tpu.memref_squeeze %dma_start3A_342 : memref<1x16xf32, #tpu.memory_space<hbm>> -> memref<16xf32, #tpu.memory_space<hbm>>
    %dma_start3A_344 = arith.constant 0 : i32
    %dma_start3A_345 = tpu.memref_slice %arg3[%add3A, %dma_start3A_344] : memref<32x16xf32, #tpu.memory_space<hbm>> -> memref<1x16xf32, #tpu.memory_space<hbm>>
    %dma_start3A_346 = tpu.memref_squeeze %dma_start3A_345 : memref<1x16xf32, #tpu.memory_space<hbm>> -> memref<16xf32, #tpu.memory_space<hbm>>
    tpu.enqueue_dma source(%arg9 : memref<16xf32, #tpu.memory_space<vmem>>) target(%dma_start3A_346 : memref<16xf32, #tpu.memory_space<hbm>>) target_semaphore(%arg12 : memref<!tpu.dma_semaphore, #tpu.memory_space<semaphore_mem>>)
    %dma_wait3A_347 = arith.constant 0 : i32
    %dma_wait3A_348 = tpu.memref_slice %arg3[%add3A, %dma_wait3A_347] : memref<32x16xf32, #tpu.memory_space<hbm>> -> memref<1x16xf32, #tpu.memory_space<hbm>>
    %dma_wait3A_349 = tpu.memref_squeeze %dma_wait3A_348 : memref<1x16xf32, #tpu.memory_space<hbm>> -> memref<16xf32, #tpu.memory_space<hbm>>
    %dma_wait3A_350 = arith.constant 0 : i32
    %dma_wait3A_351 = tpu.memref_slice %arg3[%add3A, %dma_wait3A_350] : memref<32x16xf32, #tpu.memory_space<hbm>> -> memref<1x16xf32, #tpu.memory_space<hbm>>
    %dma_wait3A_352 = tpu.memref_squeeze %dma_wait3A_351 : memref<1x16xf32, #tpu.memory_space<hbm>> -> memref<16xf32, #tpu.memory_space<hbm>>
    tpu.wait_dma2 semaphore(%arg12 : memref<!tpu.dma_semaphore, #tpu.memory_space<semaphore_mem>>) src(%arg9 : memref<16xf32, #tpu.memory_space<vmem>>) dst(%dma_wait3A_352 : memref<16xf32, #tpu.memory_space<hbm>>)
    return
  }
}

module attributes {stable_mosaic.version = 14 : i64} {
  func.func @_tc_body(%arg0: i32, %arg1: memref<8x300x512xf32, #tpu.memory_space<vmem>>, %arg2: memref<8x40x512xf32, #tpu.memory_space<vmem>>, %arg3: memref<1x512xf32, #tpu.memory_space<vmem>>, %arg4: memref<8x48x304xf32, #tpu.memory_space<vmem>>) attributes {dimension_semantics = [#tpu.dimension_semantics<parallel>], iteration_bounds = array<i64: 4>, scalar_prefetch = 0 : i64, scratch_operands = 0 : i64, tpu.core_type = #tpu.core_type<tc>, window_params = [{transform_indices = @transform_0, window_bounds = array<i64: 8, 300, 512>}, {transform_indices = @transform_1, window_bounds = array<i64: 8, 40, 512>}, {pipeline_mode = #tpu.pipeline_mode<synchronous>, transform_indices = @transform_2, window_bounds = array<i64: 1, 512>}, {transform_indices = @transform_3, window_bounds = array<i64: 8, 48, 304>}]} {
    %get3A = arith.constant 0 : index
    %get3A_0 = arith.constant 0 : index
    %get3A_1 = arith.constant 0 : index
    %get3A_2 = vector.load %arg1[%get3A, %get3A_0, %get3A_1] : memref<8x300x512xf32, #tpu.memory_space<vmem>>, vector<8x300x512xf32>
    %reshape3A = vector.shape_cast %get3A_2 : vector<8x300x512xf32> to vector<2400x512xf32>
    %mul3A = arith.mulf %reshape3A, %reshape3A : vector<2400x512xf32>
    %reduce_sum3A = arith.constant dense<0.000000e+00> : vector<2400xf32>
    %reduce_sum3A_3 = vector.multi_reduction <add>, %mul3A, %reduce_sum3A [1] : vector<2400x512xf32> to vector<2400xf32>
    %broadcast_in_dim3A = vector.shape_cast %reduce_sum3A_3 : vector<2400xf32> to vector<2400x1xf32>
    %max3A = arith.constant 1.000000e-24 : f32
    %max3A_4 = vector.broadcast %max3A : f32 to vector<2400x1xf32>
    %max3A_5 = arith.maximumf %broadcast_in_dim3A, %max3A_4 : vector<2400x1xf32>
    %rsqrt3A = math.rsqrt %max3A_5 : vector<2400x1xf32>
    %mul3A_6 = vector.broadcast %rsqrt3A : vector<2400x1xf32> to vector<2400x512xf32>
    %mul3A_7 = arith.mulf %reshape3A, %mul3A_6 : vector<2400x512xf32>
    %get3A_8 = arith.constant 0 : index
    %get3A_9 = arith.constant 0 : index
    %get3A_10 = arith.constant 0 : index
    %get3A_11 = vector.load %arg2[%get3A_8, %get3A_9, %get3A_10] : memref<8x40x512xf32, #tpu.memory_space<vmem>>, vector<8x40x512xf32>
    %reshape3A_12 = vector.shape_cast %get3A_11 : vector<8x40x512xf32> to vector<320x512xf32>
    %mul3A_13 = arith.mulf %reshape3A_12, %reshape3A_12 : vector<320x512xf32>
    %reduce_sum3A_14 = arith.constant dense<0.000000e+00> : vector<320xf32>
    %reduce_sum3A_15 = vector.multi_reduction <add>, %mul3A_13, %reduce_sum3A_14 [1] : vector<320x512xf32> to vector<320xf32>
    %broadcast_in_dim3A_16 = vector.shape_cast %reduce_sum3A_15 : vector<320xf32> to vector<320x1xf32>
    %max3A_17 = arith.constant 1.000000e-24 : f32
    %max3A_18 = vector.broadcast %max3A_17 : f32 to vector<320x1xf32>
    %max3A_19 = arith.maximumf %broadcast_in_dim3A_16, %max3A_18 : vector<320x1xf32>
    %rsqrt3A_20 = math.rsqrt %max3A_19 : vector<320x1xf32>
    %mul3A_21 = vector.broadcast %rsqrt3A_20 : vector<320x1xf32> to vector<320x512xf32>
    %mul3A_22 = arith.mulf %reshape3A_12, %mul3A_21 : vector<320x512xf32>
    %get3A_23 = arith.constant 0 : index
    %get3A_24 = arith.constant 0 : index
    %get3A_25 = vector.load %arg3[%get3A_23, %get3A_24] : memref<1x512xf32, #tpu.memory_space<vmem>>, vector<1x512xf32>
    %mul3A_26 = arith.mulf %get3A_25, %get3A_25 : vector<1x512xf32>
    %reduce_sum3A_27 = arith.constant dense<0.000000e+00> : vector<1xf32>
    %reduce_sum3A_28 = vector.multi_reduction <add>, %mul3A_26, %reduce_sum3A_27 [1] : vector<1x512xf32> to vector<1xf32>
    %broadcast_in_dim3A_29 = vector.shape_cast %reduce_sum3A_28 : vector<1xf32> to vector<1x1xf32>
    %max3A_30 = arith.constant 1.000000e-24 : f32
    %max3A_31 = vector.broadcast %max3A_30 : f32 to vector<1x1xf32>
    %max3A_32 = arith.maximumf %broadcast_in_dim3A_29, %max3A_31 : vector<1x1xf32>
    %rsqrt3A_33 = math.rsqrt %max3A_32 : vector<1x1xf32>
    %mul3A_34 = vector.broadcast %rsqrt3A_33 : vector<1x1xf32> to vector<1x512xf32>
    %mul3A_35 = arith.mulf %get3A_25, %mul3A_34 : vector<1x512xf32>
    %convert_element_type3A = arith.truncf %mul3A_7 : vector<2400x512xf32> to vector<2400x512xbf16>
    %convert_element_type3A_36 = arith.truncf %mul3A_22 : vector<320x512xf32> to vector<320x512xbf16>
    %convert_element_type3A_37 = arith.truncf %mul3A_35 : vector<1x512xf32> to vector<1x512xbf16>
    %iota3A = tpu.iota {dimensions = array<i32: 0>} : vector<48x4xi32>
    %lt3A = arith.constant 40 : i32
    %lt3A_38 = vector.broadcast %lt3A : i32 to vector<48x4xi32>
    %lt3A_39 = arith.cmpi slt, %iota3A, %lt3A_38 : vector<48x4xi32>
    %jit3A = arith.constant 1.000000e+30 : f32
    %jit3A_40 = arith.constant 1.000000e+00 : f32
    %broadcast_in_dim3A_41 = vector.broadcast %jit3A : f32 to vector<48x4xf32>
    %broadcast_in_dim3A_42 = vector.broadcast %jit3A_40 : f32 to vector<48x4xf32>
    %select_n3A = arith.select %lt3A_39, %broadcast_in_dim3A_41, %broadcast_in_dim3A_42 : vector<48x4xi1>, vector<48x4xf32>
    %slice3A = vector.extract_strided_slice %convert_element_type3A {offsets = [0, 0], sizes = [300, 512], strides = [1, 1]} : vector<2400x512xbf16> to vector<300x512xbf16>
    %slice3A_43 = vector.extract_strided_slice %convert_element_type3A_36 {offsets = [0, 0], sizes = [40, 512], strides = [1, 1]} : vector<320x512xbf16> to vector<40x512xbf16>
    %dot_general3A = arith.constant dense<0.000000e+00> : vector<40x300xf32>
    %dot_general3A_44 = tpu.matmul %slice3A_43, %slice3A, %dot_general3A {dimension_numbers = #tpu.dot_dimension_numbers<[1], [1], [0], [0], [0, 0, 1, 0], [], []>, transpose_lhs_hint = false} : vector<40x512xbf16>, vector<300x512xbf16>, vector<40x300xf32> -> vector<40x300xf32>
    %dot_general3A_45 = arith.constant dense<0.000000e+00> : vector<1x300xf32>
    %dot_general3A_46 = tpu.matmul %convert_element_type3A_37, %slice3A, %dot_general3A_45 {dimension_numbers = #tpu.dot_dimension_numbers<[1], [1], [0], [0], [0, 0, 1, 0], [], []>, transpose_lhs_hint = false} : vector<1x512xbf16>, vector<300x512xbf16>, vector<1x300xf32> -> vector<1x300xf32>
    %neg3A = arith.constant 0.000000e+00 : f32
    %neg3A_47 = vector.broadcast %neg3A : f32 to vector<40x300xf32>
    %neg3A_48 = arith.subf %neg3A_47, %dot_general3A_44 : vector<40x300xf32>
    %swap3A = arith.constant 0 : index
    %swap3A_49 = arith.constant 0 : index
    %swap3A_50 = arith.constant 0 : index
    %swap3A_51 = vector.load %arg4[%swap3A, %swap3A_49, %swap3A_50] : memref<8x48x304xf32, #tpu.memory_space<vmem>>, vector<1x40x300xf32>
    %swap3A_52 = vector.shape_cast %swap3A_51 : vector<1x40x300xf32> to vector<40x300xf32>
    %swap3A_53 = vector.shape_cast %neg3A_48 : vector<40x300xf32> to vector<1x40x300xf32>
    tpu.vector_store %arg4[%swap3A, %swap3A_49, %swap3A_50], %swap3A_53 {strides = array<i32>} : memref<8x48x304xf32, #tpu.memory_space<vmem>>, vector<1x40x300xf32>,
    %swap3A_54 = arith.constant 0 : index
    %swap3A_55 = arith.constant 40 : index
    %swap3A_56 = arith.constant 0 : index
    %swap3A_57 = vector.load %arg4[%swap3A_54, %swap3A_55, %swap3A_56] : memref<8x48x304xf32, #tpu.memory_space<vmem>>, vector<1x1x300xf32>
    %swap3A_58 = vector.shape_cast %swap3A_57 : vector<1x1x300xf32> to vector<1x300xf32>
    %swap3A_59 = vector.shape_cast %dot_general3A_46 : vector<1x300xf32> to vector<1x1x300xf32>
    tpu.vector_store %arg4[%swap3A_54, %swap3A_55, %swap3A_56], %swap3A_59 {strides = array<i32>} : memref<8x48x304xf32, #tpu.memory_space<vmem>>, vector<1x1x300xf32>,
    %swap3A_60 = arith.constant 0 : index
    %swap3A_61 = arith.constant 0 : index
    %swap3A_62 = arith.constant 300 : index
    %swap3A_63 = vector.load %arg4[%swap3A_60, %swap3A_61, %swap3A_62] : memref<8x48x304xf32, #tpu.memory_space<vmem>>, vector<1x48x4xf32>
    %swap3A_64 = vector.shape_cast %swap3A_63 : vector<1x48x4xf32> to vector<48x4xf32>
    %swap3A_65 = vector.shape_cast %select_n3A : vector<48x4xf32> to vector<1x48x4xf32>
    tpu.vector_store %arg4[%swap3A_60, %swap3A_61, %swap3A_62], %swap3A_65 {strides = array<i32>} : memref<8x48x304xf32, #tpu.memory_space<vmem>>, vector<1x48x4xf32>,
    %slice3A_66 = vector.extract_strided_slice %convert_element_type3A {offsets = [300, 0], sizes = [300, 512], strides = [1, 1]} : vector<2400x512xbf16> to vector<300x512xbf16>
    %slice3A_67 = vector.extract_strided_slice %convert_element_type3A_36 {offsets = [40, 0], sizes = [40, 512], strides = [1, 1]} : vector<320x512xbf16> to vector<40x512xbf16>
    %dot_general3A_68 = arith.constant dense<0.000000e+00> : vector<40x300xf32>
    %dot_general3A_69 = tpu.matmul %slice3A_67, %slice3A_66, %dot_general3A_68 {dimension_numbers = #tpu.dot_dimension_numbers<[1], [1], [0], [0], [0, 0, 1, 0], [], []>, transpose_lhs_hint = false} : vector<40x512xbf16>, vector<300x512xbf16>, vector<40x300xf32> -> vector<40x300xf32>
    %dot_general3A_70 = arith.constant dense<0.000000e+00> : vector<1x300xf32>
    %dot_general3A_71 = tpu.matmul %convert_element_type3A_37, %slice3A_66, %dot_general3A_70 {dimension_numbers = #tpu.dot_dimension_numbers<[1], [1], [0], [0], [0, 0, 1, 0], [], []>, transpose_lhs_hint = false} : vector<1x512xbf16>, vector<300x512xbf16>, vector<1x300xf32> -> vector<1x300xf32>
    %neg3A_72 = arith.constant 0.000000e+00 : f32
    %neg3A_73 = vector.broadcast %neg3A_72 : f32 to vector<40x300xf32>
    %neg3A_74 = arith.subf %neg3A_73, %dot_general3A_69 : vector<40x300xf32>
    %swap3A_75 = arith.constant 1 : index
    %swap3A_76 = arith.constant 0 : index
    %swap3A_77 = arith.constant 0 : index
    %swap3A_78 = vector.load %arg4[%swap3A_75, %swap3A_76, %swap3A_77] : memref<8x48x304xf32, #tpu.memory_space<vmem>>, vector<1x40x300xf32>
    %swap3A_79 = vector.shape_cast %swap3A_78 : vector<1x40x300xf32> to vector<40x300xf32>
    %swap3A_80 = vector.shape_cast %neg3A_74 : vector<40x300xf32> to vector<1x40x300xf32>
    tpu.vector_store %arg4[%swap3A_75, %swap3A_76, %swap3A_77], %swap3A_80 {strides = array<i32>} : memref<8x48x304xf32, #tpu.memory_space<vmem>>, vector<1x40x300xf32>,
    %swap3A_81 = arith.constant 1 : index
    %swap3A_82 = arith.constant 40 : index
    %swap3A_83 = arith.constant 0 : index
    %swap3A_84 = vector.load %arg4[%swap3A_81, %swap3A_82, %swap3A_83] : memref<8x48x304xf32, #tpu.memory_space<vmem>>, vector<1x1x300xf32>
    %swap3A_85 = vector.shape_cast %swap3A_84 : vector<1x1x300xf32> to vector<1x300xf32>
    %swap3A_86 = vector.shape_cast %dot_general3A_71 : vector<1x300xf32> to vector<1x1x300xf32>
    tpu.vector_store %arg4[%swap3A_81, %swap3A_82, %swap3A_83], %swap3A_86 {strides = array<i32>} : memref<8x48x304xf32, #tpu.memory_space<vmem>>, vector<1x1x300xf32>,
    %swap3A_87 = arith.constant 1 : index
    %swap3A_88 = arith.constant 0 : index
    %swap3A_89 = arith.constant 300 : index
    %swap3A_90 = vector.load %arg4[%swap3A_87, %swap3A_88, %swap3A_89] : memref<8x48x304xf32, #tpu.memory_space<vmem>>, vector<1x48x4xf32>
    %swap3A_91 = vector.shape_cast %swap3A_90 : vector<1x48x4xf32> to vector<48x4xf32>
    %swap3A_92 = vector.shape_cast %select_n3A : vector<48x4xf32> to vector<1x48x4xf32>
    tpu.vector_store %arg4[%swap3A_87, %swap3A_88, %swap3A_89], %swap3A_92 {strides = array<i32>} : memref<8x48x304xf32, #tpu.memory_space<vmem>>, vector<1x48x4xf32>,
    %slice3A_93 = vector.extract_strided_slice %convert_element_type3A {offsets = [600, 0], sizes = [300, 512], strides = [1, 1]} : vector<2400x512xbf16> to vector<300x512xbf16>
    %slice3A_94 = vector.extract_strided_slice %convert_element_type3A_36 {offsets = [80, 0], sizes = [40, 512], strides = [1, 1]} : vector<320x512xbf16> to vector<40x512xbf16>
    %dot_general3A_95 = arith.constant dense<0.000000e+00> : vector<40x300xf32>
    %dot_general3A_96 = tpu.matmul %slice3A_94, %slice3A_93, %dot_general3A_95 {dimension_numbers = #tpu.dot_dimension_numbers<[1], [1], [0], [0], [0, 0, 1, 0], [], []>, transpose_lhs_hint = false} : vector<40x512xbf16>, vector<300x512xbf16>, vector<40x300xf32> -> vector<40x300xf32>
    %dot_general3A_97 = arith.constant dense<0.000000e+00> : vector<1x300xf32>
    %dot_general3A_98 = tpu.matmul %convert_element_type3A_37, %slice3A_93, %dot_general3A_97 {dimension_numbers = #tpu.dot_dimension_numbers<[1], [1], [0], [0], [0, 0, 1, 0], [], []>, transpose_lhs_hint = false} : vector<1x512xbf16>, vector<300x512xbf16>, vector<1x300xf32> -> vector<1x300xf32>
    %neg3A_99 = arith.constant 0.000000e+00 : f32
    %neg3A_100 = vector.broadcast %neg3A_99 : f32 to vector<40x300xf32>
    %neg3A_101 = arith.subf %neg3A_100, %dot_general3A_96 : vector<40x300xf32>
    %swap3A_102 = arith.constant 2 : index
    %swap3A_103 = arith.constant 0 : index
    %swap3A_104 = arith.constant 0 : index
    %swap3A_105 = vector.load %arg4[%swap3A_102, %swap3A_103, %swap3A_104] : memref<8x48x304xf32, #tpu.memory_space<vmem>>, vector<1x40x300xf32>
    %swap3A_106 = vector.shape_cast %swap3A_105 : vector<1x40x300xf32> to vector<40x300xf32>
    %swap3A_107 = vector.shape_cast %neg3A_101 : vector<40x300xf32> to vector<1x40x300xf32>
    tpu.vector_store %arg4[%swap3A_102, %swap3A_103, %swap3A_104], %swap3A_107 {strides = array<i32>} : memref<8x48x304xf32, #tpu.memory_space<vmem>>, vector<1x40x300xf32>,
    %swap3A_108 = arith.constant 2 : index
    %swap3A_109 = arith.constant 40 : index
    %swap3A_110 = arith.constant 0 : index
    %swap3A_111 = vector.load %arg4[%swap3A_108, %swap3A_109, %swap3A_110] : memref<8x48x304xf32, #tpu.memory_space<vmem>>, vector<1x1x300xf32>
    %swap3A_112 = vector.shape_cast %swap3A_111 : vector<1x1x300xf32> to vector<1x300xf32>
    %swap3A_113 = vector.shape_cast %dot_general3A_98 : vector<1x300xf32> to vector<1x1x300xf32>
    tpu.vector_store %arg4[%swap3A_108, %swap3A_109, %swap3A_110], %swap3A_113 {strides = array<i32>} : memref<8x48x304xf32, #tpu.memory_space<vmem>>, vector<1x1x300xf32>,
    %swap3A_114 = arith.constant 2 : index
    %swap3A_115 = arith.constant 0 : index
    %swap3A_116 = arith.constant 300 : index
    %swap3A_117 = vector.load %arg4[%swap3A_114, %swap3A_115, %swap3A_116] : memref<8x48x304xf32, #tpu.memory_space<vmem>>, vector<1x48x4xf32>
    %swap3A_118 = vector.shape_cast %swap3A_117 : vector<1x48x4xf32> to vector<48x4xf32>
    %swap3A_119 = vector.shape_cast %select_n3A : vector<48x4xf32> to vector<1x48x4xf32>
    tpu.vector_store %arg4[%swap3A_114, %swap3A_115, %swap3A_116], %swap3A_119 {strides = array<i32>} : memref<8x48x304xf32, #tpu.memory_space<vmem>>, vector<1x48x4xf32>,
    %slice3A_120 = vector.extract_strided_slice %convert_element_type3A {offsets = [900, 0], sizes = [300, 512], strides = [1, 1]} : vector<2400x512xbf16> to vector<300x512xbf16>
    %slice3A_121 = vector.extract_strided_slice %convert_element_type3A_36 {offsets = [120, 0], sizes = [40, 512], strides = [1, 1]} : vector<320x512xbf16> to vector<40x512xbf16>
    %dot_general3A_122 = arith.constant dense<0.000000e+00> : vector<40x300xf32>
    %dot_general3A_123 = tpu.matmul %slice3A_121, %slice3A_120, %dot_general3A_122 {dimension_numbers = #tpu.dot_dimension_numbers<[1], [1], [0], [0], [0, 0, 1, 0], [], []>, transpose_lhs_hint = false} : vector<40x512xbf16>, vector<300x512xbf16>, vector<40x300xf32> -> vector<40x300xf32>
    %dot_general3A_124 = arith.constant dense<0.000000e+00> : vector<1x300xf32>
    %dot_general3A_125 = tpu.matmul %convert_element_type3A_37, %slice3A_120, %dot_general3A_124 {dimension_numbers = #tpu.dot_dimension_numbers<[1], [1], [0], [0], [0, 0, 1, 0], [], []>, transpose_lhs_hint = false} : vector<1x512xbf16>, vector<300x512xbf16>, vector<1x300xf32> -> vector<1x300xf32>
    %neg3A_126 = arith.constant 0.000000e+00 : f32
    %neg3A_127 = vector.broadcast %neg3A_126 : f32 to vector<40x300xf32>
    %neg3A_128 = arith.subf %neg3A_127, %dot_general3A_123 : vector<40x300xf32>
    %swap3A_129 = arith.constant 3 : index
    %swap3A_130 = arith.constant 0 : index
    %swap3A_131 = arith.constant 0 : index
    %swap3A_132 = vector.load %arg4[%swap3A_129, %swap3A_130, %swap3A_131] : memref<8x48x304xf32, #tpu.memory_space<vmem>>, vector<1x40x300xf32>
    %swap3A_133 = vector.shape_cast %swap3A_132 : vector<1x40x300xf32> to vector<40x300xf32>
    %swap3A_134 = vector.shape_cast %neg3A_128 : vector<40x300xf32> to vector<1x40x300xf32>
    tpu.vector_store %arg4[%swap3A_129, %swap3A_130, %swap3A_131], %swap3A_134 {strides = array<i32>} : memref<8x48x304xf32, #tpu.memory_space<vmem>>, vector<1x40x300xf32>,
    %swap3A_135 = arith.constant 3 : index
    %swap3A_136 = arith.constant 40 : index
    %swap3A_137 = arith.constant 0 : index
    %swap3A_138 = vector.load %arg4[%swap3A_135, %swap3A_136, %swap3A_137] : memref<8x48x304xf32, #tpu.memory_space<vmem>>, vector<1x1x300xf32>
    %swap3A_139 = vector.shape_cast %swap3A_138 : vector<1x1x300xf32> to vector<1x300xf32>
    %swap3A_140 = vector.shape_cast %dot_general3A_125 : vector<1x300xf32> to vector<1x1x300xf32>
    tpu.vector_store %arg4[%swap3A_135, %swap3A_136, %swap3A_137], %swap3A_140 {strides = array<i32>} : memref<8x48x304xf32, #tpu.memory_space<vmem>>, vector<1x1x300xf32>,
    %swap3A_141 = arith.constant 3 : index
    %swap3A_142 = arith.constant 0 : index
    %swap3A_143 = arith.constant 300 : index
    %swap3A_144 = vector.load %arg4[%swap3A_141, %swap3A_142, %swap3A_143] : memref<8x48x304xf32, #tpu.memory_space<vmem>>, vector<1x48x4xf32>
    %swap3A_145 = vector.shape_cast %swap3A_144 : vector<1x48x4xf32> to vector<48x4xf32>
    %swap3A_146 = vector.shape_cast %select_n3A : vector<48x4xf32> to vector<1x48x4xf32>
    tpu.vector_store %arg4[%swap3A_141, %swap3A_142, %swap3A_143], %swap3A_146 {strides = array<i32>} : memref<8x48x304xf32, #tpu.memory_space<vmem>>, vector<1x48x4xf32>,
    %slice3A_147 = vector.extract_strided_slice %convert_element_type3A {offsets = [1200, 0], sizes = [300, 512], strides = [1, 1]} : vector<2400x512xbf16> to vector<300x512xbf16>
    %slice3A_148 = vector.extract_strided_slice %convert_element_type3A_36 {offsets = [160, 0], sizes = [40, 512], strides = [1, 1]} : vector<320x512xbf16> to vector<40x512xbf16>
    %dot_general3A_149 = arith.constant dense<0.000000e+00> : vector<40x300xf32>
    %dot_general3A_150 = tpu.matmul %slice3A_148, %slice3A_147, %dot_general3A_149 {dimension_numbers = #tpu.dot_dimension_numbers<[1], [1], [0], [0], [0, 0, 1, 0], [], []>, transpose_lhs_hint = false} : vector<40x512xbf16>, vector<300x512xbf16>, vector<40x300xf32> -> vector<40x300xf32>
    %dot_general3A_151 = arith.constant dense<0.000000e+00> : vector<1x300xf32>
    %dot_general3A_152 = tpu.matmul %convert_element_type3A_37, %slice3A_147, %dot_general3A_151 {dimension_numbers = #tpu.dot_dimension_numbers<[1], [1], [0], [0], [0, 0, 1, 0], [], []>, transpose_lhs_hint = false} : vector<1x512xbf16>, vector<300x512xbf16>, vector<1x300xf32> -> vector<1x300xf32>
    %neg3A_153 = arith.constant 0.000000e+00 : f32
    %neg3A_154 = vector.broadcast %neg3A_153 : f32 to vector<40x300xf32>
    %neg3A_155 = arith.subf %neg3A_154, %dot_general3A_150 : vector<40x300xf32>
    %swap3A_156 = arith.constant 4 : index
    %swap3A_157 = arith.constant 0 : index
    %swap3A_158 = arith.constant 0 : index
    %swap3A_159 = vector.load %arg4[%swap3A_156, %swap3A_157, %swap3A_158] : memref<8x48x304xf32, #tpu.memory_space<vmem>>, vector<1x40x300xf32>
    %swap3A_160 = vector.shape_cast %swap3A_159 : vector<1x40x300xf32> to vector<40x300xf32>
    %swap3A_161 = vector.shape_cast %neg3A_155 : vector<40x300xf32> to vector<1x40x300xf32>
    tpu.vector_store %arg4[%swap3A_156, %swap3A_157, %swap3A_158], %swap3A_161 {strides = array<i32>} : memref<8x48x304xf32, #tpu.memory_space<vmem>>, vector<1x40x300xf32>,
    %swap3A_162 = arith.constant 4 : index
    %swap3A_163 = arith.constant 40 : index
    %swap3A_164 = arith.constant 0 : index
    %swap3A_165 = vector.load %arg4[%swap3A_162, %swap3A_163, %swap3A_164] : memref<8x48x304xf32, #tpu.memory_space<vmem>>, vector<1x1x300xf32>
    %swap3A_166 = vector.shape_cast %swap3A_165 : vector<1x1x300xf32> to vector<1x300xf32>
    %swap3A_167 = vector.shape_cast %dot_general3A_152 : vector<1x300xf32> to vector<1x1x300xf32>
    tpu.vector_store %arg4[%swap3A_162, %swap3A_163, %swap3A_164], %swap3A_167 {strides = array<i32>} : memref<8x48x304xf32, #tpu.memory_space<vmem>>, vector<1x1x300xf32>,
    %swap3A_168 = arith.constant 4 : index
    %swap3A_169 = arith.constant 0 : index
    %swap3A_170 = arith.constant 300 : index
    %swap3A_171 = vector.load %arg4[%swap3A_168, %swap3A_169, %swap3A_170] : memref<8x48x304xf32, #tpu.memory_space<vmem>>, vector<1x48x4xf32>
    %swap3A_172 = vector.shape_cast %swap3A_171 : vector<1x48x4xf32> to vector<48x4xf32>
    %swap3A_173 = vector.shape_cast %select_n3A : vector<48x4xf32> to vector<1x48x4xf32>
    tpu.vector_store %arg4[%swap3A_168, %swap3A_169, %swap3A_170], %swap3A_173 {strides = array<i32>} : memref<8x48x304xf32, #tpu.memory_space<vmem>>, vector<1x48x4xf32>,
    %slice3A_174 = vector.extract_strided_slice %convert_element_type3A {offsets = [1500, 0], sizes = [300, 512], strides = [1, 1]} : vector<2400x512xbf16> to vector<300x512xbf16>
    %slice3A_175 = vector.extract_strided_slice %convert_element_type3A_36 {offsets = [200, 0], sizes = [40, 512], strides = [1, 1]} : vector<320x512xbf16> to vector<40x512xbf16>
    %dot_general3A_176 = arith.constant dense<0.000000e+00> : vector<40x300xf32>
    %dot_general3A_177 = tpu.matmul %slice3A_175, %slice3A_174, %dot_general3A_176 {dimension_numbers = #tpu.dot_dimension_numbers<[1], [1], [0], [0], [0, 0, 1, 0], [], []>, transpose_lhs_hint = false} : vector<40x512xbf16>, vector<300x512xbf16>, vector<40x300xf32> -> vector<40x300xf32>
    %dot_general3A_178 = arith.constant dense<0.000000e+00> : vector<1x300xf32>
    %dot_general3A_179 = tpu.matmul %convert_element_type3A_37, %slice3A_174, %dot_general3A_178 {dimension_numbers = #tpu.dot_dimension_numbers<[1], [1], [0], [0], [0, 0, 1, 0], [], []>, transpose_lhs_hint = false} : vector<1x512xbf16>, vector<300x512xbf16>, vector<1x300xf32> -> vector<1x300xf32>
    %neg3A_180 = arith.constant 0.000000e+00 : f32
    %neg3A_181 = vector.broadcast %neg3A_180 : f32 to vector<40x300xf32>
    %neg3A_182 = arith.subf %neg3A_181, %dot_general3A_177 : vector<40x300xf32>
    %swap3A_183 = arith.constant 5 : index
    %swap3A_184 = arith.constant 0 : index
    %swap3A_185 = arith.constant 0 : index
    %swap3A_186 = vector.load %arg4[%swap3A_183, %swap3A_184, %swap3A_185] : memref<8x48x304xf32, #tpu.memory_space<vmem>>, vector<1x40x300xf32>
    %swap3A_187 = vector.shape_cast %swap3A_186 : vector<1x40x300xf32> to vector<40x300xf32>
    %swap3A_188 = vector.shape_cast %neg3A_182 : vector<40x300xf32> to vector<1x40x300xf32>
    tpu.vector_store %arg4[%swap3A_183, %swap3A_184, %swap3A_185], %swap3A_188 {strides = array<i32>} : memref<8x48x304xf32, #tpu.memory_space<vmem>>, vector<1x40x300xf32>,
    %swap3A_189 = arith.constant 5 : index
    %swap3A_190 = arith.constant 40 : index
    %swap3A_191 = arith.constant 0 : index
    %swap3A_192 = vector.load %arg4[%swap3A_189, %swap3A_190, %swap3A_191] : memref<8x48x304xf32, #tpu.memory_space<vmem>>, vector<1x1x300xf32>
    %swap3A_193 = vector.shape_cast %swap3A_192 : vector<1x1x300xf32> to vector<1x300xf32>
    %swap3A_194 = vector.shape_cast %dot_general3A_179 : vector<1x300xf32> to vector<1x1x300xf32>
    tpu.vector_store %arg4[%swap3A_189, %swap3A_190, %swap3A_191], %swap3A_194 {strides = array<i32>} : memref<8x48x304xf32, #tpu.memory_space<vmem>>, vector<1x1x300xf32>,
    %swap3A_195 = arith.constant 5 : index
    %swap3A_196 = arith.constant 0 : index
    %swap3A_197 = arith.constant 300 : index
    %swap3A_198 = vector.load %arg4[%swap3A_195, %swap3A_196, %swap3A_197] : memref<8x48x304xf32, #tpu.memory_space<vmem>>, vector<1x48x4xf32>
    %swap3A_199 = vector.shape_cast %swap3A_198 : vector<1x48x4xf32> to vector<48x4xf32>
    %swap3A_200 = vector.shape_cast %select_n3A : vector<48x4xf32> to vector<1x48x4xf32>
    tpu.vector_store %arg4[%swap3A_195, %swap3A_196, %swap3A_197], %swap3A_200 {strides = array<i32>} : memref<8x48x304xf32, #tpu.memory_space<vmem>>, vector<1x48x4xf32>,
    %slice3A_201 = vector.extract_strided_slice %convert_element_type3A {offsets = [1800, 0], sizes = [300, 512], strides = [1, 1]} : vector<2400x512xbf16> to vector<300x512xbf16>
    %slice3A_202 = vector.extract_strided_slice %convert_element_type3A_36 {offsets = [240, 0], sizes = [40, 512], strides = [1, 1]} : vector<320x512xbf16> to vector<40x512xbf16>
    %dot_general3A_203 = arith.constant dense<0.000000e+00> : vector<40x300xf32>
    %dot_general3A_204 = tpu.matmul %slice3A_202, %slice3A_201, %dot_general3A_203 {dimension_numbers = #tpu.dot_dimension_numbers<[1], [1], [0], [0], [0, 0, 1, 0], [], []>, transpose_lhs_hint = false} : vector<40x512xbf16>, vector<300x512xbf16>, vector<40x300xf32> -> vector<40x300xf32>
    %dot_general3A_205 = arith.constant dense<0.000000e+00> : vector<1x300xf32>
    %dot_general3A_206 = tpu.matmul %convert_element_type3A_37, %slice3A_201, %dot_general3A_205 {dimension_numbers = #tpu.dot_dimension_numbers<[1], [1], [0], [0], [0, 0, 1, 0], [], []>, transpose_lhs_hint = false} : vector<1x512xbf16>, vector<300x512xbf16>, vector<1x300xf32> -> vector<1x300xf32>
    %neg3A_207 = arith.constant 0.000000e+00 : f32
    %neg3A_208 = vector.broadcast %neg3A_207 : f32 to vector<40x300xf32>
    %neg3A_209 = arith.subf %neg3A_208, %dot_general3A_204 : vector<40x300xf32>
    %swap3A_210 = arith.constant 6 : index
    %swap3A_211 = arith.constant 0 : index
    %swap3A_212 = arith.constant 0 : index
    %swap3A_213 = vector.load %arg4[%swap3A_210, %swap3A_211, %swap3A_212] : memref<8x48x304xf32, #tpu.memory_space<vmem>>, vector<1x40x300xf32>
    %swap3A_214 = vector.shape_cast %swap3A_213 : vector<1x40x300xf32> to vector<40x300xf32>
    %swap3A_215 = vector.shape_cast %neg3A_209 : vector<40x300xf32> to vector<1x40x300xf32>
    tpu.vector_store %arg4[%swap3A_210, %swap3A_211, %swap3A_212], %swap3A_215 {strides = array<i32>} : memref<8x48x304xf32, #tpu.memory_space<vmem>>, vector<1x40x300xf32>,
    %swap3A_216 = arith.constant 6 : index
    %swap3A_217 = arith.constant 40 : index
    %swap3A_218 = arith.constant 0 : index
    %swap3A_219 = vector.load %arg4[%swap3A_216, %swap3A_217, %swap3A_218] : memref<8x48x304xf32, #tpu.memory_space<vmem>>, vector<1x1x300xf32>
    %swap3A_220 = vector.shape_cast %swap3A_219 : vector<1x1x300xf32> to vector<1x300xf32>
    %swap3A_221 = vector.shape_cast %dot_general3A_206 : vector<1x300xf32> to vector<1x1x300xf32>
    tpu.vector_store %arg4[%swap3A_216, %swap3A_217, %swap3A_218], %swap3A_221 {strides = array<i32>} : memref<8x48x304xf32, #tpu.memory_space<vmem>>, vector<1x1x300xf32>,
    %swap3A_222 = arith.constant 6 : index
    %swap3A_223 = arith.constant 0 : index
    %swap3A_224 = arith.constant 300 : index
    %swap3A_225 = vector.load %arg4[%swap3A_222, %swap3A_223, %swap3A_224] : memref<8x48x304xf32, #tpu.memory_space<vmem>>, vector<1x48x4xf32>
    %swap3A_226 = vector.shape_cast %swap3A_225 : vector<1x48x4xf32> to vector<48x4xf32>
    %swap3A_227 = vector.shape_cast %select_n3A : vector<48x4xf32> to vector<1x48x4xf32>
    tpu.vector_store %arg4[%swap3A_222, %swap3A_223, %swap3A_224], %swap3A_227 {strides = array<i32>} : memref<8x48x304xf32, #tpu.memory_space<vmem>>, vector<1x48x4xf32>,
    %slice3A_228 = vector.extract_strided_slice %convert_element_type3A {offsets = [2100, 0], sizes = [300, 512], strides = [1, 1]} : vector<2400x512xbf16> to vector<300x512xbf16>
    %slice3A_229 = vector.extract_strided_slice %convert_element_type3A_36 {offsets = [280, 0], sizes = [40, 512], strides = [1, 1]} : vector<320x512xbf16> to vector<40x512xbf16>
    %dot_general3A_230 = arith.constant dense<0.000000e+00> : vector<40x300xf32>
    %dot_general3A_231 = tpu.matmul %slice3A_229, %slice3A_228, %dot_general3A_230 {dimension_numbers = #tpu.dot_dimension_numbers<[1], [1], [0], [0], [0, 0, 1, 0], [], []>, transpose_lhs_hint = false} : vector<40x512xbf16>, vector<300x512xbf16>, vector<40x300xf32> -> vector<40x300xf32>
    %dot_general3A_232 = arith.constant dense<0.000000e+00> : vector<1x300xf32>
    %dot_general3A_233 = tpu.matmul %convert_element_type3A_37, %slice3A_228, %dot_general3A_232 {dimension_numbers = #tpu.dot_dimension_numbers<[1], [1], [0], [0], [0, 0, 1, 0], [], []>, transpose_lhs_hint = false} : vector<1x512xbf16>, vector<300x512xbf16>, vector<1x300xf32> -> vector<1x300xf32>
    %neg3A_234 = arith.constant 0.000000e+00 : f32
    %neg3A_235 = vector.broadcast %neg3A_234 : f32 to vector<40x300xf32>
    %neg3A_236 = arith.subf %neg3A_235, %dot_general3A_231 : vector<40x300xf32>
    %swap3A_237 = arith.constant 7 : index
    %swap3A_238 = arith.constant 0 : index
    %swap3A_239 = arith.constant 0 : index
    %swap3A_240 = vector.load %arg4[%swap3A_237, %swap3A_238, %swap3A_239] : memref<8x48x304xf32, #tpu.memory_space<vmem>>, vector<1x40x300xf32>
    %swap3A_241 = vector.shape_cast %swap3A_240 : vector<1x40x300xf32> to vector<40x300xf32>
    %swap3A_242 = vector.shape_cast %neg3A_236 : vector<40x300xf32> to vector<1x40x300xf32>
    tpu.vector_store %arg4[%swap3A_237, %swap3A_238, %swap3A_239], %swap3A_242 {strides = array<i32>} : memref<8x48x304xf32, #tpu.memory_space<vmem>>, vector<1x40x300xf32>,
    %swap3A_243 = arith.constant 7 : index
    %swap3A_244 = arith.constant 40 : index
    %swap3A_245 = arith.constant 0 : index
    %swap3A_246 = vector.load %arg4[%swap3A_243, %swap3A_244, %swap3A_245] : memref<8x48x304xf32, #tpu.memory_space<vmem>>, vector<1x1x300xf32>
    %swap3A_247 = vector.shape_cast %swap3A_246 : vector<1x1x300xf32> to vector<1x300xf32>
    %swap3A_248 = vector.shape_cast %dot_general3A_233 : vector<1x300xf32> to vector<1x1x300xf32>
    tpu.vector_store %arg4[%swap3A_243, %swap3A_244, %swap3A_245], %swap3A_248 {strides = array<i32>} : memref<8x48x304xf32, #tpu.memory_space<vmem>>, vector<1x1x300xf32>,
    %swap3A_249 = arith.constant 7 : index
    %swap3A_250 = arith.constant 0 : index
    %swap3A_251 = arith.constant 300 : index
    %swap3A_252 = vector.load %arg4[%swap3A_249, %swap3A_250, %swap3A_251] : memref<8x48x304xf32, #tpu.memory_space<vmem>>, vector<1x48x4xf32>
    %swap3A_253 = vector.shape_cast %swap3A_252 : vector<1x48x4xf32> to vector<48x4xf32>
    %swap3A_254 = vector.shape_cast %select_n3A : vector<48x4xf32> to vector<1x48x4xf32>
    tpu.vector_store %arg4[%swap3A_249, %swap3A_250, %swap3A_251], %swap3A_254 {strides = array<i32>} : memref<8x48x304xf32, #tpu.memory_space<vmem>>, vector<1x48x4xf32>,
    return
  }
  func.func @transform_0(%arg0: i32) -> (i32, i32, i32) {
    %c0_i32 = arith.constant 0 : i32
    %c0_i32_0 = arith.constant 0 : i32
    %c0_i32_1 = arith.constant 0 : i32
    return %arg0, %c0_i32, %c0_i32_0 : i32, i32, i32
  }
  func.func @transform_1(%arg0: i32) -> (i32, i32, i32) {
    %c0_i32 = arith.constant 0 : i32
    %c0_i32_0 = arith.constant 0 : i32
    %c0_i32_1 = arith.constant 0 : i32
    return %arg0, %c0_i32, %c0_i32_0 : i32, i32, i32
  }
  func.func @transform_2(%arg0: i32) -> (i32, i32) {
    %c0_i32 = arith.constant 0 : i32
    %c0_i32_0 = arith.constant 0 : i32
    %c0_i32_1 = arith.constant 0 : i32
    return %c0_i32, %c0_i32_0 : i32, i32
  }
  func.func @transform_3(%arg0: i32) -> (i32, i32, i32) {
    %c0_i32 = arith.constant 0 : i32
    %c0_i32_0 = arith.constant 0 : i32
    %c0_i32_1 = arith.constant 0 : i32
    return %arg0, %c0_i32, %c0_i32_0 : i32, i32, i32
  }
}

</mosaic_0001>

<sc_bundles>
// kernel: kernel.4.cloned.1.call-start
scs
__scs_entry_jumppad:
0x0: {  	(pc) =	sbr.rel $0x88, $3  }
0x1: {  	(tag) =	ssettag $0x0;
	lr =	simm.s32 $0x1  }
0x2: {  	[smem:$0x3F9E] =	sst lr;
	_ =	strace $0xD0000000  }
0x3: {  	_ = 	snop  }
0x4: {  	_ = 	snop  }
0x5: {  	_ = 	snop  }
0x6: {  	_ = 	snop  }
0x7: {  	_ = 	snop  }
__scs_overlays_trampoline_lowered:
0x8: {  	[smem:$0x3FAD] =	sst s0  }
0x9: {  	[smem:$0x3FAE] =	sst s1  }
0xa: {  	[smem:$0x3FAF] =	sst s2  }
0xb: {  	[smem:$0x3FB0] =	sst s3  }
0xc: {  	[smem:$0x3FB1] =	sst s4  }
0xd: {  	[smem:$0x3FB2] =	sst s5  }
0xe: {  	[smem:$0x3FB3] =	sst s6  }
0xf: {  	[smem:$0x3FB4] =	sst s7  }
0x10: {  	[smem:$0x3FB5] =	sst s8  }
0x11: {  	[smem:$0x3FB6] =	sst s9;
	s0 =	simm.s32 @!p0 $0x0  }
0x12: {  	s1 =	sld [smem:$0x3F9C];
	s0 =	simm.s32 @p0 $0x1  }
0x13: {  	[smem:$0x3FB7] =	sst s0;
	s0 =	simm.s32 @!p1 $0x0  }
0x14: {  	s2 =	sld [smem:$0x3F9B];
	s0 =	simm.s32 @p1 $0x1  }
0x15: {  	[smem:$0x3FB8] =	sst s0;
	s0 =	simm.s32 @!p2 $0x0  }
0x16: {  	s3 =	sld [smem:$0x3FDB];
	s0 =	simm.s32 @p2 $0x1  }
0x17: {  	s4 =	simm.s32 $0x1BF5;
	[smem:$0x3FBA] =	sst s0  }
0x18: {  	s0 =	sld [smem:$0x3F9D];
	_ =	swait.ge [sflag:s4], $0x0  }
0x19: {  	s7 =	sld [smem:$0x3F9E]  }
0x1a: {  	s8 =	sadd.s32 $0xFFFFE003, lr  }
0x1b: {  	s9 =	sadd.s32 $0xFFFFFEF7, lr;
	s5 =	simm.s32 $0xFFFFFFFF;
	p2 =	slt.u32 s8, $0xFFFFF086  }
0x1c: {  	p1 =	slt.u32 s9, $0xF7A;
	s5 =	simm.s32 @!p2 $0x0  }
0x1d: {  	s5 =	simm.s32 @p1 $0x1;
	p0 =	seq.s32 s7, s2  }
0x1e: {  	s7 =	smul.u32 @!p0 $0xF7A, s2;
	p2 =	seq.s32 @!p0 s5, $0x0  }
0x1f: {  	s9 =	smul.u32 $0xF7A, s1;
	s8 =	simm.s32 @!p0 $0x1BF5;
	p2 =	por !p2, p0  }
0x20: {  	[sflag:s8] =	ssyncset.s32 @!p0 $0xFFFFF086;
	s6 =	sadd.s32 @!p0 s3, s7;
	s7 =	simm.s32 @!p0 $0x108  }
0x21: {  	s3 =	sadd.s32 s3, s9;
	s6 =	sadd.s32 @!p0 $0x88, s6;
	s7 =	simm.s32 @p2 $0x1082  }
0x22: {  	[simem:s7], [sflag:s8] =	dma.local @!p0 [hbm:s6], $0xF7A  }
0x23: {  	s9 =	sor.u32 $0xD0000000, s2;
	s6 =	simm.s32 $0x108;
	_ =	swait.ge @!p0 [sflag:s8], $0x0  }
0x24: {  	s3 =	sadd.s32 $0x88, s3;
	s6 =	simm.s32 @!p1 $0x1082;
	[sflag:s4] =	ssyncset.s32 $0xFFFFF086  }
0x25: {  	[simem:s6], [sflag:s4] =	dma.local [hbm:s3], $0xF7A  }
0x26: {  	[smem:$0x3F9E] =	sst s1;
	(tag) =	ssettag s2;
	_ =	strace s9  }
0x27: {  	s1 =	sld [smem:$0x3FAE]  }
0x28: {  	s2 =	sld [smem:$0x3FAF]  }
0x29: {  	s4 =	sld [smem:$0x3FB1]  }
0x2a: {  	p0 =	seq.s32 s5, $0x0;
	s5 =	sld [smem:$0x3FB2]  }
0x2b: {  	s6 =	sld [smem:$0x3FB3]  }
0x2c: {  	s7 =	sld [smem:$0x3FB4]  }
0x2d: {  	s3 =	simm.s32 $0x108;
	s8 =	sld [smem:$0x3FB5]  }
0x2e: {  	s3 =	simm.s32 @!p0 $0x1082;
	s9 =	sld [smem:$0x3FB6]  }
0x2f: {  	lr =	sadd.s32 s0, s3;
	s0 =	sld [smem:$0x3FAD]  }
0x30: {  	s3 =	sld [smem:$0x3FB0]  }
0x31: {  	[smem:$0x3FB9] =	sst s10  }
0x32: {  	s10 =	sld [smem:$0x3FB7];
	_ =	sdelay $0x3  }
0x33: {  	p0 =	seq.s32 s10, $0x1;
	s10 =	sld [smem:$0x3FB9];
	_ =	sdelay $0x3  }
0x34: {  	[smem:$0x3FB9] =	sst s10  }
0x35: {  	s10 =	sld [smem:$0x3FB8];
	_ =	sdelay $0x3  }
0x36: {  	p1 =	seq.s32 s10, $0x1;
	s10 =	sld [smem:$0x3FB9];
	_ =	sdelay $0x3  }
0x37: {  	[smem:$0x3FB9] =	sst s10  }
0x38: {  	s10 =	sld [smem:$0x3FBA]  }
0x39: {  	_ = 	snop;
	(pc) =	sbr.ind lr, $3  }
0x3a: {  	_ = 	snop  }
0x3b: {  	_ = 	snop  }
0x3c: {  	p2 =	seq.s32 s10, $0x1;
	s10 =	sld [smem:$0x3FB9]  }
0x3d: {  	_ =	shalt  }
0x3e: {  	_ =	shalt  }
0x3f: {  	_ =	shalt  }
0x40: {  	_ =	shalt  }
0x41: {  	_ =	shalt  }
0x42: {  	_ =	shalt  }
0x43: {  	_ =	shalt  }
0x44: {  	_ =	shalt  }
0x45: {  	_ =	shalt  }
0x46: {  	_ =	shalt  }
0x47: {  	_ =	shalt  }
0x48: {  	_ =	shalt  }
0x49: {  	_ =	shalt  }
0x4a: {  	_ =	shalt  }
0x4b: {  	_ =	shalt  }
0x4c: {  	_ =	shalt  }
0x4d: {  	_ =	shalt  }
0x4e: {  	_ =	shalt  }
0x4f: {  	_ =	shalt  }
0x50: {  	_ =	shalt  }
0x51: {  	_ =	shalt  }
0x52: {  	_ =	shalt  }
0x53: {  	_ =	shalt  }
0x54: {  	_ =	shalt  }
0x55: {  	_ =	shalt  }
0x56: {  	_ =	shalt  }
0x57: {  	_ =	shalt  }
0x58: {  	_ =	shalt  }
0x59: {  	_ =	shalt  }
0x5a: {  	_ =	shalt  }
0x5b: {  	_ =	shalt  }
0x5c: {  	_ =	shalt  }
0x5d: {  	_ =	shalt  }
0x5e: {  	_ =	shalt  }
0x5f: {  	_ =	shalt  }
0x60: {  	_ =	shalt  }
0x61: {  	_ =	shalt  }
0x62: {  	_ =	shalt  }
0x63: {  	_ =	shalt  }
0x64: {  	_ =	shalt  }
0x65: {  	_ =	shalt  }
0x66: {  	_ =	shalt  }
0x67: {  	_ =	shalt  }
0x68: {  	_ =	shalt  }
0x69: {  	_ =	shalt  }
0x6a: {  	_ =	shalt  }
0x6b: {  	_ =	shalt  }
0x6c: {  	_ =	shalt  }
0x6d: {  	_ =	shalt  }
0x6e: {  	_ =	shalt  }
0x6f: {  	_ =	shalt  }
0x70: {  	_ =	shalt  }
0x71: {  	_ =	shalt  }
0x72: {  	_ =	shalt  }
0x73: {  	_ =	shalt  }
0x74: {  	_ =	shalt  }
0x75: {  	_ =	shalt  }
0x76: {  	_ =	shalt  }
0x77: {  	_ =	shalt  }
0x78: {  	_ =	shalt  }
0x79: {  	_ =	shalt  }
0x7a: {  	_ =	shalt  }
0x7b: {  	_ =	shalt  }
0x7c: {  	_ =	shalt  }
0x7d: {  	_ =	shalt  }
0x7e: {  	_ =	shalt  }
0x7f: {  	_ =	shalt  }
0x80: {  	_ =	shalt  }
0x81: {  	_ =	shalt  }
0x82: {  	_ =	shalt  }
0x83: {  	_ =	shalt  }
0x84: {  	_ =	shalt  }
0x85: {  	_ =	shalt  }
0x86: {  	_ =	shalt  }
0x87: {  	_ =	shalt  }
.Lfunc_end0:
.L_simem_size_0:
called_computation_lowered:
.L_overlay_start_0:
0x88: {  	s2 =	sld [smem:$0x3FD9]  }
0x89: {  	s3 =	sld [smem:$0x3FFE];
	_ =	sdelay $0x1  }
0x8a: {  	s1 =	srdreg.scid  }
0x8b: {  	s0 =	sand.u32 $0x1, s1  }
0x8c: {  	s16 =	sshll.u32 s0, $0xA;
	s2 =	sadd.s32 s3, s2  }
0x8d: {  	s2 =	sadd.s32 s2, s16  }
0x8e: {  	[smem:$0x3FC5] =	sst s2  }
0x8f: {  	_ = 	snop  }
0x90: {  	(tm) =	ssettm $0x1  }
0x91: {  	s17 =	sld [smem:$0x3FFB];
	_ =	sdelay $0x3  }
0x92: {  	_ =	strace s17  }
0x93: {  	s2 =	sld [smem:$0x3FFC];
	_ =	sdelay $0x3  }
0x94: {  	_ =	strace s2  }
0x95: {  	s2 =	sld [smem:$0x3FFD];
	_ =	sdelay $0x3  }
0x96: {  	_ =	strace s2  }
0x97: {  	_ =	strace $0x8FFFFFFF  }
0x98: {  	s18 =	sld [smem:$0x3FDB];
	_ =	sdelay $0x1  }
0x99: {  	s19 =	simm.s32 $_scs_section_size  }
0x9a: {  	s4 =	simm.s32 $_size__tile_overlayer_lowered;
	s5 =	simm.s32 $_tile_overlayer_lowered  }
0x9b: {  	s22 =	simm.s32 $0x1BFF;
	s21 =	sshll.u32 s5, $0x1;
	s2 =	sadd.s32 s19, s18  }
0x9c: {  	s6 =	simm.s32 $0x0;
	s20 =	sshll.u32 s4, $0x1;
	s4 =	sadd.s32 s21, s2  }
0x9d: {  	[timem:s6], [sflag:s22] =	dma.local [hbm:s4], s20  }
0x9e: {  	_ =	swait.ge [sflag:s22], s20  }
0x9f: {  	s3 =	ssub.s32 $0x0, s20;
	[sflag:s22] =	ssyncset.done $0x0  }
0xa0: {  	[sflag:s22] =	ssyncadd.s32 s3;
	_ =	sdelay $0x1  }
0xa1: {  	s23 =	simm.s32 $0x1B8B  }
0xa2: {  	_ =	swait.ge [sflag:s23], $0x1  }
0xa3: {  	[sflag:s23] =	ssyncset.done $0x0  }
0xa4: {  	s25 =	simm.s32 $0x1B8E;
	s24 =	sld [smem:$0x3FFE];
	[sflag:s23] =	ssyncadd.s32 $0xFFFFFFFF  }
0xa5: {  	s26 =	simm.s32 $execute0_lowered;
	[smem:$0x3FD2] =	sst s25  }
0xa6: {  	s4 =	sshll.u32 s26, $0x1;
	_ =	strace $0x80000046;
	[dreg:$0x1] =	wrdreg $0xFFFFFFFF  }
0xa7: {  	s28 =	simm.s32 $_size_execute0_lowered;
	s2 =	sadd.s32 s2, s4;
	[dreg:$0x0] =	wrdreg $0x0  }
0xa8: {  	s4 =	sshll.u32 s28, $0x1;
	[dreg:$0x2] =	wrdreg s2  }
0xa9: {  	[dreg:$0x3] =	wrdreg s4  }
0xaa: {  	[dreg:$0x4] =	wrdreg $0xC0  }
0xab: {  	_ =	task [dreg:s6], $0x5FFFF  }
0xac: {  	[dreg:$0x1] =	wrdreg $0xFFFFFFFF  }
0xad: {  	[dreg:$0x0] =	wrdreg $0x60  }
0xae: {  	[dreg:$0x2] =	wrdreg s24  }
0xaf: {  	[dreg:$0x3] =	wrdreg $0x9  }
0xb0: {  	_ =	task.clear_ibuf [dreg:s6], $0x4FFFF;
	_ =	strace $0x90000046  }
0xb1: {  	s29 =	simm.s32 $0x9;
	_ =	strace $0x80000048  }
0xb2: {  	_ =	swait.ge [sflag:s29], $0x1  }
0xb3: {  	[sflag:s29] =	ssyncadd.s32 $0xFFFFFFFF  }
0xb4: {  	_ =	strace $0x90000048  }
0xb5: {  	_ =	sfence  }
0xb6: {  	s30 =	sld [smem:$0x0];
	_ =	sdelay $0x2  }
0xb7: {  	s31 =	sshll.u32 s1, $0xD;
	s1 =	sshrl.u32 s1, $0x2  }
0xb8: {  	s3 =	sand.u32 $0x4000, s31;
	s1 =	sadd.s32 s1, s30  }
0xb9: {  	s0 =	sor.u32 s3, s0;
	s1 =	sshll.u32 s1, $0x11  }
0xba: {  	s0 =	sor.u32 s1, s0  }
0xbb: {  	s0 =	sadd.s32 $0x8F2B, s0  }
0xbc: {  	[sflag:s0] =	ssyncadd.remote.s32 $0x1  }
0xbd: {  	_ =	sfence.sel $0xFFFF  }
0xbe: {  	[dreg:$0x0] =	wrdreg $0xFFFFFFFF;
	(pc) =	sbr.abs _section_cstart, $3  }
0xbf: {  	[dreg:$0x1] =	wrdreg $0xFFFFFFFF  }
0xc0: {  	_ =	task.clear_ibuf [dreg:s6], $0x2FFFF;
	_ =	strace $0x9FFFFFFF  }
0xc1: {  	(tm) =	ssettm $0x7FFFFFFF  }
tec
execute0_lowered:
.L_overlay_start_1:
0x0: {  	(tag) =	ssettag $0x1  }
0x1: {  	s1 =	srdreg.scid  }
0x2: {  	s2 =	simm.s32 $0x0;
	s8 =	simm.s32 $0x4B00;
	s9 =	simm.s32 $0x4E00  }
0x3: {  	v0 =	vimm.f32 $0.0e+00;
	v1 =	vimm.s32 $0xFFFFFFFE;
	v21 =	vlaneseq.u32;
	s10 =	simm.s32 $0x4C80;
	s11 =	simm.s32 $0x4800;
	[smem:$0x7FF] =	sst s2  }
0x4: {  	s0 =	stileid.u32;
	s4 =	rddreg [dreg:$0x0];
	v3 =	vor.u32 $0x80000010, v21;
	v4 =	vor.u32 $0x80000020, v21;
	v5 =	vor.u32 $0x80000030, v21  }
0x5: {  	s7 =	simm.s32 $0xFFFFFFFF;
	s5 =	sand.u32 $0x1, s1;
	s30 =	sshll.u32 s0, $0x1;
	v6 =	vor.u32 $0x80000040, v21;
	v7 =	vor.u32 $0x80000050, v21;
	v8 =	vor.u32 $0x80000060, v21  }
0x6: {  	s12 =	simm.s32 $0x0;
	v9 =	vor.u32 $0x80000070, v21;
	v10 =	vor.u32 $0x80000080, v21;
	v11 =	vor.u32 $0x80000090, v21;
	s3 =	sor.u32 s5, s30;
	s5 =	ssub.s32 $0x2, s5  }
0x7: {  	s1 =	rddreg [dreg:$0x1];
	v2 =	vor.u32 $0x80000000, v21;
	v12 =	vor.u32 $0x800000A0, v21;
	v13 =	vor.u32 $0x800000B0, v21;
	s6 =	smul.u32 $0x900, s3;
	s31 =	sshrl.u32 s5, $0x1  }
0x8: {  	v17 =	vimm.s32 $0x0;
	v14 =	vor.u32 $0x800000C0, v21;
	v15 =	vor.u32 $0x800000D0, v21;
	_ =	strace $0x80000047;
	s3 =	sshll.u32 s3, $0x4;
	s5 =	ssub.s32 s5, s31  }
0x9: {  	v16 =	vor.u32 $0x800000E0, v21;
	v18 =	vor.u32 $0x800000F0, v21;
	v19 =	vor.u32 $0x80000100, v21;
	s6 =	sadd.s32 s6, s4;
	s4 =	sadd.s32 s3, s4;
	s5 =	smax.u32 s5, $0x1  }
0xa: {  	v22 =	vimm.f32 $1.000000000e+00;
	v20 =	vor.u32 $0x80000110, v21;
	v21 =	vor.u32 $0x80000120, v21;
	s3 =	sadd.s32 $0x600, s6;
	s4 =	sadd.s32 $0x12600, s4;
	s6 =	simm.s32 $0x1  }
.LBB2_1:
0xb: {  	[tilespmem:s2], [sflag:$0x1] =	stream.linear.gather [hbm4b:s3+s2], $0x4800, $0x38;
	[tilespmem:$0x4E80] =	vst v63  }
0xc: {  	_ =	swait.ge [sflag:s6], $0x4800  }
0xd: {  	[sflag:s6] =	ssyncset.done $0x0  }
0xe: {  	s13 =	simm.s32 $0x0;
	[sflag:s6] =	ssyncadd.s32 $0xFFFFB800  }
0xf: {  	[smem:s13] =	sst s7  }
0x10: {  	[smem:$0x1] =	sst s7  }
0x11: {  	[smem:$0x2] =	sst s7  }
0x12: {  	[smem:$0x3] =	sst s7  }
0x13: {  	[smem:$0x4] =	sst s7  }
0x14: {  	[smem:$0x5] =	sst s7  }
0x15: {  	s14 =	simm.s32 $0x20;
	s15 =	simm.s32 $0x40;
	[smem:$0x6] =	sst s7  }
.LBB2_2:
0x16: {  	[smem:s13+$0x7] =	sst s7  }
0x17: {  	s13 =	sshra.s32 s14, $0x2;
	s14 =	smov.u32 s15;
	s16 =	sadd.s32 $0x20, s15  }
0x18: {  	p0 =	sne.s32 s15, $0x4A0;
	[smem:s13] =	sst s7  }
0x19: {  	[smem:s13+$0x1] =	sst s7  }
.Ltmp0:
0x1a: {  	[smem:s13+$0x2] =	sst s7;
	(pc) =	sbr.rel @p0 .LBB2_2-.Ltmp0, $4  }
0x1b: {  	[smem:s13+$0x3] =	sst s7  }
0x1c: {  	[smem:s13+$0x4] =	sst s7  }
0x1d: {  	[smem:s13+$0x5] =	sst s7  }
0x1e: {  	s15 =	smov.u32 s16;
	[smem:s13+$0x6] =	sst s7  }
0x1f: {  	[tilespmem:$0x4800] =	vst v0;
	v41 =	vld [tilespmem:$0x3C00]  }
0x20: {  	[tilespmem:$0x4810] =	vst v0;
	v40 =	vld [tilespmem:$0x3C10]  }
0x21: {  	[tilespmem:$0x4820] =	vst v0;
	v39 =	vld [tilespmem:$0x3C20]  }
0x22: {  	[tilespmem:$0x4830] =	vst v0;
	v38 =	vld [tilespmem:$0x3C30]  }
0x23: {  	[tilespmem:$0x4840] =	vst v0;
	v37 =	vld [tilespmem:$0x3C40]  }
0x24: {  	[tilespmem:$0x4850] =	vst v0;
	v36 =	vld [tilespmem:$0x3C50]  }
0x25: {  	[tilespmem:$0x4860] =	vst v0;
	v35 =	vld [tilespmem:$0x3C60]  }
0x26: {  	[tilespmem:$0x4870] =	vst v0;
	v34 =	vld [tilespmem:$0x3C70]  }
0x27: {  	[tilespmem:$0x4880] =	vst v0;
	v33 =	vld [tilespmem:$0x4000]  }
0x28: {  	[tilespmem:$0x4890] =	vst v0;
	v32 =	vld [tilespmem:$0x4010]  }
0x29: {  	s14 =	sshra.s32 s14, $0x2;
	[smem:s13+$0x7] =	sst s7;
	[tilespmem:$0x48A0] =	vst v0;
	v31 =	vld [tilespmem:$0x4020]  }
0x2a: {  	[tilespmem:$0x48B0] =	vst v0;
	v30 =	vld [tilespmem:$0x4030];
	[smem:s14] =	sst s7  }
0x2b: {  	[tilespmem:$0x48C0] =	vst v0;
	v29 =	vld [tilespmem:$0x4040];
	[smem:s14+$0x1] =	sst s7  }
0x2c: {  	[tilespmem:$0x48D0] =	vst v0;
	v28 =	vld [tilespmem:$0x4050];
	[smem:s14+$0x2] =	sst s7  }
0x2d: {  	[tilespmem:$0x48E0] =	vst v0;
	v27 =	vld [tilespmem:$0x4060];
	[smem:s14+$0x3] =	sst s7  }
0x2e: {  	[tilespmem:$0x48F0] =	vst v0;
	v26 =	vld [tilespmem:$0x4070];
	[smem:s14+$0x4] =	sst s7  }
0x2f: {  	[tilespmem:$0x4900] =	vst v0;
	v25 =	vld [tilespmem:$0x4400];
	[smem:s14+$0x5] =	sst s7  }
0x30: {  	[tilespmem:$0x4910] =	vst v0;
	v24 =	vld [tilespmem:$0x4410];
	[smem:s14+$0x6] =	sst s7  }
0x31: {  	[tilespmem:$0x4920] =	vst v0;
	s13 =	simm.s32 $0x0;
	s15 =	simm.f32 $0.0e+00;
	v23 =	vld [tilespmem:$0x4420];
	[smem:s14+$0x7] =	sst s7  }
.LBB2_4:
0x32: {  	p0 =	seq.s32 s13, $0x0;
	vm0 =	vmxor vm0, vm0;
	v43 =	vld [tilespmem:$0x4980]  }
0x33: {  	v44 =	vld [tilespmem:$0x4C80];
	vm0 =	vmneg @p0 vm0  }
0x34: {  	v45 =	vld [tilespmem:$0x4800];
	vm0 =	vmneg vm0  }
0x35: {  	v42 =	vsel vm0, $0x1, v17  }
0x36: {  	v46 =	vbroadcast v42, $0x0;
	v42 =	vmov s15  }
0x37: {  	v43 =	vsub.f32 v43, v42  }
0x38: {  	s14 =	sshrl.u32 s13, $0x3;
	vm8 =	vlt.f32 v44, $0.0e+00;
	vm1 =	vgt.f32 v44, $0.0e+00;
	v52 =	vand.u32 $0x1, v46  }
0x39: {  	v54 =	vld [tilespmem:$0x4990];
	s14 =	smul.u32 $0x3000, s14;
	vm0 =	vmor vm1, vm8;
	vm1 =	veq.s32 v52, $0x1;
	v43 =	vadd.f32 v43, v45  }
0x3a: {  	s30 =	sshll.u32 s13, $0x7;
	v55 =	vld [tilespmem:$0x4C90];
	vm0 =	vmand vm1, vm0  }
0x3b: {  	v47 =	vld [tilespmem:$0x4810];
	s14 =	sshra.s32 s14, $0x2;
	s15 =	sand.u32 $0x380, s30;
	v43 =	vsel vm0, v43, v45  }
0x3c: {  	s14 =	sor.u32 s15, s14;
	[tilespmem:$0x4800] =	vst v43  }
0x3d: {  	v53 =	vld [tilespmem:s14+$0x0]  }
0x3e: {  	v56 =	vsub.f32 v54, v42  }
0x3f: {  	vm9 =	vlt.f32 v55, $0.0e+00;
	vm2 =	vgt.f32 v55, $0.0e+00  }
0x40: {  	v44 =	vadd.f32 v56, v47;
	vm0 =	vmor vm2, vm9  }
0x41: {  	v58 =	vld [tilespmem:$0x49A0];
	vm0 =	vmand vm1, vm0;
	[tilespmem:$0x4B00] =	vst v1  }
0x42: {  	v59 =	vld [tilespmem:$0x4CA0];
	[tilespmem:$0x4C80] =	vst v0;
	v44 =	vsel vm0, v44, v47;
	v43 =	vsub.f32 v53, v43  }
0x43: {  	v48 =	vld [tilespmem:$0x4820];
	[tilespmem:$0x4810] =	vst v44  }
0x44: {  	[tilespmem:$0x4980] =	vst v43  }
0x45: {  	v57 =	vld [tilespmem:s14+$0x10]  }
0x46: {  	v60 =	vsub.f32 v58, v42  }
0x47: {  	vm10 =	vlt.f32 v59, $0.0e+00;
	vm11 =	vgt.f32 v59, $0.0e+00  }
0x48: {  	v45 =	vadd.f32 v60, v48;
	vm0 =	vmor vm11, vm10  }
0x49: {  	v62 =	vld [tilespmem:$0x49B0];
	vm0 =	vmand vm1, vm0;
	[tilespmem:$0x4B10] =	vst v1  }
0x4a: {  	v63 =	vld [tilespmem:$0x4CB0];
	v45 =	vsel vm0, v45, v48;
	[tilespmem:$0x4C90] =	vst v0;
	v44 =	vsub.f32 v57, v44  }
0x4b: {  	v49 =	vld [tilespmem:$0x4830];
	[tilespmem:$0x4820] =	vst v45  }
0x4c: {  	[tilespmem:$0x4990] =	vst v44  }
0x4d: {  	v61 =	vld [tilespmem:s14+$0x20]  }
0x4e: {  	v52 =	vsub.f32 v62, v42  }
0x4f: {  	vm12 =	vlt.f32 v63, $0.0e+00;
	vm13 =	vgt.f32 v63, $0.0e+00  }
0x50: {  	v46 =	vadd.f32 v52, v49;
	vm0 =	vmor vm13, vm12  }
0x51: {  	v54 =	vld [tilespmem:$0x49C0];
	vm0 =	vmand vm1, vm0;
	[tilespmem:$0x4B20] =	vst v1  }
0x52: {  	v55 =	vld [tilespmem:$0x4CC0];
	v46 =	vsel vm0, v46, v49;
	[tilespmem:$0x4CA0] =	vst v0;
	v45 =	vsub.f32 v61, v45  }
0x53: {  	v50 =	vld [tilespmem:$0x4840];
	[tilespmem:$0x4830] =	vst v46  }
0x54: {  	[tilespmem:$0x49A0] =	vst v45  }
0x55: {  	v53 =	vld [tilespmem:s14+$0x30]  }
0x56: {  	v56 =	vsub.f32 v54, v42  }
0x57: {  	vm14 =	vlt.f32 v55, $0.0e+00;
	vm15 =	vgt.f32 v55, $0.0e+00  }
0x58: {  	v47 =	vadd.f32 v56, v50;
	vm0 =	vmor vm15, vm14  }
0x59: {  	v58 =	vld [tilespmem:$0x49D0];
	vm0 =	vmand vm1, vm0;
	[tilespmem:$0x4B30] =	vst v1  }
0x5a: {  	v59 =	vld [tilespmem:$0x4CD0];
	v47 =	vsel vm0, v47, v50;
	[tilespmem:$0x4CB0] =	vst v0;
	v46 =	vsub.f32 v53, v46  }
0x5b: {  	v51 =	vld [tilespmem:$0x4850];
	[tilespmem:$0x4840] =	vst v47  }
0x5c: {  	[tilespmem:$0x49B0] =	vst v46  }
0x5d: {  	v57 =	vld [tilespmem:s14+$0x40]  }
0x5e: {  	v60 =	vsub.f32 v58, v42  }
0x5f: {  	vm4 =	vlt.f32 v59, $0.0e+00;
	vm5 =	vgt.f32 v59, $0.0e+00  }
0x60: {  	v48 =	vadd.f32 v60, v51;
	vm0 =	vmor vm5, vm4  }
0x61: {  	v62 =	vld [tilespmem:$0x49E0];
	vm0 =	vmand vm1, vm0;
	[tilespmem:$0x4B40] =	vst v1  }
0x62: {  	v63 =	vld [tilespmem:$0x4CE0];
	v48 =	vsel vm0, v48, v51;
	[tilespmem:$0x4CC0] =	vst v0;
	v47 =	vsub.f32 v57, v47  }
0x63: {  	v52 =	vld [tilespmem:$0x4860];
	[tilespmem:$0x4850] =	vst v48  }
0x64: {  	[tilespmem:$0x49C0] =	vst v47  }
0x65: {  	v61 =	vld [tilespmem:s14+$0x50]  }
0x66: {  	v56 =	vsub.f32 v62, v42  }
0x67: {  	vm6 =	vlt.f32 v63, $0.0e+00;
	vm7 =	vgt.f32 v63, $0.0e+00  }
0x68: {  	v49 =	vadd.f32 v56, v52;
	vm0 =	vmor vm7, vm6  }
0x69: {  	v58 =	vld [tilespmem:$0x49F0];
	vm0 =	vmand vm1, vm0;
	[tilespmem:$0x4B50] =	vst v1  }
0x6a: {  	v59 =	vld [tilespmem:$0x4CF0];
	v49 =	vsel vm0, v49, v52;
	[tilespmem:$0x4CD0] =	vst v0;
	v48 =	vsub.f32 v61, v48  }
0x6b: {  	v53 =	vld [tilespmem:$0x4870];
	[tilespmem:$0x4860] =	vst v49  }
0x6c: {  	[tilespmem:$0x49D0] =	vst v48  }
0x6d: {  	v57 =	vld [tilespmem:s14+$0x60]  }
0x6e: {  	v60 =	vsub.f32 v58, v42  }
0x6f: {  	vm8 =	vlt.f32 v59, $0.0e+00;
	vm9 =	vgt.f32 v59, $0.0e+00  }
0x70: {  	vm0 =	vmor vm9, vm8;
	v50 =	vadd.f32 v60, v53  }
0x71: {  	v62 =	vld [tilespmem:$0x4A00];
	vm0 =	vmand vm1, vm0;
	[tilespmem:$0x4B60] =	vst v1  }
0x72: {  	v63 =	vld [tilespmem:$0x4D00];
	v50 =	vsel vm0, v50, v53;
	[tilespmem:$0x4CE0] =	vst v0;
	v49 =	vsub.f32 v57, v49  }
0x73: {  	v54 =	vld [tilespmem:$0x4880];
	[tilespmem:$0x4870] =	vst v50  }
0x74: {  	[tilespmem:$0x49E0] =	vst v49  }
0x75: {  	v61 =	vld [tilespmem:s14+$0x70]  }
0x76: {  	v56 =	vsub.f32 v62, v42  }
0x77: {  	vm10 =	vlt.f32 v63, $0.0e+00;
	vm11 =	vgt.f32 v63, $0.0e+00  }
0x78: {  	v51 =	vadd.f32 v56, v54;
	vm0 =	vmor vm11, vm10  }
0x79: {  	v58 =	vld [tilespmem:$0x4A10];
	vm0 =	vmand vm1, vm0;
	[tilespmem:$0x4B70] =	vst v1  }
0x7a: {  	v59 =	vld [tilespmem:$0x4D10];
	v51 =	vsel vm0, v51, v54;
	[tilespmem:$0x4CF0] =	vst v0;
	v50 =	vsub.f32 v61, v50  }
0x7b: {  	v55 =	vld [tilespmem:$0x4890];
	[tilespmem:$0x4880] =	vst v51  }
0x7c: {  	[tilespmem:$0x49F0] =	vst v50  }
0x7d: {  	v57 =	vld [tilespmem:s14+$0x400]  }
0x7e: {  	v60 =	vsub.f32 v58, v42  }
0x7f: {  	vm12 =	vlt.f32 v59, $0.0e+00;
	vm13 =	vgt.f32 v59, $0.0e+00  }
0x80: {  	v52 =	vadd.f32 v60, v55;
	vm0 =	vmor vm13, vm12  }
0x81: {  	v62 =	vld [tilespmem:$0x4A20];
	vm0 =	vmand vm1, vm0;
	[tilespmem:$0x4B80] =	vst v1  }
0x82: {  	v63 =	vld [tilespmem:$0x4D20];
	v52 =	vsel vm0, v52, v55;
	[tilespmem:$0x4D00] =	vst v0;
	v51 =	vsub.f32 v57, v51  }
0x83: {  	v56 =	vld [tilespmem:$0x48A0];
	[tilespmem:$0x4890] =	vst v52  }
0x84: {  	[tilespmem:$0x4A00] =	vst v51  }
0x85: {  	v61 =	vld [tilespmem:s14+$0x410]  }
0x86: {  	v60 =	vsub.f32 v62, v42  }
0x87: {  	vm14 =	vlt.f32 v63, $0.0e+00;
	vm15 =	vgt.f32 v63, $0.0e+00  }
0x88: {  	v53 =	vadd.f32 v60, v56;
	vm0 =	vmor vm15, vm14  }
0x89: {  	v62 =	vld [tilespmem:$0x4A30];
	vm0 =	vmand vm1, vm0;
	[tilespmem:$0x4B90] =	vst v1  }
0x8a: {  	v63 =	vld [tilespmem:$0x4D30];
	v53 =	vsel vm0, v53, v56;
	[tilespmem:$0x4D10] =	vst v0;
	v52 =	vsub.f32 v61, v52  }
0x8b: {  	v57 =	vld [tilespmem:$0x48B0];
	[tilespmem:$0x48A0] =	vst v53  }
0x8c: {  	[tilespmem:$0x4A10] =	vst v52  }
0x8d: {  	v61 =	vld [tilespmem:s14+$0x420]  }
0x8e: {  	v60 =	vsub.f32 v62, v42  }
0x8f: {  	vm4 =	vlt.f32 v63, $0.0e+00;
	vm5 =	vgt.f32 v63, $0.0e+00  }
0x90: {  	vm0 =	vmor vm5, vm4;
	v54 =	vadd.f32 v60, v57  }
0x91: {  	v62 =	vld [tilespmem:$0x4A40];
	vm0 =	vmand vm1, vm0;
	[tilespmem:$0x4BA0] =	vst v1  }
0x92: {  	v63 =	vld [tilespmem:$0x4D40];
	v54 =	vsel vm0, v54, v57;
	[tilespmem:$0x4D20] =	vst v0;
	v53 =	vsub.f32 v61, v53  }
0x93: {  	v58 =	vld [tilespmem:$0x48C0];
	[tilespmem:$0x48B0] =	vst v54  }
0x94: {  	[tilespmem:$0x4A20] =	vst v53  }
0x95: {  	v61 =	vld [tilespmem:s14+$0x430]  }
0x96: {  	v60 =	vsub.f32 v62, v42  }
0x97: {  	vm6 =	vlt.f32 v63, $0.0e+00;
	vm7 =	vgt.f32 v63, $0.0e+00  }
0x98: {  	vm0 =	vmor vm7, vm6;
	v55 =	vadd.f32 v60, v58  }
0x99: {  	v62 =	vld [tilespmem:$0x4A50];
	vm0 =	vmand vm1, vm0;
	[tilespmem:$0x4BB0] =	vst v1  }
0x9a: {  	v63 =	vld [tilespmem:$0x4D50];
	v55 =	vsel vm0, v55, v58;
	[tilespmem:$0x4D30] =	vst v0;
	v54 =	vsub.f32 v61, v54  }
0x9b: {  	v59 =	vld [tilespmem:$0x48D0];
	[tilespmem:$0x48C0] =	vst v55  }
0x9c: {  	[tilespmem:$0x4A30] =	vst v54  }
0x9d: {  	v61 =	vld [tilespmem:s14+$0x440]  }
0x9e: {  	v60 =	vsub.f32 v62, v42  }
0x9f: {  	vm8 =	vlt.f32 v63, $0.0e+00;
	vm9 =	vgt.f32 v63, $0.0e+00  }
0xa0: {  	vm0 =	vmor vm9, vm8;
	v56 =	vadd.f32 v60, v59  }
0xa1: {  	vm0 =	vmand vm1, vm0;
	[tilespmem:$0x4BC0] =	vst v1  }
0xa2: {  	v58 =	vld [tilespmem:$0x4A60];
	v56 =	vsel vm0, v56, v59;
	[tilespmem:$0x4D40] =	vst v0;
	v55 =	vsub.f32 v61, v55  }
0xa3: {  	v60 =	vld [tilespmem:$0x48E0];
	[tilespmem:$0x48D0] =	vst v56  }
0xa4: {  	v59 =	vld [tilespmem:$0x4D60];
	[tilespmem:$0x4A40] =	vst v55  }
0xa5: {  	v57 =	vld [tilespmem:s14+$0x450];
	_ =	sdelay $0x2  }
0xa6: {  	v61 =	vsub.f32 v58, v42  }
0xa7: {  	vm10 =	vlt.f32 v59, $0.0e+00;
	vm11 =	vgt.f32 v59, $0.0e+00  }
0xa8: {  	vm0 =	vmor vm11, vm10;
	[tilespmem:$0x4BD0] =	vst v1;
	v56 =	vsub.f32 v57, v56;
	v57 =	vadd.f32 v61, v60  }
0xa9: {  	v59 =	vld [tilespmem:$0x4A70];
	vm0 =	vmand vm1, vm0;
	[tilespmem:$0x4D50] =	vst v0  }
0xaa: {  	v61 =	vld [tilespmem:$0x48F0];
	[tilespmem:$0x4A50] =	vst v56;
	v57 =	vsel vm0, v57, v60  }
0xab: {  	v60 =	vld [tilespmem:$0x4D70];
	[tilespmem:$0x48E0] =	vst v57  }
0xac: {  	v58 =	vld [tilespmem:s14+$0x460];
	_ =	sdelay $0x2  }
0xad: {  	v62 =	vsub.f32 v59, v42  }
0xae: {  	vm12 =	vlt.f32 v60, $0.0e+00;
	vm13 =	vgt.f32 v60, $0.0e+00  }
0xaf: {  	[tilespmem:$0x4BE0] =	vst v1;
	vm0 =	vmor vm13, vm12;
	v57 =	vsub.f32 v58, v57;
	v58 =	vadd.f32 v62, v61  }
0xb0: {  	[tilespmem:$0x4D60] =	vst v0;
	v60 =	vld [tilespmem:$0x4A80];
	vm0 =	vmand vm1, vm0  }
0xb1: {  	v62 =	vld [tilespmem:$0x4900];
	[tilespmem:$0x4A60] =	vst v57;
	v58 =	vsel vm0, v58, v61  }
0xb2: {  	v61 =	vld [tilespmem:$0x4D80];
	[tilespmem:$0x48F0] =	vst v58  }
0xb3: {  	v59 =	vld [tilespmem:s14+$0x470];
	_ =	sdelay $0x1  }
0xb4: {  	vm0 =	vlt.f32 v43, $3.000000010e+38  }
0xb5: {  	v63 =	vsub.f32 v60, v42;
	v43 =	vnsel vm0, $0x7F61B1E6, v43  }
0xb6: {  	vm2 =	vlt.f32 v44, v43;
	vm14 =	vlt.f32 v61, $0.0e+00;
	vm3 =	vgt.f32 v61, $0.0e+00  }
0xb7: {  	vm3 =	vmor vm3, vm14;
	v58 =	vsub.f32 v59, v58;
	v59 =	vadd.f32 v63, v62  }
0xb8: {  	[tilespmem:$0x4BF0] =	vst v1;
	v43 =	vsel vm2, v44, v43;
	vm3 =	vmand vm1, vm3  }
0xb9: {  	[tilespmem:$0x4D70] =	vst v0;
	v44 =	vsel vm3, v59, v62;
	vm3 =	vlt.f32 v45, v43  }
0xba: {  	[tilespmem:$0x4A70] =	vst v58;
	v43 =	vsel vm3, v45, v43  }
0xbb: {  	v59 =	vld [tilespmem:$0x4A90];
	[tilespmem:$0x4900] =	vst v44;
	vm4 =	vlt.f32 v46, v43  }
0xbc: {  	v45 =	vld [tilespmem:s14+$0x800];
	v43 =	vsel vm4, v46, v43  }
0xbd: {  	v46 =	vld [tilespmem:$0x4D90];
	vm5 =	vlt.f32 v47, v43  }
0xbe: {  	v60 =	vld [tilespmem:$0x4910];
	v43 =	vsel vm5, v47, v43  }
0xbf: {  	vm6 =	vlt.f32 v48, v43  }
0xc0: {  	v43 =	vsel vm6, v48, v43  }
0xc1: {  	v59 =	vsub.f32 v59, v42;
	v44 =	vsub.f32 v45, v44;
	vm7 =	vlt.f32 v49, v43  }
0xc2: {  	vm8 =	vlt.f32 v46, $0.0e+00;
	vm9 =	vgt.f32 v46, $0.0e+00;
	v43 =	vsel vm7, v49, v43  }
0xc3: {  	v45 =	vadd.f32 v59, v60;
	vm9 =	vmor vm9, vm8;
	vm8 =	vlt.f32 v50, v43  }
0xc4: {  	[tilespmem:$0x4C00] =	vst v1;
	vm9 =	vmand vm1, vm9;
	v43 =	vsel vm8, v50, v43  }
0xc5: {  	[tilespmem:$0x4D80] =	vst v0;
	v45 =	vsel vm9, v45, v60;
	vm9 =	vlt.f32 v51, v43  }
0xc6: {  	v63 =	vld [tilespmem:$0x4DA0];
	[tilespmem:$0x4A80] =	vst v44;
	v43 =	vsel vm9, v51, v43  }
0xc7: {  	v62 =	vld [tilespmem:$0x4AA0];
	[tilespmem:$0x4910] =	vst v45;
	vm10 =	vlt.f32 v52, v43  }
0xc8: {  	v61 =	vld [tilespmem:s14+$0x810];
	v43 =	vsel vm10, v52, v43  }
0xc9: {  	v52 =	vld [tilespmem:$0x4920];
	vm11 =	vlt.f32 v53, v43  }
0xca: {  	v43 =	vsel vm11, v53, v43  }
0xcb: {  	vm14 =	vlt.f32 v63, $0.0e+00;
	vm12 =	vlt.f32 v54, v43  }
0xcc: {  	vm15 =	vgt.f32 v63, $0.0e+00;
	v42 =	vsub.f32 v62, v42;
	v43 =	vsel vm12, v54, v43  }
0xcd: {  	vm14 =	vmor vm15, vm14;
	vm13 =	vlt.f32 v55, v43  }
0xce: {  	[tilespmem:$0x4C10] =	vst v1;
	v45 =	vsub.f32 v61, v45;
	v42 =	vadd.f32 v42, v52;
	v43 =	vsel vm13, v55, v43  }
0xcf: {  	vm1 =	vmand vm1, vm14;
	[tilespmem:$0x4D90] =	vst v0;
	vm14 =	vlt.f32 v56, v43  }
0xd0: {  	[tilespmem:$0x4A90] =	vst v45;
	v42 =	vsel vm1, v42, v52;
	v43 =	vsel vm14, v56, v43  }
0xd1: {  	[tilespmem:$0x4920] =	vst v42;
	vm1 =	vlt.f32 v57, v43  }
0xd2: {  	v59 =	vnsel vm0, $0x80000000, v2;
	v60 =	vld [tilespmem:s14+$0x820];
	v43 =	vsel vm1, v57, v43  }
0xd3: {  	v46 =	vsel vm2, v3, v59;
	vm0 =	vlt.f32 v58, v43  }
0xd4: {  	v46 =	vsel vm3, v4, v46;
	v43 =	vsel vm0, v58, v43  }
0xd5: {  	v46 =	vsel vm4, v5, v46;
	vm2 =	vlt.f32 v44, v43  }
0xd6: {  	v46 =	vsel vm5, v6, v46;
	v43 =	vsel vm2, v44, v43  }
0xd7: {  	v61 =	vsel vm6, v7, v46;
	v42 =	vsub.f32 v60, v42;
	vm15 =	vlt.f32 v45, v43  }
0xd8: {  	v44 =	vsel vm7, v8, v61;
	v43 =	vsel vm15, v45, v43  }
0xd9: {  	v44 =	vsel vm8, v9, v44;
	vm8 =	vlt.f32 v42, v43  }
0xda: {  	v44 =	vsel vm9, v10, v44;
	v43 =	vsel vm8, v42, v43  }
0xdb: {  	v44 =	vsel vm10, v11, v44;
	(xrf0) =	vmin.scan.msk.f32 $0xffff, v43  }
0xdc: {  	v44 =	vsel vm11, v12, v44  }
0xdd: {  	v44 =	vsel vm12, v13, v44  }
0xde: {  	v44 =	vsel vm13, v14, v44  }
0xdf: {  	v44 =	vsel vm14, v15, v44  }
0xe0: {  	v44 =	vsel vm1, v16, v44  }
0xe1: {  	v44 =	vsel vm0, v18, v44;
	v62, _, _ =	vpop (xrf0)  }
0xe2: {  	v44 =	vsel vm2, v19, v44;
	v63 =	vbroadcast v62, $0xF  }
0xe3: {  	v44 =	vsel vm15, v20, v44  }
0xe4: {  	v44 =	vsel vm8, v21, v44;
	vm15 =	veq.f32 v43, v63  }
0xe5: {  	v43 =	vnsel vm15, $0xC0000000, v44  }
0xe6: {  	(xrf0) =	vmin.scan.msk.u32 $0xffff, v43;
	_ =	sdelay $0x5  }
0xe7: {  	(v2sf) =	vpush v62, $0xF;
	v43, _, _ =	vpop (xrf0)  }
0xe8: {  	(v2sf) =	vpush v43, $0xF;
	_ =	sdelay $0xd  }
0xe9: {  	s15 =	spop (v2sf)  }
0xea: {  	s31 =	spop (v2sf)  }
0xeb: {  	s14 =	sxor.u32 $0x80000000, s31  }
0xec: {  	s16 =	sld [smem:s14+$0x0];
	_ =	sdelay $0x2  }
0xed: {  	p0 =	sne.s32 s16, $0xFFFFFFFF  }
.Ltmp1:
0xee: {  	_ = 	snop;
	(pc) =	sbr.rel @!p0 .LBB2_6-.Ltmp1, $4  }
0xef: {  	_ = 	snop  }
0xf0: {  	[tilespmem:$0x4C20] =	vst v1  }
0xf1: {  	[tilespmem:$0x4DA0] =	vst v0  }
0xf2: {  	[tilespmem:$0x4AA0] =	vst v42  }
.LBB2_5:
0xf3: {  	v42 =	vmov s16  }
0xf4: {  	v43 =	vmov s14;
	v44 =	vshrl.u32 v42, $0x3  }
0xf5: {  	v45 =	vshll.u32 v43, $0x3;
	v44 =	vmul.u32 $0xC00, v44  }
0xf6: {  	v42 =	vshll.u32 v42, $0x7;
	v45 =	vand.u32 $0xFFFFFC00, v45  }
0xf7: {  	v42 =	vand.u32 $0x380, v42;
	v44 =	vadd.s32 v45, v44  }
0xf8: {  	v49 =	vand.u32 $0x7F, v43;
	v42 =	vor.u32 v42, v44  }
0xf9: {  	v42 =	vor.u32 v49, v42;
	_ =	sdelay $0x3  }
0xfa: {  	[tilespmem:v43+s10+$0x0] =	vst.idx.msk $0x1, v22  }
0xfb: {  	v42 =	vld.idx.msk [tilespmem:v42+s2+$0x0], $0xffff;
	_ =	sdelay $0x1  }
0xfc: {  	v43 =	vld.idx.msk [tilespmem:v43+s11+$0x0], $0xffff;
	_ =	sdelay $0x2  }
0xfd: {  	(xrf0) =	vmin.scan.msk.f32 $0xffff, v42;
	_ =	sdelay $0x1  }
0xfe: {  	(xrf0) =	vmin.scan.msk.f32 $0xffff, v43;
	_ =	sdelay $0x3  }
0xff: {  	v42, _, _ =	vpop (xrf0)  }
0x100: {  	(v2sf) =	vpush v42, $0xF  }
0x101: {  	v50, _, _ =	vpop (xrf0)  }
0x102: {  	(v2sf) =	vpush v50, $0xF;
	_ =	sdelay $0x4  }
0x103: {  	s17 =	sshrl.u32 s16, $0x3  }
0x104: {  	s17 =	smul.u32 $0x3000, s17  }
0x105: {  	s28 =	sshll.u32 s16, $0x7  }
0x106: {  	s16 =	sand.u32 $0x380, s28;
	s17 =	sshra.s32 s17, $0x2  }
0x107: {  	s16 =	sor.u32 s16, s17  }
0x108: {  	v51 =	vld [tilespmem:s16+$0x0]  }
0x109: {  	v52 =	vld [tilespmem:$0x4800];
	_ =	sdelay $0x1  }
0x10a: {  	s29 =	spop (v2sf)  }
0x10b: {  	v53 =	vld [tilespmem:$0x4980];
	s15 =	ssub.f32 s15, s29  }
0x10c: {  	v54 =	vld [tilespmem:$0x4C80];
	s30 =	spop (v2sf)  }
0x10d: {  	v42 =	vsub.f32 v51, v52;
	s15 =	sadd.f32 s30, s15;
	_ =	sdelay $0x1  }
0x10e: {  	v55 =	vld [tilespmem:$0x4B00];
	v42 =	vadd.f32 s15, v42;
	_ =	sdelay $0x1  }
0x10f: {  	vm1 =	veq.f32 v54, $0.0e+00;
	vm0 =	vlt.f32 v42, v53  }
0x110: {  	vm0 =	vmand vm1, vm0  }
0x111: {  	v42 =	vsel vm0, v42, v53  }
0x112: {  	v43 =	vsel vm0, s14, v55;
	[tilespmem:$0x4980] =	vst v42  }
0x113: {  	v56 =	vld [tilespmem:$0x4810];
	[tilespmem:$0x4B00] =	vst v43  }
0x114: {  	v43 =	vld [tilespmem:s16+$0x10];
	_ =	sdelay $0x2  }
0x115: {  	v57 =	vld [tilespmem:$0x4990]  }
0x116: {  	v46 =	vld [tilespmem:$0x4C90]  }
0x117: {  	v43 =	vsub.f32 v43, v56;
	_ =	sdelay $0x1  }
0x118: {  	v58 =	vld [tilespmem:$0x4B10];
	v43 =	vadd.f32 s15, v43;
	_ =	sdelay $0x1  }
0x119: {  	vm10 =	veq.f32 v46, $0.0e+00;
	vm6 =	vlt.f32 v43, v57  }
0x11a: {  	vm0 =	vmand vm6, vm10  }
0x11b: {  	v43 =	vsel vm0, v43, v57  }
0x11c: {  	v44 =	vsel vm0, s14, v58;
	[tilespmem:$0x4990] =	vst v43  }
0x11d: {  	v59 =	vld [tilespmem:$0x4820];
	[tilespmem:$0x4B10] =	vst v44  }
0x11e: {  	v44 =	vld [tilespmem:s16+$0x20];
	_ =	sdelay $0x2  }
0x11f: {  	v60 =	vld [tilespmem:$0x49A0]  }
0x120: {  	v47 =	vld [tilespmem:$0x4CA0]  }
0x121: {  	v44 =	vsub.f32 v44, v59;
	_ =	sdelay $0x1  }
0x122: {  	v61 =	vld [tilespmem:$0x4B20];
	v44 =	vadd.f32 s15, v44;
	_ =	sdelay $0x1  }
0x123: {  	vm11 =	veq.f32 v47, $0.0e+00;
	vm7 =	vlt.f32 v44, v60  }
0x124: {  	vm0 =	vmand vm7, vm11  }
0x125: {  	v44 =	vsel vm0, v44, v60  }
0x126: {  	v45 =	vsel vm0, s14, v61;
	[tilespmem:$0x49A0] =	vst v44  }
0x127: {  	v62 =	vld [tilespmem:$0x4830];
	[tilespmem:$0x4B20] =	vst v45  }
0x128: {  	v45 =	vld [tilespmem:s16+$0x30];
	_ =	sdelay $0x2  }
0x129: {  	v63 =	vld [tilespmem:$0x49B0]  }
0x12a: {  	v48 =	vld [tilespmem:$0x4CB0]  }
0x12b: {  	v45 =	vsub.f32 v45, v62;
	_ =	sdelay $0x1  }
0x12c: {  	v52 =	vld [tilespmem:$0x4B30];
	v45 =	vadd.f32 s15, v45;
	_ =	sdelay $0x1  }
0x12d: {  	vm0 =	veq.f32 v48, $0.0e+00;
	vm4 =	vlt.f32 v45, v63  }
0x12e: {  	vm4 =	vmand vm4, vm0  }
0x12f: {  	v45 =	vsel vm4, v45, v63  }
0x130: {  	v46 =	vsel vm4, s14, v52;
	[tilespmem:$0x49B0] =	vst v45  }
0x131: {  	v53 =	vld [tilespmem:$0x4840];
	[tilespmem:$0x4B30] =	vst v46  }
0x132: {  	v46 =	vld [tilespmem:s16+$0x40];
	_ =	sdelay $0x2  }
0x133: {  	v49 =	vld [tilespmem:$0x4CC0]  }
0x134: {  	v54 =	vld [tilespmem:$0x49C0]  }
0x135: {  	v46 =	vsub.f32 v46, v53;
	_ =	sdelay $0x1  }
0x136: {  	v55 =	vld [tilespmem:$0x4B40];
	v46 =	vadd.f32 s15, v46;
	_ =	sdelay $0x1  }
0x137: {  	vm5 =	veq.f32 v49, $0.0e+00;
	vm9 =	vlt.f32 v46, v54  }
0x138: {  	vm4 =	vmand vm9, vm5  }
0x139: {  	v46 =	vsel vm4, v46, v54  }
0x13a: {  	v47 =	vsel vm4, s14, v55;
	[tilespmem:$0x49C0] =	vst v46  }
0x13b: {  	v56 =	vld [tilespmem:$0x4850];
	[tilespmem:$0x4B40] =	vst v47  }
0x13c: {  	v47 =	vld [tilespmem:s16+$0x50];
	_ =	sdelay $0x2  }
0x13d: {  	v50 =	vld [tilespmem:$0x4CD0]  }
0x13e: {  	v57 =	vld [tilespmem:$0x49D0]  }
0x13f: {  	v47 =	vsub.f32 v47, v56;
	_ =	sdelay $0x1  }
0x140: {  	v58 =	vld [tilespmem:$0x4B50];
	v47 =	vadd.f32 s15, v47;
	_ =	sdelay $0x1  }
0x141: {  	vm6 =	veq.f32 v50, $0.0e+00;
	vm12 =	vlt.f32 v47, v57  }
0x142: {  	vm4 =	vmand vm12, vm6  }
0x143: {  	v47 =	vsel vm4, v47, v57  }
0x144: {  	v48 =	vsel vm4, s14, v58;
	[tilespmem:$0x49D0] =	vst v47  }
0x145: {  	v59 =	vld [tilespmem:$0x4860];
	[tilespmem:$0x4B50] =	vst v48  }
0x146: {  	v48 =	vld [tilespmem:s16+$0x60];
	_ =	sdelay $0x2  }
0x147: {  	v51 =	vld [tilespmem:$0x4CE0]  }
0x148: {  	v60 =	vld [tilespmem:$0x49E0]  }
0x149: {  	v48 =	vsub.f32 v48, v59;
	_ =	sdelay $0x1  }
0x14a: {  	v61 =	vld [tilespmem:$0x4B60];
	v48 =	vadd.f32 s15, v48;
	_ =	sdelay $0x1  }
0x14b: {  	vm7 =	veq.f32 v51, $0.0e+00;
	vm13 =	vlt.f32 v48, v60  }
0x14c: {  	vm4 =	vmand vm13, vm7  }
0x14d: {  	v48 =	vsel vm4, v48, v60  }
0x14e: {  	v49 =	vsel vm4, s14, v61;
	[tilespmem:$0x49E0] =	vst v48  }
0x14f: {  	v62 =	vld [tilespmem:$0x4870];
	[tilespmem:$0x4B60] =	vst v49  }
0x150: {  	v49 =	vld [tilespmem:s16+$0x70];
	_ =	sdelay $0x2  }
0x151: {  	v63 =	vld [tilespmem:$0x49F0]  }
0x152: {  	v52 =	vld [tilespmem:$0x4CF0]  }
0x153: {  	v49 =	vsub.f32 v49, v62;
	_ =	sdelay $0x1  }
0x154: {  	v56 =	vld [tilespmem:$0x4B70];
	v49 =	vadd.f32 s15, v49;
	_ =	sdelay $0x1  }
0x155: {  	vm8 =	veq.f32 v52, $0.0e+00;
	vm14 =	vlt.f32 v49, v63  }
0x156: {  	vm4 =	vmand vm14, vm8  }
0x157: {  	v49 =	vsel vm4, v49, v63  }
0x158: {  	v50 =	vsel vm4, s14, v56;
	[tilespmem:$0x49F0] =	vst v49  }
0x159: {  	v57 =	vld [tilespmem:$0x4880];
	[tilespmem:$0x4B70] =	vst v50  }
0x15a: {  	v50 =	vld [tilespmem:s16+$0x400];
	_ =	sdelay $0x2  }
0x15b: {  	v53 =	vld [tilespmem:$0x4D00]  }
0x15c: {  	v58 =	vld [tilespmem:$0x4A00]  }
0x15d: {  	v50 =	vsub.f32 v50, v57;
	_ =	sdelay $0x1  }
0x15e: {  	v59 =	vld [tilespmem:$0x4B80];
	v50 =	vadd.f32 s15, v50;
	_ =	sdelay $0x1  }
0x15f: {  	vm9 =	veq.f32 v53, $0.0e+00;
	vm15 =	vlt.f32 v50, v58  }
0x160: {  	vm4 =	vmand vm15, vm9  }
0x161: {  	v50 =	vsel vm4, v50, v58  }
0x162: {  	v51 =	vsel vm4, s14, v59;
	[tilespmem:$0x4A00] =	vst v50  }
0x163: {  	v61 =	vld [tilespmem:$0x4890];
	[tilespmem:$0x4B80] =	vst v51  }
0x164: {  	v51 =	vld [tilespmem:s16+$0x410];
	_ =	sdelay $0x2  }
0x165: {  	v54 =	vld [tilespmem:$0x4D10]  }
0x166: {  	v62 =	vld [tilespmem:$0x4A10]  }
0x167: {  	v51 =	vsub.f32 v51, v61;
	_ =	sdelay $0x1  }
0x168: {  	v63 =	vld [tilespmem:$0x4B90];
	v51 =	vadd.f32 s15, v51;
	_ =	sdelay $0x1  }
0x169: {  	vm3 =	veq.f32 v54, $0.0e+00;
	vm2 =	vlt.f32 v51, v62  }
0x16a: {  	vm4 =	vmand vm2, vm3  }
0x16b: {  	v51 =	vsel vm4, v51, v62  }
0x16c: {  	v52 =	vsel vm4, s14, v63;
	[tilespmem:$0x4A10] =	vst v51  }
0x16d: {  	v58 =	vld [tilespmem:$0x48A0];
	[tilespmem:$0x4B90] =	vst v52  }
0x16e: {  	v52 =	vld [tilespmem:s16+$0x420];
	_ =	sdelay $0x2  }
0x16f: {  	v55 =	vld [tilespmem:$0x4D20]  }
0x170: {  	v59 =	vld [tilespmem:$0x4A20]  }
0x171: {  	v52 =	vsub.f32 v52, v58  }
0x172: {  	v60 =	vimm.s32 $0x0  }
0x173: {  	v53 =	vsel vm9, $0xFFFFFFFF, v60;
	v60 =	vld [tilespmem:$0x4BA0];
	v52 =	vadd.f32 s15, v52;
	_ =	sdelay $0x1  }
0x174: {  	vm2 =	veq.f32 v55, $0.0e+00;
	vm12 =	vlt.f32 v52, v59  }
0x175: {  	vm4 =	vmand vm12, vm2  }
0x176: {  	[tilespmem:$0x1FF80] =	vst v53;
	v52 =	vsel vm4, v52, v59  }
0x177: {  	v53 =	vsel vm4, s14, v60;
	[tilespmem:$0x4A20] =	vst v52  }
0x178: {  	v62 =	vld [tilespmem:$0x48B0];
	[tilespmem:$0x4BA0] =	vst v53  }
0x179: {  	v53 =	vld [tilespmem:s16+$0x430];
	_ =	sdelay $0x2  }
0x17a: {  	v56 =	vld [tilespmem:$0x4D30]  }
0x17b: {  	v63 =	vld [tilespmem:$0x4A30]  }
0x17c: {  	v53 =	vsub.f32 v53, v62;
	_ =	sdelay $0x1  }
0x17d: {  	v60 =	vld [tilespmem:$0x4BB0];
	v53 =	vadd.f32 s15, v53;
	_ =	sdelay $0x1  }
0x17e: {  	vm14 =	veq.f32 v56, $0.0e+00;
	v57 =	vimm.s32 $0x0;
	vm13 =	vlt.f32 v53, v63  }
0x17f: {  	v54 =	vsel vm3, $0xFFFFFFFF, v57;
	vm4 =	vmand vm13, vm14  }
0x180: {  	[tilespmem:$0x1FF90] =	vst v54;
	v53 =	vsel vm4, v53, v63  }
0x181: {  	v54 =	vsel vm4, s14, v60;
	[tilespmem:$0x4A30] =	vst v53  }
0x182: {  	v62 =	vld [tilespmem:$0x48C0];
	[tilespmem:$0x4BB0] =	vst v54  }
0x183: {  	v54 =	vld [tilespmem:s16+$0x440];
	_ =	sdelay $0x2  }
0x184: {  	v57 =	vld [tilespmem:$0x4D40]  }
0x185: {  	v63 =	vld [tilespmem:$0x4A40]  }
0x186: {  	v54 =	vsub.f32 v54, v62;
	_ =	sdelay $0x1  }
0x187: {  	v59 =	vld [tilespmem:$0x4BC0];
	v54 =	vadd.f32 s15, v54;
	_ =	sdelay $0x1  }
0x188: {  	v61 =	vimm.s32 $0x0;
	vm3 =	veq.f32 v57, $0.0e+00;
	vm15 =	vlt.f32 v54, v63  }
0x189: {  	v55 =	vsel vm2, $0xFFFFFFFF, v61;
	vm4 =	vmand vm15, vm3  }
0x18a: {  	[tilespmem:$0x1FFA0] =	vst v55;
	v54 =	vsel vm4, v54, v63  }
0x18b: {  	v55 =	vsel vm4, s14, v59;
	[tilespmem:$0x4A40] =	vst v54  }
0x18c: {  	v60 =	vld [tilespmem:$0x48D0];
	[tilespmem:$0x4BC0] =	vst v55  }
0x18d: {  	v55 =	vld [tilespmem:s16+$0x450];
	_ =	sdelay $0x1  }
0x18e: {  	v61 =	vimm.s32 $0x0  }
0x18f: {  	v56 =	vsel vm14, $0xFFFFFFFF, v61;
	v61 =	vld [tilespmem:$0x4A50]  }
0x190: {  	v58 =	vld [tilespmem:$0x4D50]  }
0x191: {  	v55 =	vsub.f32 v55, v60;
	_ =	sdelay $0x1  }
0x192: {  	v62 =	vld [tilespmem:$0x4BD0];
	v55 =	vadd.f32 s15, v55;
	_ =	sdelay $0x1  }
0x193: {  	vm2 =	veq.f32 v58, $0.0e+00;
	vm9 =	vlt.f32 v55, v61  }
0x194: {  	vm4 =	vmand vm9, vm2  }
0x195: {  	[tilespmem:$0x1FFB0] =	vst v56;
	v55 =	vsel vm4, v55, v61  }
0x196: {  	v56 =	vsel vm4, s14, v62;
	[tilespmem:$0x4A50] =	vst v55  }
0x197: {  	v63 =	vld [tilespmem:$0x48E0];
	[tilespmem:$0x4BD0] =	vst v56  }
0x198: {  	v56 =	vld [tilespmem:s16+$0x460];
	_ =	sdelay $0x2  }
0x199: {  	v59 =	vld [tilespmem:$0x4D60]  }
0x19a: {  	v60 =	vld [tilespmem:$0x4A60]  }
0x19b: {  	v56 =	vsub.f32 v56, v63;
	_ =	sdelay $0x1  }
0x19c: {  	v61 =	vld [tilespmem:$0x4BE0];
	v56 =	vadd.f32 s15, v56;
	_ =	sdelay $0x1  }
0x19d: {  	vm13 =	veq.f32 v59, $0.0e+00;
	vm12 =	vlt.f32 v56, v60  }
0x19e: {  	vm4 =	vmand vm12, vm13  }
0x19f: {  	v56 =	vsel vm4, v56, v60  }
0x1a0: {  	v57 =	vsel vm4, s14, v61;
	[tilespmem:$0x4A60] =	vst v56  }
0x1a1: {  	v58 =	vld [tilespmem:$0x48F0];
	[tilespmem:$0x4BE0] =	vst v57  }
0x1a2: {  	v57 =	vld [tilespmem:s16+$0x470]  }
0x1a3: {  	v62 =	vimm.s32 $0x0  }
0x1a4: {  	v59 =	vsel vm13, $0xFFFFFFFF, v62  }
0x1a5: {  	[tilespmem:$0x1FFC0] =	vst v59;
	v59 =	vld [tilespmem:$0x4A70]  }
0x1a6: {  	v60 =	vld [tilespmem:$0x4D70]  }
0x1a7: {  	v57 =	vsub.f32 v57, v58;
	_ =	sdelay $0x1  }
0x1a8: {  	v58 =	vld [tilespmem:$0x4BF0];
	v57 =	vadd.f32 s15, v57;
	_ =	sdelay $0x1  }
0x1a9: {  	vm15 =	veq.f32 v60, $0.0e+00;
	vm14 =	vlt.f32 v57, v59  }
0x1aa: {  	vm4 =	vmand vm14, vm15  }
0x1ab: {  	v57 =	vsel vm4, v57, v59  }
0x1ac: {  	v58 =	vsel vm4, s14, v58;
	[tilespmem:$0x4A70] =	vst v57  }
0x1ad: {  	v59 =	vld [tilespmem:$0x4900];
	[tilespmem:$0x4BF0] =	vst v58  }
0x1ae: {  	v58 =	vld [tilespmem:s16+$0x800];
	_ =	sdelay $0x1  }
0x1af: {  	v42 =	vnsel vm1, $0x7F61B1E6, v42;
	v60 =	vimm.s32 $0x0  }
0x1b0: {  	vm1 =	vlt.f32 v42, $3.000000010e+38;
	v62 =	vimm.s32 $0x0;
	v61 =	vld [tilespmem:$0x4D80];
	v60 =	vsel vm15, $0xFFFFFFFF, v60  }
0x1b1: {  	v42 =	vnsel vm1, $0x7F61B1E6, v42;
	v43 =	vnsel vm10, $0x7F61B1E6, v43;
	v62 =	vsel vm1, $0xFFFFFFFF, v62;
	[tilespmem:$0x1FFD0] =	vst v60;
	v60 =	vld [tilespmem:$0x4A80]  }
0x1b2: {  	vm1 =	vlt.f32 v43, v42;
	v63 =	vimm.s32 $0x0;
	v58 =	vsub.f32 v58, v59  }
0x1b3: {  	v59 =	vsel vm1, $0xFFFFFFFF, v63  }
0x1b4: {  	[tilespmem:$0x1FFF0] =	vst v59;
	v59 =	vld [tilespmem:$0x4C00];
	v58 =	vadd.f32 s15, v58  }
0x1b5: {  	v42 =	vsel vm1, v43, v42  }
0x1b6: {  	[tilespmem:$0x1FFE0] =	vst v62;
	v62 =	vnsel vm11, $0x7F61B1E6, v44;
	vm12 =	veq.f32 v61, $0.0e+00;
	vm4 =	vlt.f32 v58, v60  }
0x1b7: {  	vm14 =	vlt.f32 v62, v42;
	vm1 =	vmand vm4, vm12  }
0x1b8: {  	v42 =	vsel vm14, v62, v42;
	v63 =	vnsel vm0, $0x7F61B1E6, v45;
	v43 =	vsel vm1, v58, v60  }
0x1b9: {  	vm13 =	vlt.f32 v63, v42;
	v60 =	vsel vm1, s14, v59;
	[tilespmem:$0x4A80] =	vst v43  }
0x1ba: {  	v42 =	vsel vm13, v63, v42;
	v63 =	vld [tilespmem:$0x4910];
	[tilespmem:$0x4C00] =	vst v60  }
0x1bb: {  	v46 =	vnsel vm5, $0x7F61B1E6, v46;
	v61 =	vld [tilespmem:s16+$0x810]  }
0x1bc: {  	vm11 =	vlt.f32 v46, v42  }
0x1bd: {  	v62 =	vnsel vm6, $0x7F61B1E6, v47;
	v42 =	vsel vm11, v46, v42  }
0x1be: {  	vm10 =	vlt.f32 v62, v42  }
0x1bf: {  	v45 =	vld [tilespmem:$0x4A90];
	v58 =	vnsel vm7, $0x7F61B1E6, v48;
	v42 =	vsel vm10, v62, v42  }
0x1c0: {  	vm9 =	vlt.f32 v58, v42;
	v44 =	vsub.f32 v61, v63;
	v61 =	vld [tilespmem:$0x1FF80]  }
0x1c1: {  	v59 =	vnsel vm8, $0x7F61B1E6, v49;
	v60 =	vld [tilespmem:$0x4D90];
	v42 =	vsel vm9, v58, v42  }
0x1c2: {  	v58 =	vld [tilespmem:$0x1FFA0];
	vm8 =	vlt.f32 v59, v42  }
0x1c3: {  	v42 =	vsel vm8, v59, v42;
	v59 =	vld [tilespmem:$0x1FFB0]  }
0x1c4: {  	v44 =	vadd.f32 s15, v44  }
0x1c5: {  	v63 =	vld [tilespmem:$0x1FF90];
	vm5 =	vnez.u8 v61  }
0x1c6: {  	vm1 =	veq.f32 v60, $0.0e+00;
	vm0 =	vlt.f32 v44, v45;
	v46 =	vnsel vm5, $0x7F61B1E6, v50  }
0x1c7: {  	vm15 =	vnez.u8 v58;
	vm0 =	vmand vm0, vm1;
	vm7 =	vlt.f32 v46, v42  }
0x1c8: {  	v42 =	vsel vm7, v46, v42;
	v46 =	vnsel vm15, $0x7F61B1E6, v52;
	vm15 =	vnez.u8 v59  }
0x1c9: {  	v44 =	vsel vm0, v44, v45;
	v45 =	vnsel vm15, $0x7F61B1E6, v53;
	v53 =	vld [tilespmem:$0x1FFC0]  }
0x1ca: {  	vm6 =	vnez.u8 v63  }
0x1cb: {  	v49 =	vnsel vm6, $0x7F61B1E6, v51  }
0x1cc: {  	vm6 =	vlt.f32 v49, v42  }
0x1cd: {  	v62 =	vld [tilespmem:$0x4C10];
	v42 =	vsel vm6, v49, v42  }
0x1ce: {  	vm5 =	vlt.f32 v46, v42;
	vm15 =	vnez.u8 v53  }
0x1cf: {  	v42 =	vsel vm5, v46, v42;
	v46 =	vnsel vm15, $0x7F61B1E6, v56;
	v56 =	vld [tilespmem:$0x1FFD0];
	_ =	sdelay $0x2  }
0x1d0: {  	v60 =	vsel vm0, s14, v62;
	[tilespmem:$0x4A90] =	vst v44  }
0x1d1: {  	v63 =	vld [tilespmem:$0x4920];
	[tilespmem:$0x4C10] =	vst v60  }
0x1d2: {  	v62 =	vld [tilespmem:s16+$0x820];
	vm4 =	vlt.f32 v45, v42;
	vm15 =	vnez.u8 v56  }
0x1d3: {  	v61 =	vnsel vm3, $0x7F61B1E6, v54;
	v42 =	vsel vm4, v45, v42;
	v50 =	vnsel vm15, $0x7F61B1E6, v57;
	v57 =	vld [tilespmem:$0x1FFE0]  }
0x1d4: {  	v58 =	vld [tilespmem:$0x1FFF0];
	vm3 =	vlt.f32 v61, v42  }
0x1d5: {  	v52 =	vnsel vm2, $0x7F61B1E6, v55;
	v42 =	vsel vm3, v61, v42  }
0x1d6: {  	v54 =	vld [tilespmem:$0x4DA0];
	vm2 =	vlt.f32 v52, v42  }
0x1d7: {  	v43 =	vnsel vm12, $0x7F61B1E6, v43;
	v44 =	vnsel vm1, $0x7F61B1E6, v44;
	v55 =	vld [tilespmem:$0x4AA0];
	v42 =	vsel vm2, v52, v42  }
0x1d8: {  	v45 =	vsub.f32 v62, v63;
	vm0 =	vlt.f32 v46, v42;
	vm12 =	vnez.u8 v57  }
0x1d9: {  	v42 =	vsel vm0, v46, v42;
	vm15 =	vnez.u8 v58;
	v46 =	vnsel vm12, $0x80000000, v2  }
0x1da: {  	v45 =	vadd.f32 s15, v45;
	vm12 =	vlt.f32 v50, v42;
	v46 =	vsel vm15, v3, v46  }
0x1db: {  	vm1 =	veq.f32 v54, $0.0e+00;
	v42 =	vsel vm12, v50, v42;
	v46 =	vsel vm14, v4, v46  }
0x1dc: {  	vm14 =	vlt.f32 v43, v42;
	v46 =	vsel vm13, v5, v46;
	vm13 =	vlt.f32 v45, v55  }
0x1dd: {  	v42 =	vsel vm14, v43, v42;
	v46 =	vsel vm11, v6, v46;
	vm11 =	vmand vm13, vm1  }
0x1de: {  	vm13 =	vlt.f32 v44, v42;
	v59 =	vsel vm10, v7, v46;
	v45 =	vsel vm11, v45, v55  }
0x1df: {  	v42 =	vsel vm13, v44, v42;
	v60 =	vnsel vm1, $0x7F61B1E6, v45;
	v43 =	vsel vm9, v8, v59  }
0x1e0: {  	v43 =	vsel vm8, v9, v43;
	vm1 =	vlt.f32 v60, v42  }
0x1e1: {  	v43 =	vsel vm7, v10, v43;
	v42 =	vsel vm1, v60, v42  }
0x1e2: {  	v43 =	vsel vm6, v11, v43;
	(xrf0) =	vmin.scan.msk.f32 $0xffff, v42  }
0x1e3: {  	v43 =	vsel vm5, v12, v43  }
0x1e4: {  	v43 =	vsel vm4, v13, v43  }
0x1e5: {  	v43 =	vsel vm3, v14, v43  }
0x1e6: {  	v43 =	vsel vm2, v15, v43  }
0x1e7: {  	v43 =	vsel vm0, v16, v43  }
0x1e8: {  	v43 =	vsel vm12, v18, v43;
	v61, _, _ =	vpop (xrf0)  }
0x1e9: {  	v43 =	vsel vm14, v19, v43;
	v62 =	vbroadcast v61, $0xF  }
0x1ea: {  	v43 =	vsel vm13, v20, v43  }
0x1eb: {  	v43 =	vsel vm1, v21, v43;
	vm15 =	veq.f32 v42, v62  }
0x1ec: {  	v42 =	vnsel vm15, $0xC0000000, v43  }
0x1ed: {  	(xrf0) =	vmin.scan.msk.u32 $0xffff, v42;
	_ =	sdelay $0x5  }
0x1ee: {  	(v2sf) =	vpush v61, $0xF;
	v42, _, _ =	vpop (xrf0)  }
0x1ef: {  	(v2sf) =	vpush v42, $0xF;
	_ =	sdelay $0xa  }
0x1f0: {  	v63 =	vld [tilespmem:$0x4C20];
	_ =	sdelay $0x2  }
0x1f1: {  	s15 =	spop (v2sf)  }
0x1f2: {  	s31 =	spop (v2sf)  }
0x1f3: {  	v42 =	vsel vm11, s14, v63;
	s14 =	sxor.u32 $0x80000000, s31  }
0x1f4: {  	s16 =	sld [smem:s14+$0x0];
	_ =	sdelay $0x2  }
0x1f5: {  	p0 =	seq.s32 s16, $0xFFFFFFFF  }
.Ltmp2:
0x1f6: {  	_ = 	snop;
	(pc) =	sbr.rel @!p0 .LBB2_5-.Ltmp2, $3  }
0x1f7: {  	_ =	sdelay $0x1  }
0x1f8: {  	[tilespmem:$0x4AA0] =	vst v45  }
0x1f9: {  	[tilespmem:$0x4C20] =	vst v42  }
.Ltmp3:
0x1fa: {  	_ = 	snop;
	(pc) =	sbr.rel .LBB2_6-.Ltmp3, $1  }
0x1fb: {  	_ =	sdelay $0x3  }
.LBB2_7:
0x1fc: {  	s16 =	sxor.u32 $0x80000000, s16  }
0x1fd: {  	s17 =	sld [smem:s16+$0x0];
	_ =	sdelay $0x2  }
0x1fe: {  	[smem:s14] =	sst s17  }
0x1ff: {  	[smem:s17+$0x180] =	sst s14;
	s14 =	smov.u32 s16  }
.LBB2_6:
0x200: {  	v42 =	vmov s14;
	_ =	sdelay $0x4  }
0x201: {  	v42 =	vld.idx.msk [tilespmem:v42+s8+$0x0], $0xffff;
	_ =	sdelay $0x4  }
0x202: {  	v42 =	vxor.u32 $0x80000000, v42  }
0x203: {  	(xrf0) =	vmin.scan.msk.u32 $0xffff, v42;
	_ =	sdelay $0x5  }
0x204: {  	v42, _, _ =	vpop (xrf0)  }
0x205: {  	(v2sf) =	vpush v42, $0xF;
	_ =	sdelay $0xe  }
0x206: {  	s16 =	spop (v2sf)  }
0x207: {  	p0 =	seq.s32 s16, $0x7FFFFFFE  }
.Ltmp4:
0x208: {  	_ = 	snop;
	(pc) =	sbr.rel @!p0 .LBB2_7-.Ltmp4, $1  }
0x209: {  	_ =	sdelay $0x3  }
0x20a: {  	[smem:s14] =	sst s13  }
0x20b: {  	[smem:s13+$0x180] =	sst s14;
	s13 =	sadd.s32 $0x1, s13  }
0x20c: {  	p0 =	sne.s32 s13, $0x28  }
.Ltmp5:
0x20d: {  	_ = 	snop;
	(pc) =	sbr.rel @p0 .LBB2_4-.Ltmp5, $1  }
0x20e: {  	_ =	sdelay $0x3  }
0x20f: {  	s13 =	sld [smem:$0x180]  }
0x210: {  	s14 =	simm.s32 $0x0  }
0x211: {  	v42 =	vmov s14  }
0x212: {  	v44 =	vshrl.u32 v42, $0x3;
	v43 =	vmov s13  }
0x213: {  	v44 =	vmul.u32 $0xC00, v44;
	v45 =	vshll.u32 v43, $0x3  }
0x214: {  	v42 =	vshll.u32 v42, $0x7;
	v43 =	vand.u32 $0x7F, v43;
	v45 =	vand.u32 $0xFFFFFC00, v45  }
0x215: {  	s16 =	sld [smem:$0x181];
	v42 =	vand.u32 $0x380, v42;
	v44 =	vadd.s32 v44, v45;
	v45 =	vor.u32 v43, v45  }
0x216: {  	s17 =	simm.s32 $0x1;
	v42 =	vor.u32 v42, v44;
	v56 =	vadd.s32 $0x3C00, v45  }
0x217: {  	v57 =	vmov s17;
	v42 =	vor.u32 v43, v42  }
0x218: {  	s19 =	simm.s32 $0x2;
	v46 =	vshrl.u32 v57, $0x3;
	v58 =	vmov s16  }
0x219: {  	v48 =	vmov s19;
	s18 =	sld [smem:$0x182];
	v46 =	vmul.u32 $0xC00, v46;
	v47 =	vshll.u32 v58, $0x3  }
0x21a: {  	v47 =	vand.u32 $0xFFFFFC00, v47;
	v45 =	vand.u32 $0x7F, v58;
	v43 =	vshll.u32 v57, $0x7  }
0x21b: {  	v46 =	vadd.s32 v46, v47;
	v47 =	vor.u32 v45, v47;
	v43 =	vand.u32 $0x380, v43;
	v44 =	vld.idx.msk [tilespmem:v56+s2+$0x0], $0xffff  }
0x21c: {  	v59 =	vmov s18;
	v47 =	vadd.s32 $0x3C00, v47;
	v43 =	vor.u32 v43, v46;
	v42 =	vld.idx.msk [tilespmem:v42+s2+$0x0], $0xffff  }
0x21d: {  	v49 =	vshrl.u32 v48, $0x3;
	v61 =	vshll.u32 v59, $0x3;
	v43 =	vor.u32 v45, v43  }
0x21e: {  	s21 =	simm.s32 $0x3;
	v60 =	vmul.u32 $0xC00, v49;
	v49 =	vand.u32 $0xFFFFFC00, v61;
	v46 =	vand.u32 $0x7F, v59;
	s20 =	sld [smem:$0x183]  }
0x21f: {  	v55 =	vmov s21;
	v48 =	vshll.u32 v48, $0x7;
	v52 =	vor.u32 v46, v49  }
0x220: {  	v63 =	vand.u32 $0x380, v48;
	v57 =	vshrl.u32 v55, $0x3;
	v54 =	vadd.s32 $0x3C00, v52;
	(xrf0) =	vmin.scan.msk.f32 $0xffff, v44  }
0x221: {  	v62 =	vadd.s32 v60, v49;
	v48 =	vmul.u32 $0xC00, v57;
	v53 =	vld.idx.msk [tilespmem:v47+s2+$0x0], $0xffff;
	v56 =	vmov s20;
	(xrf0) =	vmin.scan.msk.f32 $0xffff, v42  }
0x222: {  	v47 =	vshll.u32 v55, $0x7;
	v43 =	vld.idx.msk [tilespmem:v43+s2+$0x0], $0xffff;
	v44 =	vor.u32 v63, v62;
	v58 =	vshll.u32 v56, $0x3  }
0x223: {  	v44 =	vor.u32 v46, v44;
	v49 =	vand.u32 $0xFFFFFC00, v58;
	v46 =	vand.u32 $0x7F, v56  }
0x224: {  	v47 =	vand.u32 $0x380, v47;
	v48 =	vadd.s32 v48, v49;
	v49 =	vor.u32 v46, v49  }
0x225: {  	s22 =	sld [smem:$0x184];
	v45 =	vld.idx.msk [tilespmem:v54+s2+$0x0], $0xffff;
	v59 =	vor.u32 v47, v48;
	v61 =	vadd.s32 $0x3C00, v49  }
0x226: {  	v42 =	vor.u32 v46, v59;
	v50, _, _ =	vpop (xrf0);
	(xrf0) =	vmin.scan.msk.f32 $0xffff, v53  }
0x227: {  	v60, _, _ =	vpop (xrf0);
	(v2sf) =	vpush v50, $0xF;
	(xrf0) =	vmin.scan.msk.f32 $0xffff, v43  }
0x228: {  	v44 =	vld.idx.msk [tilespmem:v44+s2+$0x0], $0xffff;
	(v2sf) =	vpush v60, $0xF  }
0x229: {  	s23 =	simm.s32 $0x4  }
0x22a: {  	v62 =	vmov s23;
	s24 =	sld [smem:$0x185];
	(xrf0) =	vmin.scan.msk.f32 $0xffff, v45;
	v55 =	vld.idx.msk [tilespmem:v61+s2+$0x0], $0xffff  }
0x22b: {  	v52 =	vshrl.u32 v62, $0x3;
	v49 =	vshll.u32 v62, $0x7;
	v63 =	vmov s22;
	v42 =	vld.idx.msk [tilespmem:v42+s2+$0x0], $0xffff  }
0x22c: {  	v46 =	vmul.u32 $0xC00, v52;
	v49 =	vand.u32 $0x380, v49;
	v53 =	vshll.u32 v63, $0x3;
	v56, _, _ =	vpop (xrf0)  }
0x22d: {  	v47 =	vand.u32 $0xFFFFFC00, v53;
	v43 =	vand.u32 $0x7F, v63;
	(xrf0) =	vmin.scan.msk.f32 $0xffff, v44;
	(v2sf) =	vpush v56, $0xF;
	v59, _, _ =	vpop (xrf0)  }
0x22e: {  	v46 =	vadd.s32 v46, v47;
	v54 =	vor.u32 v43, v47;
	(v2sf) =	vpush v59, $0xF  }
0x22f: {  	v46 =	vor.u32 v49, v46;
	v57 =	vadd.s32 $0x3C00, v54;
	s26 =	sld [smem:$0x186];
	(xrf0) =	vmin.scan.msk.f32 $0xffff, v55  }
0x230: {  	v43 =	vor.u32 v43, v46;
	v52, _, _ =	vpop (xrf0);
	(xrf0) =	vmin.scan.msk.f32 $0xffff, v42;
	_ =	sdelay $0x1  }
0x231: {  	v60 =	vmov s24  }
0x232: {  	s25 =	simm.s32 $0x5;
	v63 =	vshll.u32 v60, $0x3;
	(v2sf) =	vpush v52, $0xF;
	v53, _, _ =	vpop (xrf0)  }
0x233: {  	v58 =	vmov s25;
	v44 =	vld.idx.msk [tilespmem:v57+s2+$0x0], $0xffff;
	(v2sf) =	vpush v53, $0xF  }
0x234: {  	v61 =	vshrl.u32 v58, $0x3;
	v55 =	vld.idx.msk [tilespmem:v43+s2+$0x0], $0xffff;
	s15 =	sld [smem:$0x187];
	v51, _, _ =	vpop (xrf0)  }
0x235: {  	v62 =	vmul.u32 $0xC00, v61;
	v49 =	vand.u32 $0xFFFFFC00, v63;
	s29 =	spop (v2sf);
	v63, _, _ =	vpop (xrf0);
	(v2sf) =	vpush v51, $0xF  }
0x236: {  	v45 =	vshll.u32 v58, $0x7;
	v46 =	vand.u32 $0x7F, v60;
	s31 =	spop (v2sf);
	(v2sf) =	vpush v63, $0xF  }
0x237: {  	s28 =	simm.s32 $0x6;
	v45 =	vand.u32 $0x380, v45;
	v48 =	vadd.s32 v62, v49;
	v49 =	vor.u32 v46, v49  }
0x238: {  	v56 =	vmov s28;
	v45 =	vor.u32 v45, v48;
	v54 =	vadd.s32 $0x3C00, v49  }
0x239: {  	v58 =	vshrl.u32 v56, $0x3;
	v45 =	vor.u32 v46, v45;
	v57 =	vmov s26  }
0x23a: {  	v46 =	vmul.u32 $0xC00, v58;
	v59 =	vshll.u32 v57, $0x3  }
0x23b: {  	v43 =	vshll.u32 v56, $0x7;
	v61 =	vand.u32 $0xFFFFFC00, v59;
	s30 =	ssub.f32 $1.000000000e+00, s29  }
0x23c: {  	v43 =	vand.u32 $0x380, v43;
	v60 =	vand.u32 $0x7F, v57;
	v46 =	vadd.s32 v46, v61;
	s13 =	sadd.f32 $1.000000000e+00, s31  }
0x23d: {  	s17 =	simm.s32 $0x7;
	s16 =	simm.s32 $0x8;
	s18 =	simm.f32 $0.0e+00;
	(xrf0) =	vmin.scan.msk.f32 $0xffff, v44;
	v49 =	vor.u32 v60, v61;
	v42 =	vld.idx.msk [tilespmem:v54+s2+$0x0], $0xffff;
	v62 =	vor.u32 v43, v46  }
0x23e: {  	(xrf0) =	vmin.scan.msk.f32 $0xffff, v55;
	v44 =	vadd.s32 $0x3C00, v49;
	v43 =	vld.idx.msk [tilespmem:v45+s2+$0x0], $0xffff;
	v46 =	vmov s17;
	s17 =	simm.s32 $0x188;
	v45 =	vor.u32 v60, v62;
	s14 =	smul.f32 $-1.000000010e-01, s30;
	s13 =	sadd.f32 s13, s18  }
.LBB2_10:
0x23f: {  	v47 =	vmov s15;
	s15 =	sld [smem:s17+$0x0];
	v48 =	vshrl.u32 v46, $0x3;
	s18 =	smov.u32 s16  }
0x240: {  	p0 =	sne.s32 s16, $0x27;
	s19 =	spop (v2sf)  }
.Ltmp6:
0x241: {  	v48 =	vmul.u32 $0xC00, v48;
	v49 =	vshll.u32 v47, $0x3;
	s13 =	sadd.f32 s14, s13;
	(pc) =	sbr.rel @p0 .LBB2_10-.Ltmp6, $4  }
0x242: {  	v46 =	vshll.u32 v46, $0x7;
	v47 =	vand.u32 $0x7F, v47;
	v52 =	vand.u32 $0xFFFFFC00, v49;
	s14 =	ssub.f32 $1.000000000e+00, s19;
	s19 =	spop (v2sf)  }
0x243: {  	s16 =	sadd.s32 $0x1, s16;
	v46 =	vand.u32 $0x380, v46;
	v48 =	vadd.s32 v48, v52;
	v51 =	vor.u32 v47, v52;
	(xrf0) =	vmin.scan.msk.f32 $0xffff, v42;
	v42 =	vld.idx.msk [tilespmem:v44+s2+$0x0], $0xffff;
	v50, _, _ =	vpop (xrf0);
	s19 =	sadd.f32 $1.000000000e+00, s19  }
0x244: {  	v48 =	vor.u32 v46, v48;
	v44 =	vadd.s32 $0x3C00, v51;
	(xrf0) =	vmin.scan.msk.f32 $0xffff, v43;
	v43 =	vld.idx.msk [tilespmem:v45+s2+$0x0], $0xffff;
	v49, _, _ =	vpop (xrf0);
	(v2sf) =	vpush v50, $0xF  }
0x245: {  	s17 =	sadd.s32 $0x1, s17;
	v46 =	vmov s18;
	s14 =	smul.f32 $-1.000000010e-01, s14;
	v45 =	vor.u32 v47, v48;
	(v2sf) =	vpush v49, $0xF;
	s13 =	sadd.f32 s19, s13  }
0x246: {  	v47 =	vmov s15;
	v48 =	vshrl.u32 v46, $0x3  }
0x247: {  	v49 =	vshll.u32 v47, $0x3;
	v48 =	vmul.u32 $0xC00, v48  }
0x248: {  	v57 =	vshll.u32 v46, $0x7;
	v47 =	vand.u32 $0x7F, v47;
	v49 =	vand.u32 $0xFFFFFC00, v49  }
0x249: {  	v46 =	vand.u32 $0x380, v57;
	v50 =	vor.u32 v47, v49;
	v48 =	vadd.s32 v48, v49  }
0x24a: {  	v58 =	vadd.s32 $0x3C00, v50;
	v46 =	vor.u32 v46, v48  }
0x24b: {  	v44 =	vld.idx.msk [tilespmem:v44+s2+$0x0], $0xffff;
	v41 =	vsub.f32 $1.000000000e+00, v41;
	v46 =	vor.u32 v47, v46  }
0x24c: {  	v45 =	vld.idx.msk [tilespmem:v45+s2+$0x0], $0xffff;
	(xrf0) =	vmin.scan.msk.f32 $0xffff, v42  }
0x24d: {  	v40 =	vsub.f32 $1.000000000e+00, v40;
	(xrf2) =	vadd.scan.msk.f32 $0xffff, v41  }
0x24e: {  	(xrf0) =	vmin.scan.msk.f32 $0xffff, v43  }
0x24f: {  	(xrf2) =	vadd.scan.msk.f32 $0xffff, v40;
	v59 =	vld.idx.msk [tilespmem:v58+s2+$0x0], $0xffff  }
0x250: {  	(xrf0) =	vmin.scan.msk.f32 $0xffff, v44;
	v60 =	vld.idx.msk [tilespmem:v46+s2+$0x0], $0xffff  }
0x251: {  	v39 =	vsub.f32 $1.000000000e+00, v39;
	(xrf0) =	vmin.scan.msk.f32 $0xffff, v45  }
0x252: {  	v61, _, _ =	vpop (xrf0)  }
0x253: {  	v62, _, _ =	vpop (xrf0);
	(xrf2) =	vadd.scan.msk.f32 $0xffff, v39  }
0x254: {  	v38 =	vsub.f32 $1.000000000e+00, v38;
	v63, _, _ =	vpop (xrf0);
	(xrf0) =	vmin.scan.msk.f32 $0xffff, v59  }
0x255: {  	(v2sf) =	vpush v61, $0xF;
	v44, _, _ =	vpop (xrf0);
	(xrf0) =	vmin.scan.msk.f32 $0xffff, v60  }
0x256: {  	v37 =	vsub.f32 $1.000000000e+00, v37;
	(v2sf) =	vpush v62, $0xF;
	(xrf2) =	vadd.scan.msk.f32 $0xffff, v38;
	v45, _, _ =	vpop (xrf0)  }
0x257: {  	(v2sf) =	vpush v63, $0xF;
	v46, _, _ =	vpop (xrf0)  }
0x258: {  	(v2sf) =	vpush v44, $0xF;
	v49, _, _ =	vpop (xrf2);
	(xrf2) =	vadd.scan.msk.f32 $0xffff, v37  }
0x259: {  	v36 =	vsub.f32 $1.000000000e+00, v36;
	(v2sf) =	vpush v45, $0xF;
	v50, _, _ =	vpop (xrf2)  }
0x25a: {  	(v2sf) =	vpush v46, $0xF;
	v47, _, _ =	vpop (xrf0)  }
0x25b: {  	v35 =	vsub.f32 $1.000000000e+00, v35;
	(xrf2) =	vadd.scan.msk.f32 $0xffff, v36;
	v48, _, _ =	vpop (xrf0);
	(v2sf) =	vpush v47, $0xF  }
0x25c: {  	(v2sf) =	vpush v48, $0xF  }
0x25d: {  	v51, _, _ =	vpop (xrf2);
	(xrf2) =	vadd.scan.msk.f32 $0xffff, v35;
	(v2sf) =	vpush v49, $0xF  }
0x25e: {  	s23 =	spop (v2sf);
	v34 =	vsub.f32 $1.000000000e+00, v34;
	(v2sf) =	vpush v50, $0xF  }
0x25f: {  	s24 =	spop (v2sf)  }
0x260: {  	v33 =	vsub.f32 $1.000000000e+00, v33;
	s25 =	spop (v2sf);
	v52, _, _ =	vpop (xrf2);
	(xrf2) =	vadd.scan.msk.f32 $0xffff, v34;
	(v2sf) =	vpush v51, $0xF  }
0x261: {  	s26 =	spop (v2sf)  }
0x262: {  	s21 =	spop (v2sf);
	v53, _, _ =	vpop (xrf2);
	(xrf2) =	vadd.scan.msk.f32 $0xffff, v33;
	(v2sf) =	vpush v52, $0xF  }
0x263: {  	v32 =	vsub.f32 $1.000000000e+00, v32;
	s28 =	sadd.f32 s14, s13;
	s22 =	spop (v2sf)  }
0x264: {  	s23 =	ssub.f32 $1.000000000e+00, s23;
	s19 =	spop (v2sf);
	(v2sf) =	vpush v53, $0xF  }
0x265: {  	v31 =	vsub.f32 $1.000000000e+00, v31;
	s24 =	sadd.f32 $1.000000000e+00, s24;
	s20 =	spop (v2sf);
	v54, _, _ =	vpop (xrf2);
	(xrf2) =	vadd.scan.msk.f32 $0xffff, v32  }
0x266: {  	s23 =	smul.f32 $-1.000000010e-01, s23;
	s17 =	spop (v2sf);
	(v2sf) =	vpush v54, $0xF  }
0x267: {  	s25 =	ssub.f32 $1.000000000e+00, s25;
	v55, _, _ =	vpop (xrf2);
	(xrf2) =	vadd.scan.msk.f32 $0xffff, v31;
	s18 =	spop (v2sf)  }
0x268: {  	v30 =	vsub.f32 $1.000000000e+00, v30;
	s24 =	sadd.f32 s24, s28;
	s15 =	spop (v2sf);
	(v2sf) =	vpush v55, $0xF  }
0x269: {  	s26 =	sadd.f32 $1.000000000e+00, s26;
	s16 =	spop (v2sf)  }
0x26a: {  	v29 =	vsub.f32 $1.000000000e+00, v29;
	s23 =	sadd.f32 s23, s24;
	v56, _, _ =	vpop (xrf2);
	(xrf2) =	vadd.scan.msk.f32 $0xffff, v30;
	s13 =	spop (v2sf)  }
0x26b: {  	s25 =	smul.f32 $-1.000000010e-01, s25;
	s14 =	spop (v2sf)  }
0x26c: {  	s23 =	sadd.f32 s26, s23;
	v57, _, _ =	vpop (xrf2);
	(xrf2) =	vadd.scan.msk.f32 $0xffff, v29;
	s30 =	spop (v2sf)  }
0x26d: {  	v28 =	vsub.f32 $1.000000000e+00, v28;
	s29 =	spop (v2sf);
	(v2sf) =	vpush v56, $0xF  }
0x26e: {  	s23 =	sadd.f32 s25, s23  }
0x26f: {  	v27 =	vsub.f32 $1.000000000e+00, v27;
	v58, _, _ =	vpop (xrf2);
	(xrf2) =	vadd.scan.msk.f32 $0xffff, v28;
	s28 =	sadd.f32 $0.0e+00, s30;
	s31 =	spop (v2sf);
	(v2sf) =	vpush v57, $0xF  }
0x270: {  	s21 =	ssub.f32 $1.000000000e+00, s21  }
0x271: {  	v59, _, _ =	vpop (xrf2);
	(xrf2) =	vadd.scan.msk.f32 $0xffff, v27;
	s28 =	sadd.f32 s29, s28;
	s29 =	spop (v2sf);
	(v2sf) =	vpush v58, $0xF  }
0x272: {  	s22 =	sadd.f32 $1.000000000e+00, s22  }
0x273: {  	v26 =	vsub.f32 $1.000000000e+00, v26;
	s30 =	spop (v2sf);
	(v2sf) =	vpush v59, $0xF  }
0x274: {  	s21 =	smul.f32 $-1.000000010e-01, s21;
	s22 =	sadd.f32 s22, s23;
	v60, _, _ =	vpop (xrf2)  }
0x275: {  	v25 =	vsub.f32 $1.000000000e+00, v25;
	(xrf2) =	vadd.scan.msk.f32 $0xffff, v26;
	s24 =	sadd.f32 s31, s28;
	s31 =	spop (v2sf);
	(v2sf) =	vpush v60, $0xF  }
0x276: {  	v61, _, _ =	vpop (xrf2)  }
0x277: {  	v24 =	vsub.f32 $1.000000000e+00, v24;
	s21 =	sadd.f32 s21, s22;
	(xrf2) =	vadd.scan.msk.f32 $0xffff, v25;
	s26 =	spop (v2sf);
	(v2sf) =	vpush v61, $0xF  }
0x278: {  	s24 =	sadd.f32 s29, s24  }
0x279: {  	v23 =	vsub.f32 $1.000000000e+00, v23;
	s19 =	ssub.f32 $1.000000000e+00, s19;
	v62, _, _ =	vpop (xrf2);
	(xrf2) =	vadd.scan.msk.f32 $0xffff, v24  }
0x27a: {  	s24 =	sadd.f32 s30, s24  }
0x27b: {  	s20 =	sadd.f32 $1.000000000e+00, s20;
	v63, _, _ =	vpop (xrf2);
	(xrf2) =	vadd.scan.msk.f32 $0xffff, v23  }
0x27c: {  	s24 =	sadd.f32 s31, s24;
	s28 =	spop (v2sf);
	(v2sf) =	vpush v62, $0xF  }
0x27d: {  	s19 =	smul.f32 $-1.000000010e-01, s19;
	s20 =	sadd.f32 s20, s21  }
0x27e: {  	s23 =	sadd.f32 s26, s24;
	s29 =	spop (v2sf);
	(v2sf) =	vpush v63, $0xF  }
0x27f: {  	s19 =	sadd.f32 s19, s20;
	v23, _, _ =	vpop (xrf2)  }
0x280: {  	s23 =	sadd.f32 s28, s23;
	s30 =	spop (v2sf);
	(v2sf) =	vpush v23, $0xF  }
0x281: {  	s17 =	ssub.f32 $1.000000000e+00, s17;
	v23, _, _ =	vpop (xrf2)  }
0x282: {  	s22 =	sadd.f32 s29, s23;
	s31 =	spop (v2sf);
	(v2sf) =	vpush v23, $0xF  }
0x283: {  	s18 =	sadd.f32 $1.000000000e+00, s18;
	v23, _, _ =	vpop (xrf2)  }
0x284: {  	s21 =	sadd.f32 s30, s22;
	s22 =	spop (v2sf);
	(v2sf) =	vpush v23, $0xF  }
0x285: {  	s18 =	sadd.f32 s18, s19;
	v23, _, _ =	vpop (xrf2)  }
0x286: {  	s23 =	spop (v2sf);
	(v2sf) =	vpush v23, $0xF;
	s21 =	sadd.f32 s31, s21  }
0x287: {  	s15 =	ssub.f32 $1.000000000e+00, s15  }
0x288: {  	s20 =	sadd.f32 s22, s21  }
0x289: {  	s17 =	smul.f32 $-1.000000010e-01, s17;
	s16 =	sadd.f32 $1.000000000e+00, s16  }
0x28a: {  	s19 =	sadd.f32 s23, s20  }
0x28b: {  	s17 =	sadd.f32 s17, s18;
	s24 =	spop (v2sf)  }
0x28c: {  	s15 =	smul.f32 $-1.000000010e-01, s15;
	s19 =	sadd.f32 s24, s19  }
0x28d: {  	s16 =	sadd.f32 s16, s17;
	s25 =	spop (v2sf)  }
0x28e: {  	s18 =	sadd.f32 s25, s19  }
0x28f: {  	s15 =	sadd.f32 s15, s16;
	s26 =	spop (v2sf)  }
0x290: {  	s17 =	sadd.f32 s26, s18  }
0x291: {  	s13 =	ssub.f32 $1.000000000e+00, s13;
	s28 =	spop (v2sf)  }
0x292: {  	s17 =	sadd.f32 s28, s17  }
0x293: {  	s14 =	sadd.f32 $1.000000000e+00, s14;
	s29 =	spop (v2sf)  }
0x294: {  	s16 =	sadd.f32 s29, s17  }
0x295: {  	s14 =	sadd.f32 s14, s15;
	s30 =	spop (v2sf)  }
0x296: {  	s13 =	smul.f32 $-1.000000010e-01, s13;
	s15 =	sadd.f32 s30, s16  }
0x297: {  	_ = 	snop  }
0x298: {  	s13 =	sadd.f32 s13, s14;
	s31 =	smul.f32 $1.000000010e-01, s15  }
0x299: {  	_ = 	snop  }
0x29a: {  	s13 =	sadd.f32 s13, s31  }
0x29b: {  	s12 =	sadd.s32 $0x1, s12  }
0x29c: {  	p0 =	sne.s32 s12, s5;
	v23 =	vmov s13  }
.Ltmp7:
0x29d: {  	[tilespmem:$0x4E00] =	vst v23;
	(pc) =	sbr.rel @p0 .LBB2_1-.Ltmp7, $4  }
0x29e: {  	[hbm4b:s4+s2] =	stream.linear.scatter [tilespmem:s9], [sflag:$0x1], $0x80, $0x38;
	[tilespmem:$0x4E80] =	vst v63  }
0x29f: {  	_ =	swait.ge [sflag:s6], $0x80  }
0x2a0: {  	[sflag:s6] =	ssyncset.done $0x0  }
0x2a1: {  	[sflag:s6] =	ssyncadd.s32 $0xFFFFFF80  }
0x2a2: {  	_ =	sfence.sel $0x180000  }
0x2a3: {  	[bflag:$0x0] =	sbarrier.arrive $0xFFFF  }
0x2a4: {  	p0 =	sne.s32 s0, $0x0;
	_ =	strace $0x90000047  }
0x2a5: {  	s0 =	sadd.s32 @!p0 $0x100000, s1;
	[bflag:$0x2] =	sbarrier.arrive $0xFFFF  }
0x2a6: {  	[sflag:s0] =	ssyncadd.tile.s32 @!p0 $0x1;
	_ =	shalt  }
.Lfunc_end2:
_tile_overlayer_lowered:
.L_overlay_start_2:
0x2a7: {  	(tag) =	ssettag $0x2  }
0x2a8: {  	s0 =	rddreg [dreg:$0x0];
	s2 =	stileid.u32  }
0x2a9: {  	s1 =	rddreg [dreg:$0x1];
	p0 =	sne.s32 s2, $0x0  }
0x2aa: {  	s3 =	rddreg [dreg:$0x2];
	[bflag:$0x3] =	sbarrier.arrive $0xFFFF;
	s2 =	simm.s32 @!p0 $0x1C02  }
0x2ab: {  	[timem:s3], [sflag:s2] =	dma.local @!p0 [hbm:s0], s1  }
0x2ac: {  	s0 =	simm.s32 @!p0 $0x2  }
0x2ad: {  	_ =	swait.ge @!p0 [sflag:s0], s1  }
0x2ae: {  	s1 =	ssub.s32 @!p0 $0x0, s1;
	[sflag:s0] =	ssyncset.done @!p0 $0x0  }
0x2af: {  	[sflag:s0] =	ssyncadd.s32 @!p0 s1  }
0x2b0: {  	[bflag:$0x3] =	sbarrier.arrive $0xFFFF  }
0x2b1: {  	_ =	shalt  }

</sc_bundles>
